<compile_context>
chip_gen: v7x
topology: tpu7x:2x2x1
jax: 0.10.2.dev20260603
libtpu: 0.0.44.dev20260713+nightly
codegen_flags: <defaults>
</compile_context>

<pallas_src>
import functools
import jax
import jax.numpy as jnp
from jax import lax
from jax.experimental import pallas as pl
from jax.experimental.pallas import tpu as pltpu
from jax.experimental.pallas import tpu_sc as plsc

_NC = 2
_NS = 16
_NW = _NC * _NS
_B = 16384
_D = 128
_BPW = _B // _NW
_CH = 64
_NCHUNK = _BPW // _CH
_NPAIR = _NCHUNK // 2
_NBUF = 2
_GRP = _CH // 16
_PSTRIDE = 17


def _mf_body(uids, iids, uemb, qemb, gbias, out,
             uidx_v, iidx_v, out_v, pbuf_v,
             urows0, urows1, qrows0, qrows1,
             gb_v, sem0, sem1, sem_b):
    urows = (urows0, urows1)
    qrows = (qrows0, qrows1)
    sems = (sem0, sem1)

    cid = lax.axis_index("c")
    sid = lax.axis_index("s")
    wid = sid * _NC + cid
    base = wid * _BPW
    lanes = lax.iota(jnp.int32, 16)
    lanes_p = lanes * _PSTRIDE
    zeros16 = jnp.zeros((16,), jnp.int32)

    cu_ids = pltpu.async_copy(uids.at[pl.ds(base, _BPW)], uidx_v, sem_b)
    ci_ids = pltpu.async_copy(iids.at[pl.ds(base, _BPW)], iidx_v, sem_b)
    cgb = pltpu.async_copy(gbias, gb_v, sem_b)
    cu_ids.wait()
    ci_ids.wait()

    def issue(c, b):
        pltpu.async_copy(
            uemb.at[uidx_v.at[pl.ds(c * _CH, _CH)]], urows[b], sems[b])
        pltpu.async_copy(
            qemb.at[iidx_v.at[pl.ds(c * _CH, _CH)]], qrows[b], sems[b])

    def drain(b):
        pltpu.make_async_copy(
            uemb.at[uidx_v.at[pl.ds(0, _CH)]], urows[b], sems[b]).wait()
        pltpu.make_async_copy(
            qemb.at[iidx_v.at[pl.ds(0, _CH)]], qrows[b], sems[b]).wait()

    issue(0, 0)
    issue(1, 1)
    cgb.wait()
    mu = plsc.load_gather(gb_v, [zeros16])

    def compute_chunk(cdyn, b):
        ur = urows[b]
        qr = qrows[b]

        def grp(g, carry):
            rbase = g * 16
            for r in range(16):
                row = rbase + r
                p = ur[row, pl.ds(0, 16)] * qr[row, pl.ds(0, 16)]
                for k in range(1, 8):
                    p = p + (ur[row, pl.ds(k * 16, 16)]
                             * qr[row, pl.ds(k * 16, 16)])
                pbuf_v[pl.ds(r * _PSTRIDE, 16)] = p
            acc = plsc.load_gather(pbuf_v, [lanes_p])
            for col in range(1, 16):
                acc = acc + plsc.load_gather(pbuf_v, [lanes_p + col])
            out_v[pl.ds(cdyn * _CH + rbase, 16)] = acc + mu
            return carry

        lax.fori_loop(0, _GRP, grp, 0)

    def pair(i, carry):
        drain(0)
        compute_chunk(2 * i, 0)

        @pl.when(i < _NPAIR - 1)
        def _():
            issue(2 * i + 2, 0)

        drain(1)
        compute_chunk(2 * i + 1, 1)

        @pl.when(i < _NPAIR - 1)
        def _():
            issue(2 * i + 3, 1)

        return carry

    lax.fori_loop(0, _NPAIR, pair, 0)
    pltpu.sync_copy(out_v, out.at[pl.ds(base, _BPW)])


@functools.partial(
    pl.kernel,
    out_type=jax.ShapeDtypeStruct((_B,), jnp.float32),
    mesh=plsc.VectorSubcoreMesh(core_axis_name="c", subcore_axis_name="s"),
    compiler_params=pltpu.CompilerParams(needs_layout_passes=False),
    scratch_types=[
        pltpu.VMEM((_BPW,), jnp.int32),
        pltpu.VMEM((_BPW,), jnp.int32),
        pltpu.VMEM((_BPW,), jnp.float32),
        pltpu.VMEM((16 * _PSTRIDE,), jnp.float32),
        pltpu.VMEM((_CH, _D), jnp.float32),
        pltpu.VMEM((_CH, _D), jnp.float32),
        pltpu.VMEM((_CH, _D), jnp.float32),
        pltpu.VMEM((_CH, _D), jnp.float32),
        pltpu.VMEM((1,), jnp.float32),
        pltpu.SemaphoreType.DMA,
        pltpu.SemaphoreType.DMA,
        pltpu.SemaphoreType.DMA,
    ],
)
def _mf_kernel(*refs):
    _mf_body(*refs)


def kernel(user_ids, item_ids, user_emb, item_emb, user_bias, item_bias,
           global_bias):
    del user_bias, item_bias
    return _mf_kernel(user_ids, item_ids, user_emb, item_emb, global_bias)

# --- scband reference (transcript-rebuilt; emitter-appended) ---
"""Pipeline reference for scband-simple-matrix-factorization-69612829933932 (READ-ONLY COPY).

The authoritative reference and input builder live on the scoring server;
editing this copy changes nothing except your own understanding.
"""

import jax, jax.numpy as jnp
import numpy as np

N_USERS = 100000
N_ITEMS = 100000
D = 128
B = 16384


def setup_inputs(seed: int = 0) -> dict:
    key = jax.random.key(seed)
    k1, k2, k3, k4 = jax.random.split(key, 4)
    user_ids = jax.random.randint(k1, (B,), 0, N_USERS, dtype=jnp.int64) if jax.config.jax_enable_x64 else jax.random.randint(k1, (B,), 0, N_USERS, dtype=jnp.int32)
    item_ids = jax.random.randint(k2, (B,), 0, N_ITEMS, dtype=jnp.int32)
    user_ids = user_ids.astype(jnp.int32)
    user_emb = jax.random.normal(k3, (N_USERS, D), dtype=jnp.float32) * 0.01
    item_emb = jax.random.normal(k4, (N_ITEMS, D), dtype=jnp.float32) * 0.01
    user_bias = jnp.zeros((N_USERS, 1), dtype=jnp.float32)
    item_bias = jnp.zeros((N_ITEMS, 1), dtype=jnp.float32)
    global_bias = jnp.zeros((1,), dtype=jnp.float32)
    return {
        "user_ids": user_ids,
        "item_ids": item_ids,
        "user_emb": user_emb,
        "item_emb": item_emb,
        "user_bias": user_bias,
        "item_bias": item_bias,
        "global_bias": global_bias,
    }


def reference(user_ids, item_ids, user_emb, item_emb, user_bias, item_bias, global_bias):
    # r_hat = mu + b_u + b_i + p_u^T q_i
    p_u = jnp.take(user_emb, user_ids, axis=0)          # [B, D]
    q_i = jnp.take(item_emb, item_ids, axis=0)          # [B, D]
    b_u = jnp.take(user_bias, user_ids, axis=0).squeeze()  # [B]
    b_i = jnp.take(item_bias, item_ids, axis=0).squeeze()  # [B]
    interaction = jnp.sum(p_u * q_i, axis=1)            # [B]
    prediction = global_bias + b_u + b_i + interaction  # [B] via broadcast of [1]
    return prediction

if __name__ == "__main__":
    import jax
    _d = setup_inputs()
    print(jax.jit(kernel)(*tuple(_d.values())))

</pallas_src>

<mosaic_0001>
#map = affine_map<(d0, d1) -> (0)>
#map1 = affine_map<(d0, d1) -> (0, 0)>
module attributes {stable_mosaic.version = 14 : i64} {
  func.func @_mf_kernel(%arg0: i32, %arg1: i32, %arg2: memref<16384xi32, #tpu.memory_space<hbm>>, %arg3: memref<16384xi32, #tpu.memory_space<hbm>>, %arg4: memref<100000x128xf32, #tpu.memory_space<hbm>>, %arg5: memref<100000x128xf32, #tpu.memory_space<hbm>>, %arg6: memref<1xf32, #tpu.memory_space<hbm>>, %arg7: memref<16384xf32, #tpu.memory_space<hbm>>, %arg8: memref<512xi32, #tpu.memory_space<vmem>>, %arg9: memref<512xi32, #tpu.memory_space<vmem>>, %arg10: memref<512xf32, #tpu.memory_space<vmem>>, %arg11: memref<272xf32, #tpu.memory_space<vmem>>, %arg12: memref<64x128xf32, #tpu.memory_space<vmem>>, %arg13: memref<64x128xf32, #tpu.memory_space<vmem>>, %arg14: memref<64x128xf32, #tpu.memory_space<vmem>>, %arg15: memref<64x128xf32, #tpu.memory_space<vmem>>, %arg16: memref<1xf32, #tpu.memory_space<vmem>>, %arg17: memref<!tpu.dma_semaphore, #tpu.memory_space<semaphore_mem>>, %arg18: memref<!tpu.dma_semaphore, #tpu.memory_space<semaphore_mem>>, %arg19: memref<!tpu.dma_semaphore, #tpu.memory_space<semaphore_mem>>) attributes {dimension_semantics = [#tpu.dimension_semantics<core_parallel>, #tpu.dimension_semantics<subcore_parallel>], iteration_bounds = array<i64: 2, 16>, scalar_prefetch = 0 : i64, scratch_operands = 12 : i64, tpu.core_type = #tpu.core_type<sc_vector_subcore>, window_params = [{transform_indices = #map}, {transform_indices = #map}, {transform_indices = #map1}, {transform_indices = #map1}, {transform_indices = #map}, {transform_indices = #map}]} {
    %mul3A = arith.constant 2 : i32
    %mul3A_0 = arith.muli %arg1, %mul3A : i32
    %add3A = arith.addi %mul3A_0, %arg0 : i32
    %mul3A_1 = arith.constant 512 : i32
    %mul3A_2 = arith.muli %add3A, %mul3A_1 : i32
    %iota3A = tpu.iota {dimensions = array<i32: 0>} : vector<16xi32>
    %mul3A_3 = arith.constant 17 : i32
    %mul3A_4 = vector.broadcast %mul3A_3 : i32 to vector<16xi32>
    %mul3A_5 = arith.muli %iota3A, %mul3A_4 : vector<16xi32>
    %broadcast_in_dim3A = arith.constant 0 : i32
    %broadcast_in_dim3A_6 = vector.broadcast %broadcast_in_dim3A : i32 to vector<16xi32>
    %dma_start3A = tpu.memref_slice %arg2[%mul3A_2] : memref<16384xi32, #tpu.memory_space<hbm>> -> memref<512xi32, #tpu.memory_space<hbm>>
    %dma_start3A_7 = tpu.memref_slice %arg2[%mul3A_2] : memref<16384xi32, #tpu.memory_space<hbm>> -> memref<512xi32, #tpu.memory_space<hbm>>
    tpu.enqueue_dma source(%dma_start3A_7 : memref<512xi32, #tpu.memory_space<hbm>>) target(%arg8 : memref<512xi32, #tpu.memory_space<vmem>>) target_semaphore(%arg19 : memref<!tpu.dma_semaphore, #tpu.memory_space<semaphore_mem>>)
    %dma_start3A_8 = tpu.memref_slice %arg3[%mul3A_2] : memref<16384xi32, #tpu.memory_space<hbm>> -> memref<512xi32, #tpu.memory_space<hbm>>
    %dma_start3A_9 = tpu.memref_slice %arg3[%mul3A_2] : memref<16384xi32, #tpu.memory_space<hbm>> -> memref<512xi32, #tpu.memory_space<hbm>>
    tpu.enqueue_dma source(%dma_start3A_9 : memref<512xi32, #tpu.memory_space<hbm>>) target(%arg9 : memref<512xi32, #tpu.memory_space<vmem>>) target_semaphore(%arg19 : memref<!tpu.dma_semaphore, #tpu.memory_space<semaphore_mem>>)
    tpu.enqueue_dma source(%arg6 : memref<1xf32, #tpu.memory_space<hbm>>) target(%arg16 : memref<1xf32, #tpu.memory_space<vmem>>) target_semaphore(%arg19 : memref<!tpu.dma_semaphore, #tpu.memory_space<semaphore_mem>>)
    %dma_wait3A = tpu.memref_slice %arg2[%mul3A_2] : memref<16384xi32, #tpu.memory_space<hbm>> -> memref<512xi32, #tpu.memory_space<hbm>>
    %dma_wait3A_10 = tpu.memref_slice %arg2[%mul3A_2] : memref<16384xi32, #tpu.memory_space<hbm>> -> memref<512xi32, #tpu.memory_space<hbm>>
    tpu.wait_dma2 semaphore(%arg19 : memref<!tpu.dma_semaphore, #tpu.memory_space<semaphore_mem>>) src(%dma_wait3A_10 : memref<512xi32, #tpu.memory_space<hbm>>) dst(%arg8 : memref<512xi32, #tpu.memory_space<vmem>>)
    %dma_wait3A_11 = tpu.memref_slice %arg3[%mul3A_2] : memref<16384xi32, #tpu.memory_space<hbm>> -> memref<512xi32, #tpu.memory_space<hbm>>
    %dma_wait3A_12 = tpu.memref_slice %arg3[%mul3A_2] : memref<16384xi32, #tpu.memory_space<hbm>> -> memref<512xi32, #tpu.memory_space<hbm>>
    tpu.wait_dma2 semaphore(%arg19 : memref<!tpu.dma_semaphore, #tpu.memory_space<semaphore_mem>>) src(%dma_wait3A_12 : memref<512xi32, #tpu.memory_space<hbm>>) dst(%arg9 : memref<512xi32, #tpu.memory_space<vmem>>)
    %dma_start3A_13 = arith.constant 0 : i32
    %dma_start3A_14 = tpu.memref_slice %arg8[%dma_start3A_13] : memref<512xi32, #tpu.memory_space<vmem>> -> memref<64xi32, #tpu.memory_space<vmem>>
    %dma_start3A_15 = arith.constant 0 : i32
    %dma_start3A_16 = arith.constant 0 : i32
    %dma_start3A_17 = tpu.memref_slice %arg4[%dma_start3A_15, %dma_start3A_16] : memref<100000x128xf32, #tpu.memory_space<hbm>> -> memref<100000x128xf32, #tpu.memory_space<hbm>>
    tpu.enqueue_indirect_dma source(%dma_start3A_17 : memref<100000x128xf32, #tpu.memory_space<hbm>>) target(%arg12 : memref<64x128xf32, #tpu.memory_space<vmem>>) offsets(%dma_start3A_14 : memref<64xi32, #tpu.memory_space<vmem>>) semaphore(%arg17 : memref<!tpu.dma_semaphore, #tpu.memory_space<semaphore_mem>>)
    %dma_start3A_18 = arith.constant 0 : i32
    %dma_start3A_19 = tpu.memref_slice %arg9[%dma_start3A_18] : memref<512xi32, #tpu.memory_space<vmem>> -> memref<64xi32, #tpu.memory_space<vmem>>
    %dma_start3A_20 = arith.constant 0 : i32
    %dma_start3A_21 = arith.constant 0 : i32
    %dma_start3A_22 = tpu.memref_slice %arg5[%dma_start3A_20, %dma_start3A_21] : memref<100000x128xf32, #tpu.memory_space<hbm>> -> memref<100000x128xf32, #tpu.memory_space<hbm>>
    tpu.enqueue_indirect_dma source(%dma_start3A_22 : memref<100000x128xf32, #tpu.memory_space<hbm>>) target(%arg14 : memref<64x128xf32, #tpu.memory_space<vmem>>) offsets(%dma_start3A_19 : memref<64xi32, #tpu.memory_space<vmem>>) semaphore(%arg17 : memref<!tpu.dma_semaphore, #tpu.memory_space<semaphore_mem>>)
    %dma_start3A_23 = arith.constant 64 : i32
    %dma_start3A_24 = tpu.memref_slice %arg8[%dma_start3A_23] : memref<512xi32, #tpu.memory_space<vmem>> -> memref<64xi32, #tpu.memory_space<vmem>>
    %dma_start3A_25 = arith.constant 0 : i32
    %dma_start3A_26 = arith.constant 0 : i32
    %dma_start3A_27 = tpu.memref_slice %arg4[%dma_start3A_25, %dma_start3A_26] : memref<100000x128xf32, #tpu.memory_space<hbm>> -> memref<100000x128xf32, #tpu.memory_space<hbm>>
    tpu.enqueue_indirect_dma source(%dma_start3A_27 : memref<100000x128xf32, #tpu.memory_space<hbm>>) target(%arg13 : memref<64x128xf32, #tpu.memory_space<vmem>>) offsets(%dma_start3A_24 : memref<64xi32, #tpu.memory_space<vmem>>) semaphore(%arg18 : memref<!tpu.dma_semaphore, #tpu.memory_space<semaphore_mem>>)
    %dma_start3A_28 = arith.constant 64 : i32
    %dma_start3A_29 = tpu.memref_slice %arg9[%dma_start3A_28] : memref<512xi32, #tpu.memory_space<vmem>> -> memref<64xi32, #tpu.memory_space<vmem>>
    %dma_start3A_30 = arith.constant 0 : i32
    %dma_start3A_31 = arith.constant 0 : i32
    %dma_start3A_32 = tpu.memref_slice %arg5[%dma_start3A_30, %dma_start3A_31] : memref<100000x128xf32, #tpu.memory_space<hbm>> -> memref<100000x128xf32, #tpu.memory_space<hbm>>
    tpu.enqueue_indirect_dma source(%dma_start3A_32 : memref<100000x128xf32, #tpu.memory_space<hbm>>) target(%arg15 : memref<64x128xf32, #tpu.memory_space<vmem>>) offsets(%dma_start3A_29 : memref<64xi32, #tpu.memory_space<vmem>>) semaphore(%arg18 : memref<!tpu.dma_semaphore, #tpu.memory_space<semaphore_mem>>)
    tpu.wait_dma2 semaphore(%arg19 : memref<!tpu.dma_semaphore, #tpu.memory_space<semaphore_mem>>) src(%arg6 : memref<1xf32, #tpu.memory_space<hbm>>) dst(%arg16 : memref<1xf32, #tpu.memory_space<vmem>>)
    %gather3A = tpu.vector_load_idx %arg16[%broadcast_in_dim3A_6] : memref<1xf32, #tpu.memory_space<vmem>>[vector<16xi32>], vector<16xf32>,
    %scan3A = arith.constant 0 : i32
    %scan3A_33 = arith.constant 0 : i32
    %scan3A_34 = arith.constant 4 : i32
    %scan3A_35 = arith.addi %scan3A_33, %scan3A_34 : i32
    %scan3A_36 = arith.constant 1 : i32
    scf.for %scan3A_38 = %scan3A_33 to %scan3A_35 step %scan3A_36  : i32 {
      %dma_wait3A_39 = arith.constant 0 : i32
      %dma_wait3A_40 = tpu.memref_slice %arg8[%dma_wait3A_39] : memref<512xi32, #tpu.memory_space<vmem>> -> memref<64xi32, #tpu.memory_space<vmem>>
      %dma_wait3A_41 = arith.constant 0 : i32
      %dma_wait3A_42 = arith.constant 0 : i32
      %dma_wait3A_43 = tpu.memref_slice %arg4[%dma_wait3A_41, %dma_wait3A_42] : memref<100000x128xf32, #tpu.memory_space<hbm>> -> memref<100000x128xf32, #tpu.memory_space<hbm>>
      tpu.wait_indirect_dma semaphore(%arg17 : memref<!tpu.dma_semaphore, #tpu.memory_space<semaphore_mem>>) src(%dma_wait3A_43 : memref<100000x128xf32, #tpu.memory_space<hbm>>) dst(%arg12 : memref<64x128xf32, #tpu.memory_space<vmem>>)
      %dma_wait3A_44 = arith.constant 0 : i32
      %dma_wait3A_45 = tpu.memref_slice %arg9[%dma_wait3A_44] : memref<512xi32, #tpu.memory_space<vmem>> -> memref<64xi32, #tpu.memory_space<vmem>>
      %dma_wait3A_46 = arith.constant 0 : i32
      %dma_wait3A_47 = arith.constant 0 : i32
      %dma_wait3A_48 = tpu.memref_slice %arg5[%dma_wait3A_46, %dma_wait3A_47] : memref<100000x128xf32, #tpu.memory_space<hbm>> -> memref<100000x128xf32, #tpu.memory_space<hbm>>
      tpu.wait_indirect_dma semaphore(%arg17 : memref<!tpu.dma_semaphore, #tpu.memory_space<semaphore_mem>>) src(%dma_wait3A_48 : memref<100000x128xf32, #tpu.memory_space<hbm>>) dst(%arg14 : memref<64x128xf32, #tpu.memory_space<vmem>>)
      %mul3A_49 = arith.constant 2 : i32
      %mul3A_50 = arith.muli %mul3A_49, %scan3A_38 : i32
      %scan3A_51 = arith.constant 0 : i32
      %scan3A_52 = arith.constant 0 : i32
      %scan3A_53 = arith.constant 4 : i32
      %scan3A_54 = arith.addi %scan3A_52, %scan3A_53 : i32
      %scan3A_55 = arith.constant 1 : i32
      scf.for %scan3A_84 = %scan3A_52 to %scan3A_54 step %scan3A_55  : i32 {
        %mul3A_85 = arith.constant 16 : i32
        %mul3A_86 = arith.muli %scan3A_84, %mul3A_85 : i32
        %add3A_87 = arith.constant 0 : i32
        %add3A_88 = arith.addi %mul3A_86, %add3A_87 : i32
        %get3A = arith.index_cast %add3A_88 : i32 to index
        %get3A_89 = arith.constant 0 : index
        %get3A_90 = tpu.vector_load %arg12[%get3A, %get3A_89] {strides = array<i32>} : memref<64x128xf32, #tpu.memory_space<vmem>>, vector<16xf32>,
        %get3A_91 = arith.index_cast %add3A_88 : i32 to index
        %get3A_92 = arith.constant 0 : index
        %get3A_93 = tpu.vector_load %arg14[%get3A_91, %get3A_92] {strides = array<i32>} : memref<64x128xf32, #tpu.memory_space<vmem>>, vector<16xf32>,
        %mul3A_94 = arith.mulf %get3A_90, %get3A_93 : vector<16xf32>
        %get3A_95 = arith.index_cast %add3A_88 : i32 to index
        %get3A_96 = arith.constant 16 : index
        %get3A_97 = tpu.vector_load %arg12[%get3A_95, %get3A_96] {strides = array<i32>} : memref<64x128xf32, #tpu.memory_space<vmem>>, vector<16xf32>,
        %get3A_98 = arith.index_cast %add3A_88 : i32 to index
        %get3A_99 = arith.constant 16 : index
        %get3A_100 = tpu.vector_load %arg14[%get3A_98, %get3A_99] {strides = array<i32>} : memref<64x128xf32, #tpu.memory_space<vmem>>, vector<16xf32>,
        %mul3A_101 = arith.mulf %get3A_97, %get3A_100 : vector<16xf32>
        %add3A_102 = arith.addf %mul3A_94, %mul3A_101 : vector<16xf32>
        %get3A_103 = arith.index_cast %add3A_88 : i32 to index
        %get3A_104 = arith.constant 32 : index
        %get3A_105 = tpu.vector_load %arg12[%get3A_103, %get3A_104] {strides = array<i32>} : memref<64x128xf32, #tpu.memory_space<vmem>>, vector<16xf32>,
        %get3A_106 = arith.index_cast %add3A_88 : i32 to index
        %get3A_107 = arith.constant 32 : index
        %get3A_108 = tpu.vector_load %arg14[%get3A_106, %get3A_107] {strides = array<i32>} : memref<64x128xf32, #tpu.memory_space<vmem>>, vector<16xf32>,
        %mul3A_109 = arith.mulf %get3A_105, %get3A_108 : vector<16xf32>
        %add3A_110 = arith.addf %add3A_102, %mul3A_109 : vector<16xf32>
        %get3A_111 = arith.index_cast %add3A_88 : i32 to index
        %get3A_112 = arith.constant 48 : index
        %get3A_113 = tpu.vector_load %arg12[%get3A_111, %get3A_112] {strides = array<i32>} : memref<64x128xf32, #tpu.memory_space<vmem>>, vector<16xf32>,
        %get3A_114 = arith.index_cast %add3A_88 : i32 to index
        %get3A_115 = arith.constant 48 : index
        %get3A_116 = tpu.vector_load %arg14[%get3A_114, %get3A_115] {strides = array<i32>} : memref<64x128xf32, #tpu.memory_space<vmem>>, vector<16xf32>,
        %mul3A_117 = arith.mulf %get3A_113, %get3A_116 : vector<16xf32>
        %add3A_118 = arith.addf %add3A_110, %mul3A_117 : vector<16xf32>
        %get3A_119 = arith.index_cast %add3A_88 : i32 to index
        %get3A_120 = arith.constant 64 : index
        %get3A_121 = tpu.vector_load %arg12[%get3A_119, %get3A_120] {strides = array<i32>} : memref<64x128xf32, #tpu.memory_space<vmem>>, vector<16xf32>,
        %get3A_122 = arith.index_cast %add3A_88 : i32 to index
        %get3A_123 = arith.constant 64 : index
        %get3A_124 = tpu.vector_load %arg14[%get3A_122, %get3A_123] {strides = array<i32>} : memref<64x128xf32, #tpu.memory_space<vmem>>, vector<16xf32>,
        %mul3A_125 = arith.mulf %get3A_121, %get3A_124 : vector<16xf32>
        %add3A_126 = arith.addf %add3A_118, %mul3A_125 : vector<16xf32>
        %get3A_127 = arith.index_cast %add3A_88 : i32 to index
        %get3A_128 = arith.constant 80 : index
        %get3A_129 = tpu.vector_load %arg12[%get3A_127, %get3A_128] {strides = array<i32>} : memref<64x128xf32, #tpu.memory_space<vmem>>, vector<16xf32>,
        %get3A_130 = arith.index_cast %add3A_88 : i32 to index
        %get3A_131 = arith.constant 80 : index
        %get3A_132 = tpu.vector_load %arg14[%get3A_130, %get3A_131] {strides = array<i32>} : memref<64x128xf32, #tpu.memory_space<vmem>>, vector<16xf32>,
        %mul3A_133 = arith.mulf %get3A_129, %get3A_132 : vector<16xf32>
        %add3A_134 = arith.addf %add3A_126, %mul3A_133 : vector<16xf32>
        %get3A_135 = arith.index_cast %add3A_88 : i32 to index
        %get3A_136 = arith.constant 96 : index
        %get3A_137 = tpu.vector_load %arg12[%get3A_135, %get3A_136] {strides = array<i32>} : memref<64x128xf32, #tpu.memory_space<vmem>>, vector<16xf32>,
        %get3A_138 = arith.index_cast %add3A_88 : i32 to index
        %get3A_139 = arith.constant 96 : index
        %get3A_140 = tpu.vector_load %arg14[%get3A_138, %get3A_139] {strides = array<i32>} : memref<64x128xf32, #tpu.memory_space<vmem>>, vector<16xf32>,
        %mul3A_141 = arith.mulf %get3A_137, %get3A_140 : vector<16xf32>
        %add3A_142 = arith.addf %add3A_134, %mul3A_141 : vector<16xf32>
        %get3A_143 = arith.index_cast %add3A_88 : i32 to index
        %get3A_144 = arith.constant 112 : index
        %get3A_145 = tpu.vector_load %arg12[%get3A_143, %get3A_144] {strides = array<i32>} : memref<64x128xf32, #tpu.memory_space<vmem>>, vector<16xf32>,
        %get3A_146 = arith.index_cast %add3A_88 : i32 to index
        %get3A_147 = arith.constant 112 : index
        %get3A_148 = tpu.vector_load %arg14[%get3A_146, %get3A_147] {strides = array<i32>} : memref<64x128xf32, #tpu.memory_space<vmem>>, vector<16xf32>,
        %mul3A_149 = arith.mulf %get3A_145, %get3A_148 : vector<16xf32>
        %add3A_150 = arith.addf %add3A_142, %mul3A_149 : vector<16xf32>
        %swap3A = arith.constant 0 : index
        %swap3A_151 = tpu.vector_load %arg11[%swap3A] {strides = array<i32>} : memref<272xf32, #tpu.memory_space<vmem>>, vector<16xf32>,
        tpu.vector_store %arg11[%swap3A], %add3A_150 {strides = array<i32>} : memref<272xf32, #tpu.memory_space<vmem>>, vector<16xf32>,
        %add3A_152 = arith.constant 1 : i32
        %add3A_153 = arith.addi %mul3A_86, %add3A_152 : i32
        %get3A_154 = arith.index_cast %add3A_153 : i32 to index
        %get3A_155 = arith.constant 0 : index
        %get3A_156 = tpu.vector_load %arg12[%get3A_154, %get3A_155] {strides = array<i32>} : memref<64x128xf32, #tpu.memory_space<vmem>>, vector<16xf32>,
        %get3A_157 = arith.index_cast %add3A_153 : i32 to index
        %get3A_158 = arith.constant 0 : index
        %get3A_159 = tpu.vector_load %arg14[%get3A_157, %get3A_158] {strides = array<i32>} : memref<64x128xf32, #tpu.memory_space<vmem>>, vector<16xf32>,
        %mul3A_160 = arith.mulf %get3A_156, %get3A_159 : vector<16xf32>
        %get3A_161 = arith.index_cast %add3A_153 : i32 to index
        %get3A_162 = arith.constant 16 : index
        %get3A_163 = tpu.vector_load %arg12[%get3A_161, %get3A_162] {strides = array<i32>} : memref<64x128xf32, #tpu.memory_space<vmem>>, vector<16xf32>,
        %get3A_164 = arith.index_cast %add3A_153 : i32 to index
        %get3A_165 = arith.constant 16 : index
        %get3A_166 = tpu.vector_load %arg14[%get3A_164, %get3A_165] {strides = array<i32>} : memref<64x128xf32, #tpu.memory_space<vmem>>, vector<16xf32>,
        %mul3A_167 = arith.mulf %get3A_163, %get3A_166 : vector<16xf32>
        %add3A_168 = arith.addf %mul3A_160, %mul3A_167 : vector<16xf32>
        %get3A_169 = arith.index_cast %add3A_153 : i32 to index
        %get3A_170 = arith.constant 32 : index
        %get3A_171 = tpu.vector_load %arg12[%get3A_169, %get3A_170] {strides = array<i32>} : memref<64x128xf32, #tpu.memory_space<vmem>>, vector<16xf32>,
        %get3A_172 = arith.index_cast %add3A_153 : i32 to index
        %get3A_173 = arith.constant 32 : index
        %get3A_174 = tpu.vector_load %arg14[%get3A_172, %get3A_173] {strides = array<i32>} : memref<64x128xf32, #tpu.memory_space<vmem>>, vector<16xf32>,
        %mul3A_175 = arith.mulf %get3A_171, %get3A_174 : vector<16xf32>
        %add3A_176 = arith.addf %add3A_168, %mul3A_175 : vector<16xf32>
        %get3A_177 = arith.index_cast %add3A_153 : i32 to index
        %get3A_178 = arith.constant 48 : index
        %get3A_179 = tpu.vector_load %arg12[%get3A_177, %get3A_178] {strides = array<i32>} : memref<64x128xf32, #tpu.memory_space<vmem>>, vector<16xf32>,
        %get3A_180 = arith.index_cast %add3A_153 : i32 to index
        %get3A_181 = arith.constant 48 : index
        %get3A_182 = tpu.vector_load %arg14[%get3A_180, %get3A_181] {strides = array<i32>} : memref<64x128xf32, #tpu.memory_space<vmem>>, vector<16xf32>,
        %mul3A_183 = arith.mulf %get3A_179, %get3A_182 : vector<16xf32>
        %add3A_184 = arith.addf %add3A_176, %mul3A_183 : vector<16xf32>
        %get3A_185 = arith.index_cast %add3A_153 : i32 to index
        %get3A_186 = arith.constant 64 : index
        %get3A_187 = tpu.vector_load %arg12[%get3A_185, %get3A_186] {strides = array<i32>} : memref<64x128xf32, #tpu.memory_space<vmem>>, vector<16xf32>,
        %get3A_188 = arith.index_cast %add3A_153 : i32 to index
        %get3A_189 = arith.constant 64 : index
        %get3A_190 = tpu.vector_load %arg14[%get3A_188, %get3A_189] {strides = array<i32>} : memref<64x128xf32, #tpu.memory_space<vmem>>, vector<16xf32>,
        %mul3A_191 = arith.mulf %get3A_187, %get3A_190 : vector<16xf32>
        %add3A_192 = arith.addf %add3A_184, %mul3A_191 : vector<16xf32>
        %get3A_193 = arith.index_cast %add3A_153 : i32 to index
        %get3A_194 = arith.constant 80 : index
        %get3A_195 = tpu.vector_load %arg12[%get3A_193, %get3A_194] {strides = array<i32>} : memref<64x128xf32, #tpu.memory_space<vmem>>, vector<16xf32>,
        %get3A_196 = arith.index_cast %add3A_153 : i32 to index
        %get3A_197 = arith.constant 80 : index
        %get3A_198 = tpu.vector_load %arg14[%get3A_196, %get3A_197] {strides = array<i32>} : memref<64x128xf32, #tpu.memory_space<vmem>>, vector<16xf32>,
        %mul3A_199 = arith.mulf %get3A_195, %get3A_198 : vector<16xf32>
        %add3A_200 = arith.addf %add3A_192, %mul3A_199 : vector<16xf32>
        %get3A_201 = arith.index_cast %add3A_153 : i32 to index
        %get3A_202 = arith.constant 96 : index
        %get3A_203 = tpu.vector_load %arg12[%get3A_201, %get3A_202] {strides = array<i32>} : memref<64x128xf32, #tpu.memory_space<vmem>>, vector<16xf32>,
        %get3A_204 = arith.index_cast %add3A_153 : i32 to index
        %get3A_205 = arith.constant 96 : index
        %get3A_206 = tpu.vector_load %arg14[%get3A_204, %get3A_205] {strides = array<i32>} : memref<64x128xf32, #tpu.memory_space<vmem>>, vector<16xf32>,
        %mul3A_207 = arith.mulf %get3A_203, %get3A_206 : vector<16xf32>
        %add3A_208 = arith.addf %add3A_200, %mul3A_207 : vector<16xf32>
        %get3A_209 = arith.index_cast %add3A_153 : i32 to index
        %get3A_210 = arith.constant 112 : index
        %get3A_211 = tpu.vector_load %arg12[%get3A_209, %get3A_210] {strides = array<i32>} : memref<64x128xf32, #tpu.memory_space<vmem>>, vector<16xf32>,
        %get3A_212 = arith.index_cast %add3A_153 : i32 to index
        %get3A_213 = arith.constant 112 : index
        %get3A_214 = tpu.vector_load %arg14[%get3A_212, %get3A_213] {strides = array<i32>} : memref<64x128xf32, #tpu.memory_space<vmem>>, vector<16xf32>,
        %mul3A_215 = arith.mulf %get3A_211, %get3A_214 : vector<16xf32>
        %add3A_216 = arith.addf %add3A_208, %mul3A_215 : vector<16xf32>
        %swap3A_217 = arith.constant 17 : index
        %swap3A_218 = tpu.vector_load %arg11[%swap3A_217] {strides = array<i32>} : memref<272xf32, #tpu.memory_space<vmem>>, vector<16xf32>,
        tpu.vector_store %arg11[%swap3A_217], %add3A_216 {strides = array<i32>} : memref<272xf32, #tpu.memory_space<vmem>>, vector<16xf32>,
        %add3A_219 = arith.constant 2 : i32
        %add3A_220 = arith.addi %mul3A_86, %add3A_219 : i32
        %get3A_221 = arith.index_cast %add3A_220 : i32 to index
        %get3A_222 = arith.constant 0 : index
        %get3A_223 = tpu.vector_load %arg12[%get3A_221, %get3A_222] {strides = array<i32>} : memref<64x128xf32, #tpu.memory_space<vmem>>, vector<16xf32>,
        %get3A_224 = arith.index_cast %add3A_220 : i32 to index
        %get3A_225 = arith.constant 0 : index
        %get3A_226 = tpu.vector_load %arg14[%get3A_224, %get3A_225] {strides = array<i32>} : memref<64x128xf32, #tpu.memory_space<vmem>>, vector<16xf32>,
        %mul3A_227 = arith.mulf %get3A_223, %get3A_226 : vector<16xf32>
        %get3A_228 = arith.index_cast %add3A_220 : i32 to index
        %get3A_229 = arith.constant 16 : index
        %get3A_230 = tpu.vector_load %arg12[%get3A_228, %get3A_229] {strides = array<i32>} : memref<64x128xf32, #tpu.memory_space<vmem>>, vector<16xf32>,
        %get3A_231 = arith.index_cast %add3A_220 : i32 to index
        %get3A_232 = arith.constant 16 : index
        %get3A_233 = tpu.vector_load %arg14[%get3A_231, %get3A_232] {strides = array<i32>} : memref<64x128xf32, #tpu.memory_space<vmem>>, vector<16xf32>,
        %mul3A_234 = arith.mulf %get3A_230, %get3A_233 : vector<16xf32>
        %add3A_235 = arith.addf %mul3A_227, %mul3A_234 : vector<16xf32>
        %get3A_236 = arith.index_cast %add3A_220 : i32 to index
        %get3A_237 = arith.constant 32 : index
        %get3A_238 = tpu.vector_load %arg12[%get3A_236, %get3A_237] {strides = array<i32>} : memref<64x128xf32, #tpu.memory_space<vmem>>, vector<16xf32>,
        %get3A_239 = arith.index_cast %add3A_220 : i32 to index
        %get3A_240 = arith.constant 32 : index
        %get3A_241 = tpu.vector_load %arg14[%get3A_239, %get3A_240] {strides = array<i32>} : memref<64x128xf32, #tpu.memory_space<vmem>>, vector<16xf32>,
        %mul3A_242 = arith.mulf %get3A_238, %get3A_241 : vector<16xf32>
        %add3A_243 = arith.addf %add3A_235, %mul3A_242 : vector<16xf32>
        %get3A_244 = arith.index_cast %add3A_220 : i32 to index
        %get3A_245 = arith.constant 48 : index
        %get3A_246 = tpu.vector_load %arg12[%get3A_244, %get3A_245] {strides = array<i32>} : memref<64x128xf32, #tpu.memory_space<vmem>>, vector<16xf32>,
        %get3A_247 = arith.index_cast %add3A_220 : i32 to index
        %get3A_248 = arith.constant 48 : index
        %get3A_249 = tpu.vector_load %arg14[%get3A_247, %get3A_248] {strides = array<i32>} : memref<64x128xf32, #tpu.memory_space<vmem>>, vector<16xf32>,
        %mul3A_250 = arith.mulf %get3A_246, %get3A_249 : vector<16xf32>
        %add3A_251 = arith.addf %add3A_243, %mul3A_250 : vector<16xf32>
        %get3A_252 = arith.index_cast %add3A_220 : i32 to index
        %get3A_253 = arith.constant 64 : index
        %get3A_254 = tpu.vector_load %arg12[%get3A_252, %get3A_253] {strides = array<i32>} : memref<64x128xf32, #tpu.memory_space<vmem>>, vector<16xf32>,
        %get3A_255 = arith.index_cast %add3A_220 : i32 to index
        %get3A_256 = arith.constant 64 : index
        %get3A_257 = tpu.vector_load %arg14[%get3A_255, %get3A_256] {strides = array<i32>} : memref<64x128xf32, #tpu.memory_space<vmem>>, vector<16xf32>,
        %mul3A_258 = arith.mulf %get3A_254, %get3A_257 : vector<16xf32>
        %add3A_259 = arith.addf %add3A_251, %mul3A_258 : vector<16xf32>
        %get3A_260 = arith.index_cast %add3A_220 : i32 to index
        %get3A_261 = arith.constant 80 : index
        %get3A_262 = tpu.vector_load %arg12[%get3A_260, %get3A_261] {strides = array<i32>} : memref<64x128xf32, #tpu.memory_space<vmem>>, vector<16xf32>,
        %get3A_263 = arith.index_cast %add3A_220 : i32 to index
        %get3A_264 = arith.constant 80 : index
        %get3A_265 = tpu.vector_load %arg14[%get3A_263, %get3A_264] {strides = array<i32>} : memref<64x128xf32, #tpu.memory_space<vmem>>, vector<16xf32>,
        %mul3A_266 = arith.mulf %get3A_262, %get3A_265 : vector<16xf32>
        %add3A_267 = arith.addf %add3A_259, %mul3A_266 : vector<16xf32>
        %get3A_268 = arith.index_cast %add3A_220 : i32 to index
        %get3A_269 = arith.constant 96 : index
        %get3A_270 = tpu.vector_load %arg12[%get3A_268, %get3A_269] {strides = array<i32>} : memref<64x128xf32, #tpu.memory_space<vmem>>, vector<16xf32>,
        %get3A_271 = arith.index_cast %add3A_220 : i32 to index
        %get3A_272 = arith.constant 96 : index
        %get3A_273 = tpu.vector_load %arg14[%get3A_271, %get3A_272] {strides = array<i32>} : memref<64x128xf32, #tpu.memory_space<vmem>>, vector<16xf32>,
        %mul3A_274 = arith.mulf %get3A_270, %get3A_273 : vector<16xf32>
        %add3A_275 = arith.addf %add3A_267, %mul3A_274 : vector<16xf32>
        %get3A_276 = arith.index_cast %add3A_220 : i32 to index
        %get3A_277 = arith.constant 112 : index
        %get3A_278 = tpu.vector_load %arg12[%get3A_276, %get3A_277] {strides = array<i32>} : memref<64x128xf32, #tpu.memory_space<vmem>>, vector<16xf32>,
        %get3A_279 = arith.index_cast %add3A_220 : i32 to index
        %get3A_280 = arith.constant 112 : index
        %get3A_281 = tpu.vector_load %arg14[%get3A_279, %get3A_280] {strides = array<i32>} : memref<64x128xf32, #tpu.memory_space<vmem>>, vector<16xf32>,
        %mul3A_282 = arith.mulf %get3A_278, %get3A_281 : vector<16xf32>
        %add3A_283 = arith.addf %add3A_275, %mul3A_282 : vector<16xf32>
        %swap3A_284 = arith.constant 34 : index
        %swap3A_285 = tpu.vector_load %arg11[%swap3A_284] {strides = array<i32>} : memref<272xf32, #tpu.memory_space<vmem>>, vector<16xf32>,
        tpu.vector_store %arg11[%swap3A_284], %add3A_283 {strides = array<i32>} : memref<272xf32, #tpu.memory_space<vmem>>, vector<16xf32>,
        %add3A_286 = arith.constant 3 : i32
        %add3A_287 = arith.addi %mul3A_86, %add3A_286 : i32
        %get3A_288 = arith.index_cast %add3A_287 : i32 to index
        %get3A_289 = arith.constant 0 : index
        %get3A_290 = tpu.vector_load %arg12[%get3A_288, %get3A_289] {strides = array<i32>} : memref<64x128xf32, #tpu.memory_space<vmem>>, vector<16xf32>,
        %get3A_291 = arith.index_cast %add3A_287 : i32 to index
        %get3A_292 = arith.constant 0 : index
        %get3A_293 = tpu.vector_load %arg14[%get3A_291, %get3A_292] {strides = array<i32>} : memref<64x128xf32, #tpu.memory_space<vmem>>, vector<16xf32>,
        %mul3A_294 = arith.mulf %get3A_290, %get3A_293 : vector<16xf32>
        %get3A_295 = arith.index_cast %add3A_287 : i32 to index
        %get3A_296 = arith.constant 16 : index
        %get3A_297 = tpu.vector_load %arg12[%get3A_295, %get3A_296] {strides = array<i32>} : memref<64x128xf32, #tpu.memory_space<vmem>>, vector<16xf32>,
        %get3A_298 = arith.index_cast %add3A_287 : i32 to index
        %get3A_299 = arith.constant 16 : index
        %get3A_300 = tpu.vector_load %arg14[%get3A_298, %get3A_299] {strides = array<i32>} : memref<64x128xf32, #tpu.memory_space<vmem>>, vector<16xf32>,
        %mul3A_301 = arith.mulf %get3A_297, %get3A_300 : vector<16xf32>
        %add3A_302 = arith.addf %mul3A_294, %mul3A_301 : vector<16xf32>
        %get3A_303 = arith.index_cast %add3A_287 : i32 to index
        %get3A_304 = arith.constant 32 : index
        %get3A_305 = tpu.vector_load %arg12[%get3A_303, %get3A_304] {strides = array<i32>} : memref<64x128xf32, #tpu.memory_space<vmem>>, vector<16xf32>,
        %get3A_306 = arith.index_cast %add3A_287 : i32 to index
        %get3A_307 = arith.constant 32 : index
        %get3A_308 = tpu.vector_load %arg14[%get3A_306, %get3A_307] {strides = array<i32>} : memref<64x128xf32, #tpu.memory_space<vmem>>, vector<16xf32>,
        %mul3A_309 = arith.mulf %get3A_305, %get3A_308 : vector<16xf32>
        %add3A_310 = arith.addf %add3A_302, %mul3A_309 : vector<16xf32>
        %get3A_311 = arith.index_cast %add3A_287 : i32 to index
        %get3A_312 = arith.constant 48 : index
        %get3A_313 = tpu.vector_load %arg12[%get3A_311, %get3A_312] {strides = array<i32>} : memref<64x128xf32, #tpu.memory_space<vmem>>, vector<16xf32>,
        %get3A_314 = arith.index_cast %add3A_287 : i32 to index
        %get3A_315 = arith.constant 48 : index
        %get3A_316 = tpu.vector_load %arg14[%get3A_314, %get3A_315] {strides = array<i32>} : memref<64x128xf32, #tpu.memory_space<vmem>>, vector<16xf32>,
        %mul3A_317 = arith.mulf %get3A_313, %get3A_316 : vector<16xf32>
        %add3A_318 = arith.addf %add3A_310, %mul3A_317 : vector<16xf32>
        %get3A_319 = arith.index_cast %add3A_287 : i32 to index
        %get3A_320 = arith.constant 64 : index
        %get3A_321 = tpu.vector_load %arg12[%get3A_319, %get3A_320] {strides = array<i32>} : memref<64x128xf32, #tpu.memory_space<vmem>>, vector<16xf32>,
        %get3A_322 = arith.index_cast %add3A_287 : i32 to index
        %get3A_323 = arith.constant 64 : index
        %get3A_324 = tpu.vector_load %arg14[%get3A_322, %get3A_323] {strides = array<i32>} : memref<64x128xf32, #tpu.memory_space<vmem>>, vector<16xf32>,
        %mul3A_325 = arith.mulf %get3A_321, %get3A_324 : vector<16xf32>
        %add3A_326 = arith.addf %add3A_318, %mul3A_325 : vector<16xf32>
        %get3A_327 = arith.index_cast %add3A_287 : i32 to index
        %get3A_328 = arith.constant 80 : index
        %get3A_329 = tpu.vector_load %arg12[%get3A_327, %get3A_328] {strides = array<i32>} : memref<64x128xf32, #tpu.memory_space<vmem>>, vector<16xf32>,
        %get3A_330 = arith.index_cast %add3A_287 : i32 to index
        %get3A_331 = arith.constant 80 : index
        %get3A_332 = tpu.vector_load %arg14[%get3A_330, %get3A_331] {strides = array<i32>} : memref<64x128xf32, #tpu.memory_space<vmem>>, vector<16xf32>,
        %mul3A_333 = arith.mulf %get3A_329, %get3A_332 : vector<16xf32>
        %add3A_334 = arith.addf %add3A_326, %mul3A_333 : vector<16xf32>
        %get3A_335 = arith.index_cast %add3A_287 : i32 to index
        %get3A_336 = arith.constant 96 : index
        %get3A_337 = tpu.vector_load %arg12[%get3A_335, %get3A_336] {strides = array<i32>} : memref<64x128xf32, #tpu.memory_space<vmem>>, vector<16xf32>,
        %get3A_338 = arith.index_cast %add3A_287 : i32 to index
        %get3A_339 = arith.constant 96 : index
        %get3A_340 = tpu.vector_load %arg14[%get3A_338, %get3A_339] {strides = array<i32>} : memref<64x128xf32, #tpu.memory_space<vmem>>, vector<16xf32>,
        %mul3A_341 = arith.mulf %get3A_337, %get3A_340 : vector<16xf32>
        %add3A_342 = arith.addf %add3A_334, %mul3A_341 : vector<16xf32>
        %get3A_343 = arith.index_cast %add3A_287 : i32 to index
        %get3A_344 = arith.constant 112 : index
        %get3A_345 = tpu.vector_load %arg12[%get3A_343, %get3A_344] {strides = array<i32>} : memref<64x128xf32, #tpu.memory_space<vmem>>, vector<16xf32>,
        %get3A_346 = arith.index_cast %add3A_287 : i32 to index
        %get3A_347 = arith.constant 112 : index
        %get3A_348 = tpu.vector_load %arg14[%get3A_346, %get3A_347] {strides = array<i32>} : memref<64x128xf32, #tpu.memory_space<vmem>>, vector<16xf32>,
        %mul3A_349 = arith.mulf %get3A_345, %get3A_348 : vector<16xf32>
        %add3A_350 = arith.addf %add3A_342, %mul3A_349 : vector<16xf32>
        %swap3A_351 = arith.constant 51 : index
        %swap3A_352 = tpu.vector_load %arg11[%swap3A_351] {strides = array<i32>} : memref<272xf32, #tpu.memory_space<vmem>>, vector<16xf32>,
        tpu.vector_store %arg11[%swap3A_351], %add3A_350 {strides = array<i32>} : memref<272xf32, #tpu.memory_space<vmem>>, vector<16xf32>,
        %add3A_353 = arith.constant 4 : i32
        %add3A_354 = arith.addi %mul3A_86, %add3A_353 : i32
        %get3A_355 = arith.index_cast %add3A_354 : i32 to index
        %get3A_356 = arith.constant 0 : index
        %get3A_357 = tpu.vector_load %arg12[%get3A_355, %get3A_356] {strides = array<i32>} : memref<64x128xf32, #tpu.memory_space<vmem>>, vector<16xf32>,
        %get3A_358 = arith.index_cast %add3A_354 : i32 to index
        %get3A_359 = arith.constant 0 : index
        %get3A_360 = tpu.vector_load %arg14[%get3A_358, %get3A_359] {strides = array<i32>} : memref<64x128xf32, #tpu.memory_space<vmem>>, vector<16xf32>,
        %mul3A_361 = arith.mulf %get3A_357, %get3A_360 : vector<16xf32>
        %get3A_362 = arith.index_cast %add3A_354 : i32 to index
        %get3A_363 = arith.constant 16 : index
        %get3A_364 = tpu.vector_load %arg12[%get3A_362, %get3A_363] {strides = array<i32>} : memref<64x128xf32, #tpu.memory_space<vmem>>, vector<16xf32>,
        %get3A_365 = arith.index_cast %add3A_354 : i32 to index
        %get3A_366 = arith.constant 16 : index
        %get3A_367 = tpu.vector_load %arg14[%get3A_365, %get3A_366] {strides = array<i32>} : memref<64x128xf32, #tpu.memory_space<vmem>>, vector<16xf32>,
        %mul3A_368 = arith.mulf %get3A_364, %get3A_367 : vector<16xf32>
        %add3A_369 = arith.addf %mul3A_361, %mul3A_368 : vector<16xf32>
        %get3A_370 = arith.index_cast %add3A_354 : i32 to index
        %get3A_371 = arith.constant 32 : index
        %get3A_372 = tpu.vector_load %arg12[%get3A_370, %get3A_371] {strides = array<i32>} : memref<64x128xf32, #tpu.memory_space<vmem>>, vector<16xf32>,
        %get3A_373 = arith.index_cast %add3A_354 : i32 to index
        %get3A_374 = arith.constant 32 : index
        %get3A_375 = tpu.vector_load %arg14[%get3A_373, %get3A_374] {strides = array<i32>} : memref<64x128xf32, #tpu.memory_space<vmem>>, vector<16xf32>,
        %mul3A_376 = arith.mulf %get3A_372, %get3A_375 : vector<16xf32>
        %add3A_377 = arith.addf %add3A_369, %mul3A_376 : vector<16xf32>
        %get3A_378 = arith.index_cast %add3A_354 : i32 to index
        %get3A_379 = arith.constant 48 : index
        %get3A_380 = tpu.vector_load %arg12[%get3A_378, %get3A_379] {strides = array<i32>} : memref<64x128xf32, #tpu.memory_space<vmem>>, vector<16xf32>,
        %get3A_381 = arith.index_cast %add3A_354 : i32 to index
        %get3A_382 = arith.constant 48 : index
        %get3A_383 = tpu.vector_load %arg14[%get3A_381, %get3A_382] {strides = array<i32>} : memref<64x128xf32, #tpu.memory_space<vmem>>, vector<16xf32>,
        %mul3A_384 = arith.mulf %get3A_380, %get3A_383 : vector<16xf32>
        %add3A_385 = arith.addf %add3A_377, %mul3A_384 : vector<16xf32>
        %get3A_386 = arith.index_cast %add3A_354 : i32 to index
        %get3A_387 = arith.constant 64 : index
        %get3A_388 = tpu.vector_load %arg12[%get3A_386, %get3A_387] {strides = array<i32>} : memref<64x128xf32, #tpu.memory_space<vmem>>, vector<16xf32>,
        %get3A_389 = arith.index_cast %add3A_354 : i32 to index
        %get3A_390 = arith.constant 64 : index
        %get3A_391 = tpu.vector_load %arg14[%get3A_389, %get3A_390] {strides = array<i32>} : memref<64x128xf32, #tpu.memory_space<vmem>>, vector<16xf32>,
        %mul3A_392 = arith.mulf %get3A_388, %get3A_391 : vector<16xf32>
        %add3A_393 = arith.addf %add3A_385, %mul3A_392 : vector<16xf32>
        %get3A_394 = arith.index_cast %add3A_354 : i32 to index
        %get3A_395 = arith.constant 80 : index
        %get3A_396 = tpu.vector_load %arg12[%get3A_394, %get3A_395] {strides = array<i32>} : memref<64x128xf32, #tpu.memory_space<vmem>>, vector<16xf32>,
        %get3A_397 = arith.index_cast %add3A_354 : i32 to index
        %get3A_398 = arith.constant 80 : index
        %get3A_399 = tpu.vector_load %arg14[%get3A_397, %get3A_398] {strides = array<i32>} : memref<64x128xf32, #tpu.memory_space<vmem>>, vector<16xf32>,
        %mul3A_400 = arith.mulf %get3A_396, %get3A_399 : vector<16xf32>
        %add3A_401 = arith.addf %add3A_393, %mul3A_400 : vector<16xf32>
        %get3A_402 = arith.index_cast %add3A_354 : i32 to index
        %get3A_403 = arith.constant 96 : index
        %get3A_404 = tpu.vector_load %arg12[%get3A_402, %get3A_403] {strides = array<i32>} : memref<64x128xf32, #tpu.memory_space<vmem>>, vector<16xf32>,
        %get3A_405 = arith.index_cast %add3A_354 : i32 to index
        %get3A_406 = arith.constant 96 : index
        %get3A_407 = tpu.vector_load %arg14[%get3A_405, %get3A_406] {strides = array<i32>} : memref<64x128xf32, #tpu.memory_space<vmem>>, vector<16xf32>,
        %mul3A_408 = arith.mulf %get3A_404, %get3A_407 : vector<16xf32>
        %add3A_409 = arith.addf %add3A_401, %mul3A_408 : vector<16xf32>
        %get3A_410 = arith.index_cast %add3A_354 : i32 to index
        %get3A_411 = arith.constant 112 : index
        %get3A_412 = tpu.vector_load %arg12[%get3A_410, %get3A_411] {strides = array<i32>} : memref<64x128xf32, #tpu.memory_space<vmem>>, vector<16xf32>,
        %get3A_413 = arith.index_cast %add3A_354 : i32 to index
        %get3A_414 = arith.constant 112 : index
        %get3A_415 = tpu.vector_load %arg14[%get3A_413, %get3A_414] {strides = array<i32>} : memref<64x128xf32, #tpu.memory_space<vmem>>, vector<16xf32>,
        %mul3A_416 = arith.mulf %get3A_412, %get3A_415 : vector<16xf32>
        %add3A_417 = arith.addf %add3A_409, %mul3A_416 : vector<16xf32>
        %swap3A_418 = arith.constant 68 : index
        %swap3A_419 = tpu.vector_load %arg11[%swap3A_418] {strides = array<i32>} : memref<272xf32, #tpu.memory_space<vmem>>, vector<16xf32>,
        tpu.vector_store %arg11[%swap3A_418], %add3A_417 {strides = array<i32>} : memref<272xf32, #tpu.memory_space<vmem>>, vector<16xf32>,
        %add3A_420 = arith.constant 5 : i32
        %add3A_421 = arith.addi %mul3A_86, %add3A_420 : i32
        %get3A_422 = arith.index_cast %add3A_421 : i32 to index
        %get3A_423 = arith.constant 0 : index
        %get3A_424 = tpu.vector_load %arg12[%get3A_422, %get3A_423] {strides = array<i32>} : memref<64x128xf32, #tpu.memory_space<vmem>>, vector<16xf32>,
        %get3A_425 = arith.index_cast %add3A_421 : i32 to index
        %get3A_426 = arith.constant 0 : index
        %get3A_427 = tpu.vector_load %arg14[%get3A_425, %get3A_426] {strides = array<i32>} : memref<64x128xf32, #tpu.memory_space<vmem>>, vector<16xf32>,
        %mul3A_428 = arith.mulf %get3A_424, %get3A_427 : vector<16xf32>
        %get3A_429 = arith.index_cast %add3A_421 : i32 to index
        %get3A_430 = arith.constant 16 : index
        %get3A_431 = tpu.vector_load %arg12[%get3A_429, %get3A_430] {strides = array<i32>} : memref<64x128xf32, #tpu.memory_space<vmem>>, vector<16xf32>,
        %get3A_432 = arith.index_cast %add3A_421 : i32 to index
        %get3A_433 = arith.constant 16 : index
        %get3A_434 = tpu.vector_load %arg14[%get3A_432, %get3A_433] {strides = array<i32>} : memref<64x128xf32, #tpu.memory_space<vmem>>, vector<16xf32>,
        %mul3A_435 = arith.mulf %get3A_431, %get3A_434 : vector<16xf32>
        %add3A_436 = arith.addf %mul3A_428, %mul3A_435 : vector<16xf32>
        %get3A_437 = arith.index_cast %add3A_421 : i32 to index
        %get3A_438 = arith.constant 32 : index
        %get3A_439 = tpu.vector_load %arg12[%get3A_437, %get3A_438] {strides = array<i32>} : memref<64x128xf32, #tpu.memory_space<vmem>>, vector<16xf32>,
        %get3A_440 = arith.index_cast %add3A_421 : i32 to index
        %get3A_441 = arith.constant 32 : index
        %get3A_442 = tpu.vector_load %arg14[%get3A_440, %get3A_441] {strides = array<i32>} : memref<64x128xf32, #tpu.memory_space<vmem>>, vector<16xf32>,
        %mul3A_443 = arith.mulf %get3A_439, %get3A_442 : vector<16xf32>
        %add3A_444 = arith.addf %add3A_436, %mul3A_443 : vector<16xf32>
        %get3A_445 = arith.index_cast %add3A_421 : i32 to index
        %get3A_446 = arith.constant 48 : index
        %get3A_447 = tpu.vector_load %arg12[%get3A_445, %get3A_446] {strides = array<i32>} : memref<64x128xf32, #tpu.memory_space<vmem>>, vector<16xf32>,
        %get3A_448 = arith.index_cast %add3A_421 : i32 to index
        %get3A_449 = arith.constant 48 : index
        %get3A_450 = tpu.vector_load %arg14[%get3A_448, %get3A_449] {strides = array<i32>} : memref<64x128xf32, #tpu.memory_space<vmem>>, vector<16xf32>,
        %mul3A_451 = arith.mulf %get3A_447, %get3A_450 : vector<16xf32>
        %add3A_452 = arith.addf %add3A_444, %mul3A_451 : vector<16xf32>
        %get3A_453 = arith.index_cast %add3A_421 : i32 to index
        %get3A_454 = arith.constant 64 : index
        %get3A_455 = tpu.vector_load %arg12[%get3A_453, %get3A_454] {strides = array<i32>} : memref<64x128xf32, #tpu.memory_space<vmem>>, vector<16xf32>,
        %get3A_456 = arith.index_cast %add3A_421 : i32 to index
        %get3A_457 = arith.constant 64 : index
        %get3A_458 = tpu.vector_load %arg14[%get3A_456, %get3A_457] {strides = array<i32>} : memref<64x128xf32, #tpu.memory_space<vmem>>, vector<16xf32>,
        %mul3A_459 = arith.mulf %get3A_455, %get3A_458 : vector<16xf32>
        %add3A_460 = arith.addf %add3A_452, %mul3A_459 : vector<16xf32>
        %get3A_461 = arith.index_cast %add3A_421 : i32 to index
        %get3A_462 = arith.constant 80 : index
        %get3A_463 = tpu.vector_load %arg12[%get3A_461, %get3A_462] {strides = array<i32>} : memref<64x128xf32, #tpu.memory_space<vmem>>, vector<16xf32>,
        %get3A_464 = arith.index_cast %add3A_421 : i32 to index
        %get3A_465 = arith.constant 80 : index
        %get3A_466 = tpu.vector_load %arg14[%get3A_464, %get3A_465] {strides = array<i32>} : memref<64x128xf32, #tpu.memory_space<vmem>>, vector<16xf32>,
        %mul3A_467 = arith.mulf %get3A_463, %get3A_466 : vector<16xf32>
        %add3A_468 = arith.addf %add3A_460, %mul3A_467 : vector<16xf32>
        %get3A_469 = arith.index_cast %add3A_421 : i32 to index
        %get3A_470 = arith.constant 96 : index
        %get3A_471 = tpu.vector_load %arg12[%get3A_469, %get3A_470] {strides = array<i32>} : memref<64x128xf32, #tpu.memory_space<vmem>>, vector<16xf32>,
        %get3A_472 = arith.index_cast %add3A_421 : i32 to index
        %get3A_473 = arith.constant 96 : index
        %get3A_474 = tpu.vector_load %arg14[%get3A_472, %get3A_473] {strides = array<i32>} : memref<64x128xf32, #tpu.memory_space<vmem>>, vector<16xf32>,
        %mul3A_475 = arith.mulf %get3A_471, %get3A_474 : vector<16xf32>
        %add3A_476 = arith.addf %add3A_468, %mul3A_475 : vector<16xf32>
        %get3A_477 = arith.index_cast %add3A_421 : i32 to index
        %get3A_478 = arith.constant 112 : index
        %get3A_479 = tpu.vector_load %arg12[%get3A_477, %get3A_478] {strides = array<i32>} : memref<64x128xf32, #tpu.memory_space<vmem>>, vector<16xf32>,
        %get3A_480 = arith.index_cast %add3A_421 : i32 to index
        %get3A_481 = arith.constant 112 : index
        %get3A_482 = tpu.vector_load %arg14[%get3A_480, %get3A_481] {strides = array<i32>} : memref<64x128xf32, #tpu.memory_space<vmem>>, vector<16xf32>,
        %mul3A_483 = arith.mulf %get3A_479, %get3A_482 : vector<16xf32>
        %add3A_484 = arith.addf %add3A_476, %mul3A_483 : vector<16xf32>
        %swap3A_485 = arith.constant 85 : index
        %swap3A_486 = tpu.vector_load %arg11[%swap3A_485] {strides = array<i32>} : memref<272xf32, #tpu.memory_space<vmem>>, vector<16xf32>,
        tpu.vector_store %arg11[%swap3A_485], %add3A_484 {strides = array<i32>} : memref<272xf32, #tpu.memory_space<vmem>>, vector<16xf32>,
        %add3A_487 = arith.constant 6 : i32
        %add3A_488 = arith.addi %mul3A_86, %add3A_487 : i32
        %get3A_489 = arith.index_cast %add3A_488 : i32 to index
        %get3A_490 = arith.constant 0 : index
        %get3A_491 = tpu.vector_load %arg12[%get3A_489, %get3A_490] {strides = array<i32>} : memref<64x128xf32, #tpu.memory_space<vmem>>, vector<16xf32>,
        %get3A_492 = arith.index_cast %add3A_488 : i32 to index
        %get3A_493 = arith.constant 0 : index
        %get3A_494 = tpu.vector_load %arg14[%get3A_492, %get3A_493] {strides = array<i32>} : memref<64x128xf32, #tpu.memory_space<vmem>>, vector<16xf32>,
        %mul3A_495 = arith.mulf %get3A_491, %get3A_494 : vector<16xf32>
        %get3A_496 = arith.index_cast %add3A_488 : i32 to index
        %get3A_497 = arith.constant 16 : index
        %get3A_498 = tpu.vector_load %arg12[%get3A_496, %get3A_497] {strides = array<i32>} : memref<64x128xf32, #tpu.memory_space<vmem>>, vector<16xf32>,
        %get3A_499 = arith.index_cast %add3A_488 : i32 to index
        %get3A_500 = arith.constant 16 : index
        %get3A_501 = tpu.vector_load %arg14[%get3A_499, %get3A_500] {strides = array<i32>} : memref<64x128xf32, #tpu.memory_space<vmem>>, vector<16xf32>,
        %mul3A_502 = arith.mulf %get3A_498, %get3A_501 : vector<16xf32>
        %add3A_503 = arith.addf %mul3A_495, %mul3A_502 : vector<16xf32>
        %get3A_504 = arith.index_cast %add3A_488 : i32 to index
        %get3A_505 = arith.constant 32 : index
        %get3A_506 = tpu.vector_load %arg12[%get3A_504, %get3A_505] {strides = array<i32>} : memref<64x128xf32, #tpu.memory_space<vmem>>, vector<16xf32>,
        %get3A_507 = arith.index_cast %add3A_488 : i32 to index
        %get3A_508 = arith.constant 32 : index
        %get3A_509 = tpu.vector_load %arg14[%get3A_507, %get3A_508] {strides = array<i32>} : memref<64x128xf32, #tpu.memory_space<vmem>>, vector<16xf32>,
        %mul3A_510 = arith.mulf %get3A_506, %get3A_509 : vector<16xf32>
        %add3A_511 = arith.addf %add3A_503, %mul3A_510 : vector<16xf32>
        %get3A_512 = arith.index_cast %add3A_488 : i32 to index
        %get3A_513 = arith.constant 48 : index
        %get3A_514 = tpu.vector_load %arg12[%get3A_512, %get3A_513] {strides = array<i32>} : memref<64x128xf32, #tpu.memory_space<vmem>>, vector<16xf32>,
        %get3A_515 = arith.index_cast %add3A_488 : i32 to index
        %get3A_516 = arith.constant 48 : index
        %get3A_517 = tpu.vector_load %arg14[%get3A_515, %get3A_516] {strides = array<i32>} : memref<64x128xf32, #tpu.memory_space<vmem>>, vector<16xf32>,
        %mul3A_518 = arith.mulf %get3A_514, %get3A_517 : vector<16xf32>
        %add3A_519 = arith.addf %add3A_511, %mul3A_518 : vector<16xf32>
        %get3A_520 = arith.index_cast %add3A_488 : i32 to index
        %get3A_521 = arith.constant 64 : index
        %get3A_522 = tpu.vector_load %arg12[%get3A_520, %get3A_521] {strides = array<i32>} : memref<64x128xf32, #tpu.memory_space<vmem>>, vector<16xf32>,
        %get3A_523 = arith.index_cast %add3A_488 : i32 to index
        %get3A_524 = arith.constant 64 : index
        %get3A_525 = tpu.vector_load %arg14[%get3A_523, %get3A_524] {strides = array<i32>} : memref<64x128xf32, #tpu.memory_space<vmem>>, vector<16xf32>,
        %mul3A_526 = arith.mulf %get3A_522, %get3A_525 : vector<16xf32>
        %add3A_527 = arith.addf %add3A_519, %mul3A_526 : vector<16xf32>
        %get3A_528 = arith.index_cast %add3A_488 : i32 to index
        %get3A_529 = arith.constant 80 : index
        %get3A_530 = tpu.vector_load %arg12[%get3A_528, %get3A_529] {strides = array<i32>} : memref<64x128xf32, #tpu.memory_space<vmem>>, vector<16xf32>,
        %get3A_531 = arith.index_cast %add3A_488 : i32 to index
        %get3A_532 = arith.constant 80 : index
        %get3A_533 = tpu.vector_load %arg14[%get3A_531, %get3A_532] {strides = array<i32>} : memref<64x128xf32, #tpu.memory_space<vmem>>, vector<16xf32>,
        %mul3A_534 = arith.mulf %get3A_530, %get3A_533 : vector<16xf32>
        %add3A_535 = arith.addf %add3A_527, %mul3A_534 : vector<16xf32>
        %get3A_536 = arith.index_cast %add3A_488 : i32 to index
        %get3A_537 = arith.constant 96 : index
        %get3A_538 = tpu.vector_load %arg12[%get3A_536, %get3A_537] {strides = array<i32>} : memref<64x128xf32, #tpu.memory_space<vmem>>, vector<16xf32>,
        %get3A_539 = arith.index_cast %add3A_488 : i32 to index
        %get3A_540 = arith.constant 96 : index
        %get3A_541 = tpu.vector_load %arg14[%get3A_539, %get3A_540] {strides = array<i32>} : memref<64x128xf32, #tpu.memory_space<vmem>>, vector<16xf32>,
        %mul3A_542 = arith.mulf %get3A_538, %get3A_541 : vector<16xf32>
        %add3A_543 = arith.addf %add3A_535, %mul3A_542 : vector<16xf32>
        %get3A_544 = arith.index_cast %add3A_488 : i32 to index
        %get3A_545 = arith.constant 112 : index
        %get3A_546 = tpu.vector_load %arg12[%get3A_544, %get3A_545] {strides = array<i32>} : memref<64x128xf32, #tpu.memory_space<vmem>>, vector<16xf32>,
        %get3A_547 = arith.index_cast %add3A_488 : i32 to index
        %get3A_548 = arith.constant 112 : index
        %get3A_549 = tpu.vector_load %arg14[%get3A_547, %get3A_548] {strides = array<i32>} : memref<64x128xf32, #tpu.memory_space<vmem>>, vector<16xf32>,
        %mul3A_550 = arith.mulf %get3A_546, %get3A_549 : vector<16xf32>
        %add3A_551 = arith.addf %add3A_543, %mul3A_550 : vector<16xf32>
        %swap3A_552 = arith.constant 102 : index
        %swap3A_553 = tpu.vector_load %arg11[%swap3A_552] {strides = array<i32>} : memref<272xf32, #tpu.memory_space<vmem>>, vector<16xf32>,
        tpu.vector_store %arg11[%swap3A_552], %add3A_551 {strides = array<i32>} : memref<272xf32, #tpu.memory_space<vmem>>, vector<16xf32>,
        %add3A_554 = arith.constant 7 : i32
        %add3A_555 = arith.addi %mul3A_86, %add3A_554 : i32
        %get3A_556 = arith.index_cast %add3A_555 : i32 to index
        %get3A_557 = arith.constant 0 : index
        %get3A_558 = tpu.vector_load %arg12[%get3A_556, %get3A_557] {strides = array<i32>} : memref<64x128xf32, #tpu.memory_space<vmem>>, vector<16xf32>,
        %get3A_559 = arith.index_cast %add3A_555 : i32 to index
        %get3A_560 = arith.constant 0 : index
        %get3A_561 = tpu.vector_load %arg14[%get3A_559, %get3A_560] {strides = array<i32>} : memref<64x128xf32, #tpu.memory_space<vmem>>, vector<16xf32>,
        %mul3A_562 = arith.mulf %get3A_558, %get3A_561 : vector<16xf32>
        %get3A_563 = arith.index_cast %add3A_555 : i32 to index
        %get3A_564 = arith.constant 16 : index
        %get3A_565 = tpu.vector_load %arg12[%get3A_563, %get3A_564] {strides = array<i32>} : memref<64x128xf32, #tpu.memory_space<vmem>>, vector<16xf32>,
        %get3A_566 = arith.index_cast %add3A_555 : i32 to index
        %get3A_567 = arith.constant 16 : index
        %get3A_568 = tpu.vector_load %arg14[%get3A_566, %get3A_567] {strides = array<i32>} : memref<64x128xf32, #tpu.memory_space<vmem>>, vector<16xf32>,
        %mul3A_569 = arith.mulf %get3A_565, %get3A_568 : vector<16xf32>
        %add3A_570 = arith.addf %mul3A_562, %mul3A_569 : vector<16xf32>
        %get3A_571 = arith.index_cast %add3A_555 : i32 to index
        %get3A_572 = arith.constant 32 : index
        %get3A_573 = tpu.vector_load %arg12[%get3A_571, %get3A_572] {strides = array<i32>} : memref<64x128xf32, #tpu.memory_space<vmem>>, vector<16xf32>,
        %get3A_574 = arith.index_cast %add3A_555 : i32 to index
        %get3A_575 = arith.constant 32 : index
        %get3A_576 = tpu.vector_load %arg14[%get3A_574, %get3A_575] {strides = array<i32>} : memref<64x128xf32, #tpu.memory_space<vmem>>, vector<16xf32>,
        %mul3A_577 = arith.mulf %get3A_573, %get3A_576 : vector<16xf32>
        %add3A_578 = arith.addf %add3A_570, %mul3A_577 : vector<16xf32>
        %get3A_579 = arith.index_cast %add3A_555 : i32 to index
        %get3A_580 = arith.constant 48 : index
        %get3A_581 = tpu.vector_load %arg12[%get3A_579, %get3A_580] {strides = array<i32>} : memref<64x128xf32, #tpu.memory_space<vmem>>, vector<16xf32>,
        %get3A_582 = arith.index_cast %add3A_555 : i32 to index
        %get3A_583 = arith.constant 48 : index
        %get3A_584 = tpu.vector_load %arg14[%get3A_582, %get3A_583] {strides = array<i32>} : memref<64x128xf32, #tpu.memory_space<vmem>>, vector<16xf32>,
        %mul3A_585 = arith.mulf %get3A_581, %get3A_584 : vector<16xf32>
        %add3A_586 = arith.addf %add3A_578, %mul3A_585 : vector<16xf32>
        %get3A_587 = arith.index_cast %add3A_555 : i32 to index
        %get3A_588 = arith.constant 64 : index
        %get3A_589 = tpu.vector_load %arg12[%get3A_587, %get3A_588] {strides = array<i32>} : memref<64x128xf32, #tpu.memory_space<vmem>>, vector<16xf32>,
        %get3A_590 = arith.index_cast %add3A_555 : i32 to index
        %get3A_591 = arith.constant 64 : index
        %get3A_592 = tpu.vector_load %arg14[%get3A_590, %get3A_591] {strides = array<i32>} : memref<64x128xf32, #tpu.memory_space<vmem>>, vector<16xf32>,
        %mul3A_593 = arith.mulf %get3A_589, %get3A_592 : vector<16xf32>
        %add3A_594 = arith.addf %add3A_586, %mul3A_593 : vector<16xf32>
        %get3A_595 = arith.index_cast %add3A_555 : i32 to index
        %get3A_596 = arith.constant 80 : index
        %get3A_597 = tpu.vector_load %arg12[%get3A_595, %get3A_596] {strides = array<i32>} : memref<64x128xf32, #tpu.memory_space<vmem>>, vector<16xf32>,
        %get3A_598 = arith.index_cast %add3A_555 : i32 to index
        %get3A_599 = arith.constant 80 : index
        %get3A_600 = tpu.vector_load %arg14[%get3A_598, %get3A_599] {strides = array<i32>} : memref<64x128xf32, #tpu.memory_space<vmem>>, vector<16xf32>,
        %mul3A_601 = arith.mulf %get3A_597, %get3A_600 : vector<16xf32>
        %add3A_602 = arith.addf %add3A_594, %mul3A_601 : vector<16xf32>
        %get3A_603 = arith.index_cast %add3A_555 : i32 to index
        %get3A_604 = arith.constant 96 : index
        %get3A_605 = tpu.vector_load %arg12[%get3A_603, %get3A_604] {strides = array<i32>} : memref<64x128xf32, #tpu.memory_space<vmem>>, vector<16xf32>,
        %get3A_606 = arith.index_cast %add3A_555 : i32 to index
        %get3A_607 = arith.constant 96 : index
        %get3A_608 = tpu.vector_load %arg14[%get3A_606, %get3A_607] {strides = array<i32>} : memref<64x128xf32, #tpu.memory_space<vmem>>, vector<16xf32>,
        %mul3A_609 = arith.mulf %get3A_605, %get3A_608 : vector<16xf32>
        %add3A_610 = arith.addf %add3A_602, %mul3A_609 : vector<16xf32>
        %get3A_611 = arith.index_cast %add3A_555 : i32 to index
        %get3A_612 = arith.constant 112 : index
        %get3A_613 = tpu.vector_load %arg12[%get3A_611, %get3A_612] {strides = array<i32>} : memref<64x128xf32, #tpu.memory_space<vmem>>, vector<16xf32>,
        %get3A_614 = arith.index_cast %add3A_555 : i32 to index
        %get3A_615 = arith.constant 112 : index
        %get3A_616 = tpu.vector_load %arg14[%get3A_614, %get3A_615] {strides = array<i32>} : memref<64x128xf32, #tpu.memory_space<vmem>>, vector<16xf32>,
        %mul3A_617 = arith.mulf %get3A_613, %get3A_616 : vector<16xf32>
        %add3A_618 = arith.addf %add3A_610, %mul3A_617 : vector<16xf32>
        %swap3A_619 = arith.constant 119 : index
        %swap3A_620 = tpu.vector_load %arg11[%swap3A_619] {strides = array<i32>} : memref<272xf32, #tpu.memory_space<vmem>>, vector<16xf32>,
        tpu.vector_store %arg11[%swap3A_619], %add3A_618 {strides = array<i32>} : memref<272xf32, #tpu.memory_space<vmem>>, vector<16xf32>,
        %add3A_621 = arith.constant 8 : i32
        %add3A_622 = arith.addi %mul3A_86, %add3A_621 : i32
        %get3A_623 = arith.index_cast %add3A_622 : i32 to index
        %get3A_624 = arith.constant 0 : index
        %get3A_625 = tpu.vector_load %arg12[%get3A_623, %get3A_624] {strides = array<i32>} : memref<64x128xf32, #tpu.memory_space<vmem>>, vector<16xf32>,
        %get3A_626 = arith.index_cast %add3A_622 : i32 to index
        %get3A_627 = arith.constant 0 : index
        %get3A_628 = tpu.vector_load %arg14[%get3A_626, %get3A_627] {strides = array<i32>} : memref<64x128xf32, #tpu.memory_space<vmem>>, vector<16xf32>,
        %mul3A_629 = arith.mulf %get3A_625, %get3A_628 : vector<16xf32>
        %get3A_630 = arith.index_cast %add3A_622 : i32 to index
        %get3A_631 = arith.constant 16 : index
        %get3A_632 = tpu.vector_load %arg12[%get3A_630, %get3A_631] {strides = array<i32>} : memref<64x128xf32, #tpu.memory_space<vmem>>, vector<16xf32>,
        %get3A_633 = arith.index_cast %add3A_622 : i32 to index
        %get3A_634 = arith.constant 16 : index
        %get3A_635 = tpu.vector_load %arg14[%get3A_633, %get3A_634] {strides = array<i32>} : memref<64x128xf32, #tpu.memory_space<vmem>>, vector<16xf32>,
        %mul3A_636 = arith.mulf %get3A_632, %get3A_635 : vector<16xf32>
        %add3A_637 = arith.addf %mul3A_629, %mul3A_636 : vector<16xf32>
        %get3A_638 = arith.index_cast %add3A_622 : i32 to index
        %get3A_639 = arith.constant 32 : index
        %get3A_640 = tpu.vector_load %arg12[%get3A_638, %get3A_639] {strides = array<i32>} : memref<64x128xf32, #tpu.memory_space<vmem>>, vector<16xf32>,
        %get3A_641 = arith.index_cast %add3A_622 : i32 to index
        %get3A_642 = arith.constant 32 : index
        %get3A_643 = tpu.vector_load %arg14[%get3A_641, %get3A_642] {strides = array<i32>} : memref<64x128xf32, #tpu.memory_space<vmem>>, vector<16xf32>,
        %mul3A_644 = arith.mulf %get3A_640, %get3A_643 : vector<16xf32>
        %add3A_645 = arith.addf %add3A_637, %mul3A_644 : vector<16xf32>
        %get3A_646 = arith.index_cast %add3A_622 : i32 to index
        %get3A_647 = arith.constant 48 : index
        %get3A_648 = tpu.vector_load %arg12[%get3A_646, %get3A_647] {strides = array<i32>} : memref<64x128xf32, #tpu.memory_space<vmem>>, vector<16xf32>,
        %get3A_649 = arith.index_cast %add3A_622 : i32 to index
        %get3A_650 = arith.constant 48 : index
        %get3A_651 = tpu.vector_load %arg14[%get3A_649, %get3A_650] {strides = array<i32>} : memref<64x128xf32, #tpu.memory_space<vmem>>, vector<16xf32>,
        %mul3A_652 = arith.mulf %get3A_648, %get3A_651 : vector<16xf32>
        %add3A_653 = arith.addf %add3A_645, %mul3A_652 : vector<16xf32>
        %get3A_654 = arith.index_cast %add3A_622 : i32 to index
        %get3A_655 = arith.constant 64 : index
        %get3A_656 = tpu.vector_load %arg12[%get3A_654, %get3A_655] {strides = array<i32>} : memref<64x128xf32, #tpu.memory_space<vmem>>, vector<16xf32>,
        %get3A_657 = arith.index_cast %add3A_622 : i32 to index
        %get3A_658 = arith.constant 64 : index
        %get3A_659 = tpu.vector_load %arg14[%get3A_657, %get3A_658] {strides = array<i32>} : memref<64x128xf32, #tpu.memory_space<vmem>>, vector<16xf32>,
        %mul3A_660 = arith.mulf %get3A_656, %get3A_659 : vector<16xf32>
        %add3A_661 = arith.addf %add3A_653, %mul3A_660 : vector<16xf32>
        %get3A_662 = arith.index_cast %add3A_622 : i32 to index
        %get3A_663 = arith.constant 80 : index
        %get3A_664 = tpu.vector_load %arg12[%get3A_662, %get3A_663] {strides = array<i32>} : memref<64x128xf32, #tpu.memory_space<vmem>>, vector<16xf32>,
        %get3A_665 = arith.index_cast %add3A_622 : i32 to index
        %get3A_666 = arith.constant 80 : index
        %get3A_667 = tpu.vector_load %arg14[%get3A_665, %get3A_666] {strides = array<i32>} : memref<64x128xf32, #tpu.memory_space<vmem>>, vector<16xf32>,
        %mul3A_668 = arith.mulf %get3A_664, %get3A_667 : vector<16xf32>
        %add3A_669 = arith.addf %add3A_661, %mul3A_668 : vector<16xf32>
        %get3A_670 = arith.index_cast %add3A_622 : i32 to index
        %get3A_671 = arith.constant 96 : index
        %get3A_672 = tpu.vector_load %arg12[%get3A_670, %get3A_671] {strides = array<i32>} : memref<64x128xf32, #tpu.memory_space<vmem>>, vector<16xf32>,
        %get3A_673 = arith.index_cast %add3A_622 : i32 to index
        %get3A_674 = arith.constant 96 : index
        %get3A_675 = tpu.vector_load %arg14[%get3A_673, %get3A_674] {strides = array<i32>} : memref<64x128xf32, #tpu.memory_space<vmem>>, vector<16xf32>,
        %mul3A_676 = arith.mulf %get3A_672, %get3A_675 : vector<16xf32>
        %add3A_677 = arith.addf %add3A_669, %mul3A_676 : vector<16xf32>
        %get3A_678 = arith.index_cast %add3A_622 : i32 to index
        %get3A_679 = arith.constant 112 : index
        %get3A_680 = tpu.vector_load %arg12[%get3A_678, %get3A_679] {strides = array<i32>} : memref<64x128xf32, #tpu.memory_space<vmem>>, vector<16xf32>,
        %get3A_681 = arith.index_cast %add3A_622 : i32 to index
        %get3A_682 = arith.constant 112 : index
        %get3A_683 = tpu.vector_load %arg14[%get3A_681, %get3A_682] {strides = array<i32>} : memref<64x128xf32, #tpu.memory_space<vmem>>, vector<16xf32>,
        %mul3A_684 = arith.mulf %get3A_680, %get3A_683 : vector<16xf32>
        %add3A_685 = arith.addf %add3A_677, %mul3A_684 : vector<16xf32>
        %swap3A_686 = arith.constant 136 : index
        %swap3A_687 = tpu.vector_load %arg11[%swap3A_686] {strides = array<i32>} : memref<272xf32, #tpu.memory_space<vmem>>, vector<16xf32>,
        tpu.vector_store %arg11[%swap3A_686], %add3A_685 {strides = array<i32>} : memref<272xf32, #tpu.memory_space<vmem>>, vector<16xf32>,
        %add3A_688 = arith.constant 9 : i32
        %add3A_689 = arith.addi %mul3A_86, %add3A_688 : i32
        %get3A_690 = arith.index_cast %add3A_689 : i32 to index
        %get3A_691 = arith.constant 0 : index
        %get3A_692 = tpu.vector_load %arg12[%get3A_690, %get3A_691] {strides = array<i32>} : memref<64x128xf32, #tpu.memory_space<vmem>>, vector<16xf32>,
        %get3A_693 = arith.index_cast %add3A_689 : i32 to index
        %get3A_694 = arith.constant 0 : index
        %get3A_695 = tpu.vector_load %arg14[%get3A_693, %get3A_694] {strides = array<i32>} : memref<64x128xf32, #tpu.memory_space<vmem>>, vector<16xf32>,
        %mul3A_696 = arith.mulf %get3A_692, %get3A_695 : vector<16xf32>
        %get3A_697 = arith.index_cast %add3A_689 : i32 to index
        %get3A_698 = arith.constant 16 : index
        %get3A_699 = tpu.vector_load %arg12[%get3A_697, %get3A_698] {strides = array<i32>} : memref<64x128xf32, #tpu.memory_space<vmem>>, vector<16xf32>,
        %get3A_700 = arith.index_cast %add3A_689 : i32 to index
        %get3A_701 = arith.constant 16 : index
        %get3A_702 = tpu.vector_load %arg14[%get3A_700, %get3A_701] {strides = array<i32>} : memref<64x128xf32, #tpu.memory_space<vmem>>, vector<16xf32>,
        %mul3A_703 = arith.mulf %get3A_699, %get3A_702 : vector<16xf32>
        %add3A_704 = arith.addf %mul3A_696, %mul3A_703 : vector<16xf32>
        %get3A_705 = arith.index_cast %add3A_689 : i32 to index
        %get3A_706 = arith.constant 32 : index
        %get3A_707 = tpu.vector_load %arg12[%get3A_705, %get3A_706] {strides = array<i32>} : memref<64x128xf32, #tpu.memory_space<vmem>>, vector<16xf32>,
        %get3A_708 = arith.index_cast %add3A_689 : i32 to index
        %get3A_709 = arith.constant 32 : index
        %get3A_710 = tpu.vector_load %arg14[%get3A_708, %get3A_709] {strides = array<i32>} : memref<64x128xf32, #tpu.memory_space<vmem>>, vector<16xf32>,
        %mul3A_711 = arith.mulf %get3A_707, %get3A_710 : vector<16xf32>
        %add3A_712 = arith.addf %add3A_704, %mul3A_711 : vector<16xf32>
        %get3A_713 = arith.index_cast %add3A_689 : i32 to index
        %get3A_714 = arith.constant 48 : index
        %get3A_715 = tpu.vector_load %arg12[%get3A_713, %get3A_714] {strides = array<i32>} : memref<64x128xf32, #tpu.memory_space<vmem>>, vector<16xf32>,
        %get3A_716 = arith.index_cast %add3A_689 : i32 to index
        %get3A_717 = arith.constant 48 : index
        %get3A_718 = tpu.vector_load %arg14[%get3A_716, %get3A_717] {strides = array<i32>} : memref<64x128xf32, #tpu.memory_space<vmem>>, vector<16xf32>,
        %mul3A_719 = arith.mulf %get3A_715, %get3A_718 : vector<16xf32>
        %add3A_720 = arith.addf %add3A_712, %mul3A_719 : vector<16xf32>
        %get3A_721 = arith.index_cast %add3A_689 : i32 to index
        %get3A_722 = arith.constant 64 : index
        %get3A_723 = tpu.vector_load %arg12[%get3A_721, %get3A_722] {strides = array<i32>} : memref<64x128xf32, #tpu.memory_space<vmem>>, vector<16xf32>,
        %get3A_724 = arith.index_cast %add3A_689 : i32 to index
        %get3A_725 = arith.constant 64 : index
        %get3A_726 = tpu.vector_load %arg14[%get3A_724, %get3A_725] {strides = array<i32>} : memref<64x128xf32, #tpu.memory_space<vmem>>, vector<16xf32>,
        %mul3A_727 = arith.mulf %get3A_723, %get3A_726 : vector<16xf32>
        %add3A_728 = arith.addf %add3A_720, %mul3A_727 : vector<16xf32>
        %get3A_729 = arith.index_cast %add3A_689 : i32 to index
        %get3A_730 = arith.constant 80 : index
        %get3A_731 = tpu.vector_load %arg12[%get3A_729, %get3A_730] {strides = array<i32>} : memref<64x128xf32, #tpu.memory_space<vmem>>, vector<16xf32>,
        %get3A_732 = arith.index_cast %add3A_689 : i32 to index
        %get3A_733 = arith.constant 80 : index
        %get3A_734 = tpu.vector_load %arg14[%get3A_732, %get3A_733] {strides = array<i32>} : memref<64x128xf32, #tpu.memory_space<vmem>>, vector<16xf32>,
        %mul3A_735 = arith.mulf %get3A_731, %get3A_734 : vector<16xf32>
        %add3A_736 = arith.addf %add3A_728, %mul3A_735 : vector<16xf32>
        %get3A_737 = arith.index_cast %add3A_689 : i32 to index
        %get3A_738 = arith.constant 96 : index
        %get3A_739 = tpu.vector_load %arg12[%get3A_737, %get3A_738] {strides = array<i32>} : memref<64x128xf32, #tpu.memory_space<vmem>>, vector<16xf32>,
        %get3A_740 = arith.index_cast %add3A_689 : i32 to index
        %get3A_741 = arith.constant 96 : index
        %get3A_742 = tpu.vector_load %arg14[%get3A_740, %get3A_741] {strides = array<i32>} : memref<64x128xf32, #tpu.memory_space<vmem>>, vector<16xf32>,
        %mul3A_743 = arith.mulf %get3A_739, %get3A_742 : vector<16xf32>
        %add3A_744 = arith.addf %add3A_736, %mul3A_743 : vector<16xf32>
        %get3A_745 = arith.index_cast %add3A_689 : i32 to index
        %get3A_746 = arith.constant 112 : index
        %get3A_747 = tpu.vector_load %arg12[%get3A_745, %get3A_746] {strides = array<i32>} : memref<64x128xf32, #tpu.memory_space<vmem>>, vector<16xf32>,
        %get3A_748 = arith.index_cast %add3A_689 : i32 to index
        %get3A_749 = arith.constant 112 : index
        %get3A_750 = tpu.vector_load %arg14[%get3A_748, %get3A_749] {strides = array<i32>} : memref<64x128xf32, #tpu.memory_space<vmem>>, vector<16xf32>,
        %mul3A_751 = arith.mulf %get3A_747, %get3A_750 : vector<16xf32>
        %add3A_752 = arith.addf %add3A_744, %mul3A_751 : vector<16xf32>
        %swap3A_753 = arith.constant 153 : index
        %swap3A_754 = tpu.vector_load %arg11[%swap3A_753] {strides = array<i32>} : memref<272xf32, #tpu.memory_space<vmem>>, vector<16xf32>,
        tpu.vector_store %arg11[%swap3A_753], %add3A_752 {strides = array<i32>} : memref<272xf32, #tpu.memory_space<vmem>>, vector<16xf32>,
        %add3A_755 = arith.constant 10 : i32
        %add3A_756 = arith.addi %mul3A_86, %add3A_755 : i32
        %get3A_757 = arith.index_cast %add3A_756 : i32 to index
        %get3A_758 = arith.constant 0 : index
        %get3A_759 = tpu.vector_load %arg12[%get3A_757, %get3A_758] {strides = array<i32>} : memref<64x128xf32, #tpu.memory_space<vmem>>, vector<16xf32>,
        %get3A_760 = arith.index_cast %add3A_756 : i32 to index
        %get3A_761 = arith.constant 0 : index
        %get3A_762 = tpu.vector_load %arg14[%get3A_760, %get3A_761] {strides = array<i32>} : memref<64x128xf32, #tpu.memory_space<vmem>>, vector<16xf32>,
        %mul3A_763 = arith.mulf %get3A_759, %get3A_762 : vector<16xf32>
        %get3A_764 = arith.index_cast %add3A_756 : i32 to index
        %get3A_765 = arith.constant 16 : index
        %get3A_766 = tpu.vector_load %arg12[%get3A_764, %get3A_765] {strides = array<i32>} : memref<64x128xf32, #tpu.memory_space<vmem>>, vector<16xf32>,
        %get3A_767 = arith.index_cast %add3A_756 : i32 to index
        %get3A_768 = arith.constant 16 : index
        %get3A_769 = tpu.vector_load %arg14[%get3A_767, %get3A_768] {strides = array<i32>} : memref<64x128xf32, #tpu.memory_space<vmem>>, vector<16xf32>,
        %mul3A_770 = arith.mulf %get3A_766, %get3A_769 : vector<16xf32>
        %add3A_771 = arith.addf %mul3A_763, %mul3A_770 : vector<16xf32>
        %get3A_772 = arith.index_cast %add3A_756 : i32 to index
        %get3A_773 = arith.constant 32 : index
        %get3A_774 = tpu.vector_load %arg12[%get3A_772, %get3A_773] {strides = array<i32>} : memref<64x128xf32, #tpu.memory_space<vmem>>, vector<16xf32>,
        %get3A_775 = arith.index_cast %add3A_756 : i32 to index
        %get3A_776 = arith.constant 32 : index
        %get3A_777 = tpu.vector_load %arg14[%get3A_775, %get3A_776] {strides = array<i32>} : memref<64x128xf32, #tpu.memory_space<vmem>>, vector<16xf32>,
        %mul3A_778 = arith.mulf %get3A_774, %get3A_777 : vector<16xf32>
        %add3A_779 = arith.addf %add3A_771, %mul3A_778 : vector<16xf32>
        %get3A_780 = arith.index_cast %add3A_756 : i32 to index
        %get3A_781 = arith.constant 48 : index
        %get3A_782 = tpu.vector_load %arg12[%get3A_780, %get3A_781] {strides = array<i32>} : memref<64x128xf32, #tpu.memory_space<vmem>>, vector<16xf32>,
        %get3A_783 = arith.index_cast %add3A_756 : i32 to index
        %get3A_784 = arith.constant 48 : index
        %get3A_785 = tpu.vector_load %arg14[%get3A_783, %get3A_784] {strides = array<i32>} : memref<64x128xf32, #tpu.memory_space<vmem>>, vector<16xf32>,
        %mul3A_786 = arith.mulf %get3A_782, %get3A_785 : vector<16xf32>
        %add3A_787 = arith.addf %add3A_779, %mul3A_786 : vector<16xf32>
        %get3A_788 = arith.index_cast %add3A_756 : i32 to index
        %get3A_789 = arith.constant 64 : index
        %get3A_790 = tpu.vector_load %arg12[%get3A_788, %get3A_789] {strides = array<i32>} : memref<64x128xf32, #tpu.memory_space<vmem>>, vector<16xf32>,
        %get3A_791 = arith.index_cast %add3A_756 : i32 to index
        %get3A_792 = arith.constant 64 : index
        %get3A_793 = tpu.vector_load %arg14[%get3A_791, %get3A_792] {strides = array<i32>} : memref<64x128xf32, #tpu.memory_space<vmem>>, vector<16xf32>,
        %mul3A_794 = arith.mulf %get3A_790, %get3A_793 : vector<16xf32>
        %add3A_795 = arith.addf %add3A_787, %mul3A_794 : vector<16xf32>
        %get3A_796 = arith.index_cast %add3A_756 : i32 to index
        %get3A_797 = arith.constant 80 : index
        %get3A_798 = tpu.vector_load %arg12[%get3A_796, %get3A_797] {strides = array<i32>} : memref<64x128xf32, #tpu.memory_space<vmem>>, vector<16xf32>,
        %get3A_799 = arith.index_cast %add3A_756 : i32 to index
        %get3A_800 = arith.constant 80 : index
        %get3A_801 = tpu.vector_load %arg14[%get3A_799, %get3A_800] {strides = array<i32>} : memref<64x128xf32, #tpu.memory_space<vmem>>, vector<16xf32>,
        %mul3A_802 = arith.mulf %get3A_798, %get3A_801 : vector<16xf32>
        %add3A_803 = arith.addf %add3A_795, %mul3A_802 : vector<16xf32>
        %get3A_804 = arith.index_cast %add3A_756 : i32 to index
        %get3A_805 = arith.constant 96 : index
        %get3A_806 = tpu.vector_load %arg12[%get3A_804, %get3A_805] {strides = array<i32>} : memref<64x128xf32, #tpu.memory_space<vmem>>, vector<16xf32>,
        %get3A_807 = arith.index_cast %add3A_756 : i32 to index
        %get3A_808 = arith.constant 96 : index
        %get3A_809 = tpu.vector_load %arg14[%get3A_807, %get3A_808] {strides = array<i32>} : memref<64x128xf32, #tpu.memory_space<vmem>>, vector<16xf32>,
        %mul3A_810 = arith.mulf %get3A_806, %get3A_809 : vector<16xf32>
        %add3A_811 = arith.addf %add3A_803, %mul3A_810 : vector<16xf32>
        %get3A_812 = arith.index_cast %add3A_756 : i32 to index
        %get3A_813 = arith.constant 112 : index
        %get3A_814 = tpu.vector_load %arg12[%get3A_812, %get3A_813] {strides = array<i32>} : memref<64x128xf32, #tpu.memory_space<vmem>>, vector<16xf32>,
        %get3A_815 = arith.index_cast %add3A_756 : i32 to index
        %get3A_816 = arith.constant 112 : index
        %get3A_817 = tpu.vector_load %arg14[%get3A_815, %get3A_816] {strides = array<i32>} : memref<64x128xf32, #tpu.memory_space<vmem>>, vector<16xf32>,
        %mul3A_818 = arith.mulf %get3A_814, %get3A_817 : vector<16xf32>
        %add3A_819 = arith.addf %add3A_811, %mul3A_818 : vector<16xf32>
        %swap3A_820 = arith.constant 170 : index
        %swap3A_821 = tpu.vector_load %arg11[%swap3A_820] {strides = array<i32>} : memref<272xf32, #tpu.memory_space<vmem>>, vector<16xf32>,
        tpu.vector_store %arg11[%swap3A_820], %add3A_819 {strides = array<i32>} : memref<272xf32, #tpu.memory_space<vmem>>, vector<16xf32>,
        %add3A_822 = arith.constant 11 : i32
        %add3A_823 = arith.addi %mul3A_86, %add3A_822 : i32
        %get3A_824 = arith.index_cast %add3A_823 : i32 to index
        %get3A_825 = arith.constant 0 : index
        %get3A_826 = tpu.vector_load %arg12[%get3A_824, %get3A_825] {strides = array<i32>} : memref<64x128xf32, #tpu.memory_space<vmem>>, vector<16xf32>,
        %get3A_827 = arith.index_cast %add3A_823 : i32 to index
        %get3A_828 = arith.constant 0 : index
        %get3A_829 = tpu.vector_load %arg14[%get3A_827, %get3A_828] {strides = array<i32>} : memref<64x128xf32, #tpu.memory_space<vmem>>, vector<16xf32>,
        %mul3A_830 = arith.mulf %get3A_826, %get3A_829 : vector<16xf32>
        %get3A_831 = arith.index_cast %add3A_823 : i32 to index
        %get3A_832 = arith.constant 16 : index
        %get3A_833 = tpu.vector_load %arg12[%get3A_831, %get3A_832] {strides = array<i32>} : memref<64x128xf32, #tpu.memory_space<vmem>>, vector<16xf32>,
        %get3A_834 = arith.index_cast %add3A_823 : i32 to index
        %get3A_835 = arith.constant 16 : index
        %get3A_836 = tpu.vector_load %arg14[%get3A_834, %get3A_835] {strides = array<i32>} : memref<64x128xf32, #tpu.memory_space<vmem>>, vector<16xf32>,
        %mul3A_837 = arith.mulf %get3A_833, %get3A_836 : vector<16xf32>
        %add3A_838 = arith.addf %mul3A_830, %mul3A_837 : vector<16xf32>
        %get3A_839 = arith.index_cast %add3A_823 : i32 to index
        %get3A_840 = arith.constant 32 : index
        %get3A_841 = tpu.vector_load %arg12[%get3A_839, %get3A_840] {strides = array<i32>} : memref<64x128xf32, #tpu.memory_space<vmem>>, vector<16xf32>,
        %get3A_842 = arith.index_cast %add3A_823 : i32 to index
        %get3A_843 = arith.constant 32 : index
        %get3A_844 = tpu.vector_load %arg14[%get3A_842, %get3A_843] {strides = array<i32>} : memref<64x128xf32, #tpu.memory_space<vmem>>, vector<16xf32>,
        %mul3A_845 = arith.mulf %get3A_841, %get3A_844 : vector<16xf32>
        %add3A_846 = arith.addf %add3A_838, %mul3A_845 : vector<16xf32>
        %get3A_847 = arith.index_cast %add3A_823 : i32 to index
        %get3A_848 = arith.constant 48 : index
        %get3A_849 = tpu.vector_load %arg12[%get3A_847, %get3A_848] {strides = array<i32>} : memref<64x128xf32, #tpu.memory_space<vmem>>, vector<16xf32>,
        %get3A_850 = arith.index_cast %add3A_823 : i32 to index
        %get3A_851 = arith.constant 48 : index
        %get3A_852 = tpu.vector_load %arg14[%get3A_850, %get3A_851] {strides = array<i32>} : memref<64x128xf32, #tpu.memory_space<vmem>>, vector<16xf32>,
        %mul3A_853 = arith.mulf %get3A_849, %get3A_852 : vector<16xf32>
        %add3A_854 = arith.addf %add3A_846, %mul3A_853 : vector<16xf32>
        %get3A_855 = arith.index_cast %add3A_823 : i32 to index
        %get3A_856 = arith.constant 64 : index
        %get3A_857 = tpu.vector_load %arg12[%get3A_855, %get3A_856] {strides = array<i32>} : memref<64x128xf32, #tpu.memory_space<vmem>>, vector<16xf32>,
        %get3A_858 = arith.index_cast %add3A_823 : i32 to index
        %get3A_859 = arith.constant 64 : index
        %get3A_860 = tpu.vector_load %arg14[%get3A_858, %get3A_859] {strides = array<i32>} : memref<64x128xf32, #tpu.memory_space<vmem>>, vector<16xf32>,
        %mul3A_861 = arith.mulf %get3A_857, %get3A_860 : vector<16xf32>
        %add3A_862 = arith.addf %add3A_854, %mul3A_861 : vector<16xf32>
        %get3A_863 = arith.index_cast %add3A_823 : i32 to index
        %get3A_864 = arith.constant 80 : index
        %get3A_865 = tpu.vector_load %arg12[%get3A_863, %get3A_864] {strides = array<i32>} : memref<64x128xf32, #tpu.memory_space<vmem>>, vector<16xf32>,
        %get3A_866 = arith.index_cast %add3A_823 : i32 to index
        %get3A_867 = arith.constant 80 : index
        %get3A_868 = tpu.vector_load %arg14[%get3A_866, %get3A_867] {strides = array<i32>} : memref<64x128xf32, #tpu.memory_space<vmem>>, vector<16xf32>,
        %mul3A_869 = arith.mulf %get3A_865, %get3A_868 : vector<16xf32>
        %add3A_870 = arith.addf %add3A_862, %mul3A_869 : vector<16xf32>
        %get3A_871 = arith.index_cast %add3A_823 : i32 to index
        %get3A_872 = arith.constant 96 : index
        %get3A_873 = tpu.vector_load %arg12[%get3A_871, %get3A_872] {strides = array<i32>} : memref<64x128xf32, #tpu.memory_space<vmem>>, vector<16xf32>,
        %get3A_874 = arith.index_cast %add3A_823 : i32 to index
        %get3A_875 = arith.constant 96 : index
        %get3A_876 = tpu.vector_load %arg14[%get3A_874, %get3A_875] {strides = array<i32>} : memref<64x128xf32, #tpu.memory_space<vmem>>, vector<16xf32>,
        %mul3A_877 = arith.mulf %get3A_873, %get3A_876 : vector<16xf32>
        %add3A_878 = arith.addf %add3A_870, %mul3A_877 : vector<16xf32>
        %get3A_879 = arith.index_cast %add3A_823 : i32 to index
        %get3A_880 = arith.constant 112 : index
        %get3A_881 = tpu.vector_load %arg12[%get3A_879, %get3A_880] {strides = array<i32>} : memref<64x128xf32, #tpu.memory_space<vmem>>, vector<16xf32>,
        %get3A_882 = arith.index_cast %add3A_823 : i32 to index
        %get3A_883 = arith.constant 112 : index
        %get3A_884 = tpu.vector_load %arg14[%get3A_882, %get3A_883] {strides = array<i32>} : memref<64x128xf32, #tpu.memory_space<vmem>>, vector<16xf32>,
        %mul3A_885 = arith.mulf %get3A_881, %get3A_884 : vector<16xf32>
        %add3A_886 = arith.addf %add3A_878, %mul3A_885 : vector<16xf32>
        %swap3A_887 = arith.constant 187 : index
        %swap3A_888 = tpu.vector_load %arg11[%swap3A_887] {strides = array<i32>} : memref<272xf32, #tpu.memory_space<vmem>>, vector<16xf32>,
        tpu.vector_store %arg11[%swap3A_887], %add3A_886 {strides = array<i32>} : memref<272xf32, #tpu.memory_space<vmem>>, vector<16xf32>,
        %add3A_889 = arith.constant 12 : i32
        %add3A_890 = arith.addi %mul3A_86, %add3A_889 : i32
        %get3A_891 = arith.index_cast %add3A_890 : i32 to index
        %get3A_892 = arith.constant 0 : index
        %get3A_893 = tpu.vector_load %arg12[%get3A_891, %get3A_892] {strides = array<i32>} : memref<64x128xf32, #tpu.memory_space<vmem>>, vector<16xf32>,
        %get3A_894 = arith.index_cast %add3A_890 : i32 to index
        %get3A_895 = arith.constant 0 : index
        %get3A_896 = tpu.vector_load %arg14[%get3A_894, %get3A_895] {strides = array<i32>} : memref<64x128xf32, #tpu.memory_space<vmem>>, vector<16xf32>,
        %mul3A_897 = arith.mulf %get3A_893, %get3A_896 : vector<16xf32>
        %get3A_898 = arith.index_cast %add3A_890 : i32 to index
        %get3A_899 = arith.constant 16 : index
        %get3A_900 = tpu.vector_load %arg12[%get3A_898, %get3A_899] {strides = array<i32>} : memref<64x128xf32, #tpu.memory_space<vmem>>, vector<16xf32>,
        %get3A_901 = arith.index_cast %add3A_890 : i32 to index
        %get3A_902 = arith.constant 16 : index
        %get3A_903 = tpu.vector_load %arg14[%get3A_901, %get3A_902] {strides = array<i32>} : memref<64x128xf32, #tpu.memory_space<vmem>>, vector<16xf32>,
        %mul3A_904 = arith.mulf %get3A_900, %get3A_903 : vector<16xf32>
        %add3A_905 = arith.addf %mul3A_897, %mul3A_904 : vector<16xf32>
        %get3A_906 = arith.index_cast %add3A_890 : i32 to index
        %get3A_907 = arith.constant 32 : index
        %get3A_908 = tpu.vector_load %arg12[%get3A_906, %get3A_907] {strides = array<i32>} : memref<64x128xf32, #tpu.memory_space<vmem>>, vector<16xf32>,
        %get3A_909 = arith.index_cast %add3A_890 : i32 to index
        %get3A_910 = arith.constant 32 : index
        %get3A_911 = tpu.vector_load %arg14[%get3A_909, %get3A_910] {strides = array<i32>} : memref<64x128xf32, #tpu.memory_space<vmem>>, vector<16xf32>,
        %mul3A_912 = arith.mulf %get3A_908, %get3A_911 : vector<16xf32>
        %add3A_913 = arith.addf %add3A_905, %mul3A_912 : vector<16xf32>
        %get3A_914 = arith.index_cast %add3A_890 : i32 to index
        %get3A_915 = arith.constant 48 : index
        %get3A_916 = tpu.vector_load %arg12[%get3A_914, %get3A_915] {strides = array<i32>} : memref<64x128xf32, #tpu.memory_space<vmem>>, vector<16xf32>,
        %get3A_917 = arith.index_cast %add3A_890 : i32 to index
        %get3A_918 = arith.constant 48 : index
        %get3A_919 = tpu.vector_load %arg14[%get3A_917, %get3A_918] {strides = array<i32>} : memref<64x128xf32, #tpu.memory_space<vmem>>, vector<16xf32>,
        %mul3A_920 = arith.mulf %get3A_916, %get3A_919 : vector<16xf32>
        %add3A_921 = arith.addf %add3A_913, %mul3A_920 : vector<16xf32>
        %get3A_922 = arith.index_cast %add3A_890 : i32 to index
        %get3A_923 = arith.constant 64 : index
        %get3A_924 = tpu.vector_load %arg12[%get3A_922, %get3A_923] {strides = array<i32>} : memref<64x128xf32, #tpu.memory_space<vmem>>, vector<16xf32>,
        %get3A_925 = arith.index_cast %add3A_890 : i32 to index
        %get3A_926 = arith.constant 64 : index
        %get3A_927 = tpu.vector_load %arg14[%get3A_925, %get3A_926] {strides = array<i32>} : memref<64x128xf32, #tpu.memory_space<vmem>>, vector<16xf32>,
        %mul3A_928 = arith.mulf %get3A_924, %get3A_927 : vector<16xf32>
        %add3A_929 = arith.addf %add3A_921, %mul3A_928 : vector<16xf32>
        %get3A_930 = arith.index_cast %add3A_890 : i32 to index
        %get3A_931 = arith.constant 80 : index
        %get3A_932 = tpu.vector_load %arg12[%get3A_930, %get3A_931] {strides = array<i32>} : memref<64x128xf32, #tpu.memory_space<vmem>>, vector<16xf32>,
        %get3A_933 = arith.index_cast %add3A_890 : i32 to index
        %get3A_934 = arith.constant 80 : index
        %get3A_935 = tpu.vector_load %arg14[%get3A_933, %get3A_934] {strides = array<i32>} : memref<64x128xf32, #tpu.memory_space<vmem>>, vector<16xf32>,
        %mul3A_936 = arith.mulf %get3A_932, %get3A_935 : vector<16xf32>
        %add3A_937 = arith.addf %add3A_929, %mul3A_936 : vector<16xf32>
        %get3A_938 = arith.index_cast %add3A_890 : i32 to index
        %get3A_939 = arith.constant 96 : index
        %get3A_940 = tpu.vector_load %arg12[%get3A_938, %get3A_939] {strides = array<i32>} : memref<64x128xf32, #tpu.memory_space<vmem>>, vector<16xf32>,
        %get3A_941 = arith.index_cast %add3A_890 : i32 to index
        %get3A_942 = arith.constant 96 : index
        %get3A_943 = tpu.vector_load %arg14[%get3A_941, %get3A_942] {strides = array<i32>} : memref<64x128xf32, #tpu.memory_space<vmem>>, vector<16xf32>,
        %mul3A_944 = arith.mulf %get3A_940, %get3A_943 : vector<16xf32>
        %add3A_945 = arith.addf %add3A_937, %mul3A_944 : vector<16xf32>
        %get3A_946 = arith.index_cast %add3A_890 : i32 to index
        %get3A_947 = arith.constant 112 : index
        %get3A_948 = tpu.vector_load %arg12[%get3A_946, %get3A_947] {strides = array<i32>} : memref<64x128xf32, #tpu.memory_space<vmem>>, vector<16xf32>,
        %get3A_949 = arith.index_cast %add3A_890 : i32 to index
        %get3A_950 = arith.constant 112 : index
        %get3A_951 = tpu.vector_load %arg14[%get3A_949, %get3A_950] {strides = array<i32>} : memref<64x128xf32, #tpu.memory_space<vmem>>, vector<16xf32>,
        %mul3A_952 = arith.mulf %get3A_948, %get3A_951 : vector<16xf32>
        %add3A_953 = arith.addf %add3A_945, %mul3A_952 : vector<16xf32>
        %swap3A_954 = arith.constant 204 : index
        %swap3A_955 = tpu.vector_load %arg11[%swap3A_954] {strides = array<i32>} : memref<272xf32, #tpu.memory_space<vmem>>, vector<16xf32>,
        tpu.vector_store %arg11[%swap3A_954], %add3A_953 {strides = array<i32>} : memref<272xf32, #tpu.memory_space<vmem>>, vector<16xf32>,
        %add3A_956 = arith.constant 13 : i32
        %add3A_957 = arith.addi %mul3A_86, %add3A_956 : i32
        %get3A_958 = arith.index_cast %add3A_957 : i32 to index
        %get3A_959 = arith.constant 0 : index
        %get3A_960 = tpu.vector_load %arg12[%get3A_958, %get3A_959] {strides = array<i32>} : memref<64x128xf32, #tpu.memory_space<vmem>>, vector<16xf32>,
        %get3A_961 = arith.index_cast %add3A_957 : i32 to index
        %get3A_962 = arith.constant 0 : index
        %get3A_963 = tpu.vector_load %arg14[%get3A_961, %get3A_962] {strides = array<i32>} : memref<64x128xf32, #tpu.memory_space<vmem>>, vector<16xf32>,
        %mul3A_964 = arith.mulf %get3A_960, %get3A_963 : vector<16xf32>
        %get3A_965 = arith.index_cast %add3A_957 : i32 to index
        %get3A_966 = arith.constant 16 : index
        %get3A_967 = tpu.vector_load %arg12[%get3A_965, %get3A_966] {strides = array<i32>} : memref<64x128xf32, #tpu.memory_space<vmem>>, vector<16xf32>,
        %get3A_968 = arith.index_cast %add3A_957 : i32 to index
        %get3A_969 = arith.constant 16 : index
        %get3A_970 = tpu.vector_load %arg14[%get3A_968, %get3A_969] {strides = array<i32>} : memref<64x128xf32, #tpu.memory_space<vmem>>, vector<16xf32>,
        %mul3A_971 = arith.mulf %get3A_967, %get3A_970 : vector<16xf32>
        %add3A_972 = arith.addf %mul3A_964, %mul3A_971 : vector<16xf32>
        %get3A_973 = arith.index_cast %add3A_957 : i32 to index
        %get3A_974 = arith.constant 32 : index
        %get3A_975 = tpu.vector_load %arg12[%get3A_973, %get3A_974] {strides = array<i32>} : memref<64x128xf32, #tpu.memory_space<vmem>>, vector<16xf32>,
        %get3A_976 = arith.index_cast %add3A_957 : i32 to index
        %get3A_977 = arith.constant 32 : index
        %get3A_978 = tpu.vector_load %arg14[%get3A_976, %get3A_977] {strides = array<i32>} : memref<64x128xf32, #tpu.memory_space<vmem>>, vector<16xf32>,
        %mul3A_979 = arith.mulf %get3A_975, %get3A_978 : vector<16xf32>
        %add3A_980 = arith.addf %add3A_972, %mul3A_979 : vector<16xf32>
        %get3A_981 = arith.index_cast %add3A_957 : i32 to index
        %get3A_982 = arith.constant 48 : index
        %get3A_983 = tpu.vector_load %arg12[%get3A_981, %get3A_982] {strides = array<i32>} : memref<64x128xf32, #tpu.memory_space<vmem>>, vector<16xf32>,
        %get3A_984 = arith.index_cast %add3A_957 : i32 to index
        %get3A_985 = arith.constant 48 : index
        %get3A_986 = tpu.vector_load %arg14[%get3A_984, %get3A_985] {strides = array<i32>} : memref<64x128xf32, #tpu.memory_space<vmem>>, vector<16xf32>,
        %mul3A_987 = arith.mulf %get3A_983, %get3A_986 : vector<16xf32>
        %add3A_988 = arith.addf %add3A_980, %mul3A_987 : vector<16xf32>
        %get3A_989 = arith.index_cast %add3A_957 : i32 to index
        %get3A_990 = arith.constant 64 : index
        %get3A_991 = tpu.vector_load %arg12[%get3A_989, %get3A_990] {strides = array<i32>} : memref<64x128xf32, #tpu.memory_space<vmem>>, vector<16xf32>,
        %get3A_992 = arith.index_cast %add3A_957 : i32 to index
        %get3A_993 = arith.constant 64 : index
        %get3A_994 = tpu.vector_load %arg14[%get3A_992, %get3A_993] {strides = array<i32>} : memref<64x128xf32, #tpu.memory_space<vmem>>, vector<16xf32>,
        %mul3A_995 = arith.mulf %get3A_991, %get3A_994 : vector<16xf32>
        %add3A_996 = arith.addf %add3A_988, %mul3A_995 : vector<16xf32>
        %get3A_997 = arith.index_cast %add3A_957 : i32 to index
        %get3A_998 = arith.constant 80 : index
        %get3A_999 = tpu.vector_load %arg12[%get3A_997, %get3A_998] {strides = array<i32>} : memref<64x128xf32, #tpu.memory_space<vmem>>, vector<16xf32>,
        %get3A_1000 = arith.index_cast %add3A_957 : i32 to index
        %get3A_1001 = arith.constant 80 : index
        %get3A_1002 = tpu.vector_load %arg14[%get3A_1000, %get3A_1001] {strides = array<i32>} : memref<64x128xf32, #tpu.memory_space<vmem>>, vector<16xf32>,
        %mul3A_1003 = arith.mulf %get3A_999, %get3A_1002 : vector<16xf32>
        %add3A_1004 = arith.addf %add3A_996, %mul3A_1003 : vector<16xf32>
        %get3A_1005 = arith.index_cast %add3A_957 : i32 to index
        %get3A_1006 = arith.constant 96 : index
        %get3A_1007 = tpu.vector_load %arg12[%get3A_1005, %get3A_1006] {strides = array<i32>} : memref<64x128xf32, #tpu.memory_space<vmem>>, vector<16xf32>,
        %get3A_1008 = arith.index_cast %add3A_957 : i32 to index
        %get3A_1009 = arith.constant 96 : index
        %get3A_1010 = tpu.vector_load %arg14[%get3A_1008, %get3A_1009] {strides = array<i32>} : memref<64x128xf32, #tpu.memory_space<vmem>>, vector<16xf32>,
        %mul3A_1011 = arith.mulf %get3A_1007, %get3A_1010 : vector<16xf32>
        %add3A_1012 = arith.addf %add3A_1004, %mul3A_1011 : vector<16xf32>
        %get3A_1013 = arith.index_cast %add3A_957 : i32 to index
        %get3A_1014 = arith.constant 112 : index
        %get3A_1015 = tpu.vector_load %arg12[%get3A_1013, %get3A_1014] {strides = array<i32>} : memref<64x128xf32, #tpu.memory_space<vmem>>, vector<16xf32>,
        %get3A_1016 = arith.index_cast %add3A_957 : i32 to index
        %get3A_1017 = arith.constant 112 : index
        %get3A_1018 = tpu.vector_load %arg14[%get3A_1016, %get3A_1017] {strides = array<i32>} : memref<64x128xf32, #tpu.memory_space<vmem>>, vector<16xf32>,
        %mul3A_1019 = arith.mulf %get3A_1015, %get3A_1018 : vector<16xf32>
        %add3A_1020 = arith.addf %add3A_1012, %mul3A_1019 : vector<16xf32>
        %swap3A_1021 = arith.constant 221 : index
        %swap3A_1022 = tpu.vector_load %arg11[%swap3A_1021] {strides = array<i32>} : memref<272xf32, #tpu.memory_space<vmem>>, vector<16xf32>,
        tpu.vector_store %arg11[%swap3A_1021], %add3A_1020 {strides = array<i32>} : memref<272xf32, #tpu.memory_space<vmem>>, vector<16xf32>,
        %add3A_1023 = arith.constant 14 : i32
        %add3A_1024 = arith.addi %mul3A_86, %add3A_1023 : i32
        %get3A_1025 = arith.index_cast %add3A_1024 : i32 to index
        %get3A_1026 = arith.constant 0 : index
        %get3A_1027 = tpu.vector_load %arg12[%get3A_1025, %get3A_1026] {strides = array<i32>} : memref<64x128xf32, #tpu.memory_space<vmem>>, vector<16xf32>,
        %get3A_1028 = arith.index_cast %add3A_1024 : i32 to index
        %get3A_1029 = arith.constant 0 : index
        %get3A_1030 = tpu.vector_load %arg14[%get3A_1028, %get3A_1029] {strides = array<i32>} : memref<64x128xf32, #tpu.memory_space<vmem>>, vector<16xf32>,
        %mul3A_1031 = arith.mulf %get3A_1027, %get3A_1030 : vector<16xf32>
        %get3A_1032 = arith.index_cast %add3A_1024 : i32 to index
        %get3A_1033 = arith.constant 16 : index
        %get3A_1034 = tpu.vector_load %arg12[%get3A_1032, %get3A_1033] {strides = array<i32>} : memref<64x128xf32, #tpu.memory_space<vmem>>, vector<16xf32>,
        %get3A_1035 = arith.index_cast %add3A_1024 : i32 to index
        %get3A_1036 = arith.constant 16 : index
        %get3A_1037 = tpu.vector_load %arg14[%get3A_1035, %get3A_1036] {strides = array<i32>} : memref<64x128xf32, #tpu.memory_space<vmem>>, vector<16xf32>,
        %mul3A_1038 = arith.mulf %get3A_1034, %get3A_1037 : vector<16xf32>
        %add3A_1039 = arith.addf %mul3A_1031, %mul3A_1038 : vector<16xf32>
        %get3A_1040 = arith.index_cast %add3A_1024 : i32 to index
        %get3A_1041 = arith.constant 32 : index
        %get3A_1042 = tpu.vector_load %arg12[%get3A_1040, %get3A_1041] {strides = array<i32>} : memref<64x128xf32, #tpu.memory_space<vmem>>, vector<16xf32>,
        %get3A_1043 = arith.index_cast %add3A_1024 : i32 to index
        %get3A_1044 = arith.constant 32 : index
        %get3A_1045 = tpu.vector_load %arg14[%get3A_1043, %get3A_1044] {strides = array<i32>} : memref<64x128xf32, #tpu.memory_space<vmem>>, vector<16xf32>,
        %mul3A_1046 = arith.mulf %get3A_1042, %get3A_1045 : vector<16xf32>
        %add3A_1047 = arith.addf %add3A_1039, %mul3A_1046 : vector<16xf32>
        %get3A_1048 = arith.index_cast %add3A_1024 : i32 to index
        %get3A_1049 = arith.constant 48 : index
        %get3A_1050 = tpu.vector_load %arg12[%get3A_1048, %get3A_1049] {strides = array<i32>} : memref<64x128xf32, #tpu.memory_space<vmem>>, vector<16xf32>,
        %get3A_1051 = arith.index_cast %add3A_1024 : i32 to index
        %get3A_1052 = arith.constant 48 : index
        %get3A_1053 = tpu.vector_load %arg14[%get3A_1051, %get3A_1052] {strides = array<i32>} : memref<64x128xf32, #tpu.memory_space<vmem>>, vector<16xf32>,
        %mul3A_1054 = arith.mulf %get3A_1050, %get3A_1053 : vector<16xf32>
        %add3A_1055 = arith.addf %add3A_1047, %mul3A_1054 : vector<16xf32>
        %get3A_1056 = arith.index_cast %add3A_1024 : i32 to index
        %get3A_1057 = arith.constant 64 : index
        %get3A_1058 = tpu.vector_load %arg12[%get3A_1056, %get3A_1057] {strides = array<i32>} : memref<64x128xf32, #tpu.memory_space<vmem>>, vector<16xf32>,
        %get3A_1059 = arith.index_cast %add3A_1024 : i32 to index
        %get3A_1060 = arith.constant 64 : index
        %get3A_1061 = tpu.vector_load %arg14[%get3A_1059, %get3A_1060] {strides = array<i32>} : memref<64x128xf32, #tpu.memory_space<vmem>>, vector<16xf32>,
        %mul3A_1062 = arith.mulf %get3A_1058, %get3A_1061 : vector<16xf32>
        %add3A_1063 = arith.addf %add3A_1055, %mul3A_1062 : vector<16xf32>
        %get3A_1064 = arith.index_cast %add3A_1024 : i32 to index
        %get3A_1065 = arith.constant 80 : index
        %get3A_1066 = tpu.vector_load %arg12[%get3A_1064, %get3A_1065] {strides = array<i32>} : memref<64x128xf32, #tpu.memory_space<vmem>>, vector<16xf32>,
        %get3A_1067 = arith.index_cast %add3A_1024 : i32 to index
        %get3A_1068 = arith.constant 80 : index
        %get3A_1069 = tpu.vector_load %arg14[%get3A_1067, %get3A_1068] {strides = array<i32>} : memref<64x128xf32, #tpu.memory_space<vmem>>, vector<16xf32>,
        %mul3A_1070 = arith.mulf %get3A_1066, %get3A_1069 : vector<16xf32>
        %add3A_1071 = arith.addf %add3A_1063, %mul3A_1070 : vector<16xf32>
        %get3A_1072 = arith.index_cast %add3A_1024 : i32 to index
        %get3A_1073 = arith.constant 96 : index
        %get3A_1074 = tpu.vector_load %arg12[%get3A_1072, %get3A_1073] {strides = array<i32>} : memref<64x128xf32, #tpu.memory_space<vmem>>, vector<16xf32>,
        %get3A_1075 = arith.index_cast %add3A_1024 : i32 to index
        %get3A_1076 = arith.constant 96 : index
        %get3A_1077 = tpu.vector_load %arg14[%get3A_1075, %get3A_1076] {strides = array<i32>} : memref<64x128xf32, #tpu.memory_space<vmem>>, vector<16xf32>,
        %mul3A_1078 = arith.mulf %get3A_1074, %get3A_1077 : vector<16xf32>
        %add3A_1079 = arith.addf %add3A_1071, %mul3A_1078 : vector<16xf32>
        %get3A_1080 = arith.index_cast %add3A_1024 : i32 to index
        %get3A_1081 = arith.constant 112 : index
        %get3A_1082 = tpu.vector_load %arg12[%get3A_1080, %get3A_1081] {strides = array<i32>} : memref<64x128xf32, #tpu.memory_space<vmem>>, vector<16xf32>,
        %get3A_1083 = arith.index_cast %add3A_1024 : i32 to index
        %get3A_1084 = arith.constant 112 : index
        %get3A_1085 = tpu.vector_load %arg14[%get3A_1083, %get3A_1084] {strides = array<i32>} : memref<64x128xf32, #tpu.memory_space<vmem>>, vector<16xf32>,
        %mul3A_1086 = arith.mulf %get3A_1082, %get3A_1085 : vector<16xf32>
        %add3A_1087 = arith.addf %add3A_1079, %mul3A_1086 : vector<16xf32>
        %swap3A_1088 = arith.constant 238 : index
        %swap3A_1089 = tpu.vector_load %arg11[%swap3A_1088] {strides = array<i32>} : memref<272xf32, #tpu.memory_space<vmem>>, vector<16xf32>,
        tpu.vector_store %arg11[%swap3A_1088], %add3A_1087 {strides = array<i32>} : memref<272xf32, #tpu.memory_space<vmem>>, vector<16xf32>,
        %add3A_1090 = arith.constant 15 : i32
        %add3A_1091 = arith.addi %mul3A_86, %add3A_1090 : i32
        %get3A_1092 = arith.index_cast %add3A_1091 : i32 to index
        %get3A_1093 = arith.constant 0 : index
        %get3A_1094 = tpu.vector_load %arg12[%get3A_1092, %get3A_1093] {strides = array<i32>} : memref<64x128xf32, #tpu.memory_space<vmem>>, vector<16xf32>,
        %get3A_1095 = arith.index_cast %add3A_1091 : i32 to index
        %get3A_1096 = arith.constant 0 : index
        %get3A_1097 = tpu.vector_load %arg14[%get3A_1095, %get3A_1096] {strides = array<i32>} : memref<64x128xf32, #tpu.memory_space<vmem>>, vector<16xf32>,
        %mul3A_1098 = arith.mulf %get3A_1094, %get3A_1097 : vector<16xf32>
        %get3A_1099 = arith.index_cast %add3A_1091 : i32 to index
        %get3A_1100 = arith.constant 16 : index
        %get3A_1101 = tpu.vector_load %arg12[%get3A_1099, %get3A_1100] {strides = array<i32>} : memref<64x128xf32, #tpu.memory_space<vmem>>, vector<16xf32>,
        %get3A_1102 = arith.index_cast %add3A_1091 : i32 to index
        %get3A_1103 = arith.constant 16 : index
        %get3A_1104 = tpu.vector_load %arg14[%get3A_1102, %get3A_1103] {strides = array<i32>} : memref<64x128xf32, #tpu.memory_space<vmem>>, vector<16xf32>,
        %mul3A_1105 = arith.mulf %get3A_1101, %get3A_1104 : vector<16xf32>
        %add3A_1106 = arith.addf %mul3A_1098, %mul3A_1105 : vector<16xf32>
        %get3A_1107 = arith.index_cast %add3A_1091 : i32 to index
        %get3A_1108 = arith.constant 32 : index
        %get3A_1109 = tpu.vector_load %arg12[%get3A_1107, %get3A_1108] {strides = array<i32>} : memref<64x128xf32, #tpu.memory_space<vmem>>, vector<16xf32>,
        %get3A_1110 = arith.index_cast %add3A_1091 : i32 to index
        %get3A_1111 = arith.constant 32 : index
        %get3A_1112 = tpu.vector_load %arg14[%get3A_1110, %get3A_1111] {strides = array<i32>} : memref<64x128xf32, #tpu.memory_space<vmem>>, vector<16xf32>,
        %mul3A_1113 = arith.mulf %get3A_1109, %get3A_1112 : vector<16xf32>
        %add3A_1114 = arith.addf %add3A_1106, %mul3A_1113 : vector<16xf32>
        %get3A_1115 = arith.index_cast %add3A_1091 : i32 to index
        %get3A_1116 = arith.constant 48 : index
        %get3A_1117 = tpu.vector_load %arg12[%get3A_1115, %get3A_1116] {strides = array<i32>} : memref<64x128xf32, #tpu.memory_space<vmem>>, vector<16xf32>,
        %get3A_1118 = arith.index_cast %add3A_1091 : i32 to index
        %get3A_1119 = arith.constant 48 : index
        %get3A_1120 = tpu.vector_load %arg14[%get3A_1118, %get3A_1119] {strides = array<i32>} : memref<64x128xf32, #tpu.memory_space<vmem>>, vector<16xf32>,
        %mul3A_1121 = arith.mulf %get3A_1117, %get3A_1120 : vector<16xf32>
        %add3A_1122 = arith.addf %add3A_1114, %mul3A_1121 : vector<16xf32>
        %get3A_1123 = arith.index_cast %add3A_1091 : i32 to index
        %get3A_1124 = arith.constant 64 : index
        %get3A_1125 = tpu.vector_load %arg12[%get3A_1123, %get3A_1124] {strides = array<i32>} : memref<64x128xf32, #tpu.memory_space<vmem>>, vector<16xf32>,
        %get3A_1126 = arith.index_cast %add3A_1091 : i32 to index
        %get3A_1127 = arith.constant 64 : index
        %get3A_1128 = tpu.vector_load %arg14[%get3A_1126, %get3A_1127] {strides = array<i32>} : memref<64x128xf32, #tpu.memory_space<vmem>>, vector<16xf32>,
        %mul3A_1129 = arith.mulf %get3A_1125, %get3A_1128 : vector<16xf32>
        %add3A_1130 = arith.addf %add3A_1122, %mul3A_1129 : vector<16xf32>
        %get3A_1131 = arith.index_cast %add3A_1091 : i32 to index
        %get3A_1132 = arith.constant 80 : index
        %get3A_1133 = tpu.vector_load %arg12[%get3A_1131, %get3A_1132] {strides = array<i32>} : memref<64x128xf32, #tpu.memory_space<vmem>>, vector<16xf32>,
        %get3A_1134 = arith.index_cast %add3A_1091 : i32 to index
        %get3A_1135 = arith.constant 80 : index
        %get3A_1136 = tpu.vector_load %arg14[%get3A_1134, %get3A_1135] {strides = array<i32>} : memref<64x128xf32, #tpu.memory_space<vmem>>, vector<16xf32>,
        %mul3A_1137 = arith.mulf %get3A_1133, %get3A_1136 : vector<16xf32>
        %add3A_1138 = arith.addf %add3A_1130, %mul3A_1137 : vector<16xf32>
        %get3A_1139 = arith.index_cast %add3A_1091 : i32 to index
        %get3A_1140 = arith.constant 96 : index
        %get3A_1141 = tpu.vector_load %arg12[%get3A_1139, %get3A_1140] {strides = array<i32>} : memref<64x128xf32, #tpu.memory_space<vmem>>, vector<16xf32>,
        %get3A_1142 = arith.index_cast %add3A_1091 : i32 to index
        %get3A_1143 = arith.constant 96 : index
        %get3A_1144 = tpu.vector_load %arg14[%get3A_1142, %get3A_1143] {strides = array<i32>} : memref<64x128xf32, #tpu.memory_space<vmem>>, vector<16xf32>,
        %mul3A_1145 = arith.mulf %get3A_1141, %get3A_1144 : vector<16xf32>
        %add3A_1146 = arith.addf %add3A_1138, %mul3A_1145 : vector<16xf32>
        %get3A_1147 = arith.index_cast %add3A_1091 : i32 to index
        %get3A_1148 = arith.constant 112 : index
        %get3A_1149 = tpu.vector_load %arg12[%get3A_1147, %get3A_1148] {strides = array<i32>} : memref<64x128xf32, #tpu.memory_space<vmem>>, vector<16xf32>,
        %get3A_1150 = arith.index_cast %add3A_1091 : i32 to index
        %get3A_1151 = arith.constant 112 : index
        %get3A_1152 = tpu.vector_load %arg14[%get3A_1150, %get3A_1151] {strides = array<i32>} : memref<64x128xf32, #tpu.memory_space<vmem>>, vector<16xf32>,
        %mul3A_1153 = arith.mulf %get3A_1149, %get3A_1152 : vector<16xf32>
        %add3A_1154 = arith.addf %add3A_1146, %mul3A_1153 : vector<16xf32>
        %swap3A_1155 = arith.constant 255 : index
        %swap3A_1156 = tpu.vector_load %arg11[%swap3A_1155] {strides = array<i32>} : memref<272xf32, #tpu.memory_space<vmem>>, vector<16xf32>,
        tpu.vector_store %arg11[%swap3A_1155], %add3A_1154 {strides = array<i32>} : memref<272xf32, #tpu.memory_space<vmem>>, vector<16xf32>,
        %gather3A_1157 = tpu.vector_load_idx %arg11[%mul3A_5] : memref<272xf32, #tpu.memory_space<vmem>>[vector<16xi32>], vector<16xf32>,
        %add3A_1158 = arith.constant 1 : i32
        %add3A_1159 = vector.broadcast %add3A_1158 : i32 to vector<16xi32>
        %add3A_1160 = arith.addi %mul3A_5, %add3A_1159 : vector<16xi32>
        %gather3A_1161 = tpu.vector_load_idx %arg11[%add3A_1160] : memref<272xf32, #tpu.memory_space<vmem>>[vector<16xi32>], vector<16xf32>,
        %add3A_1162 = arith.addf %gather3A_1157, %gather3A_1161 : vector<16xf32>
        %add3A_1163 = arith.constant 2 : i32
        %add3A_1164 = vector.broadcast %add3A_1163 : i32 to vector<16xi32>
        %add3A_1165 = arith.addi %mul3A_5, %add3A_1164 : vector<16xi32>
        %gather3A_1166 = tpu.vector_load_idx %arg11[%add3A_1165] : memref<272xf32, #tpu.memory_space<vmem>>[vector<16xi32>], vector<16xf32>,
        %add3A_1167 = arith.addf %add3A_1162, %gather3A_1166 : vector<16xf32>
        %add3A_1168 = arith.constant 3 : i32
        %add3A_1169 = vector.broadcast %add3A_1168 : i32 to vector<16xi32>
        %add3A_1170 = arith.addi %mul3A_5, %add3A_1169 : vector<16xi32>
        %gather3A_1171 = tpu.vector_load_idx %arg11[%add3A_1170] : memref<272xf32, #tpu.memory_space<vmem>>[vector<16xi32>], vector<16xf32>,
        %add3A_1172 = arith.addf %add3A_1167, %gather3A_1171 : vector<16xf32>
        %add3A_1173 = arith.constant 4 : i32
        %add3A_1174 = vector.broadcast %add3A_1173 : i32 to vector<16xi32>
        %add3A_1175 = arith.addi %mul3A_5, %add3A_1174 : vector<16xi32>
        %gather3A_1176 = tpu.vector_load_idx %arg11[%add3A_1175] : memref<272xf32, #tpu.memory_space<vmem>>[vector<16xi32>], vector<16xf32>,
        %add3A_1177 = arith.addf %add3A_1172, %gather3A_1176 : vector<16xf32>
        %add3A_1178 = arith.constant 5 : i32
        %add3A_1179 = vector.broadcast %add3A_1178 : i32 to vector<16xi32>
        %add3A_1180 = arith.addi %mul3A_5, %add3A_1179 : vector<16xi32>
        %gather3A_1181 = tpu.vector_load_idx %arg11[%add3A_1180] : memref<272xf32, #tpu.memory_space<vmem>>[vector<16xi32>], vector<16xf32>,
        %add3A_1182 = arith.addf %add3A_1177, %gather3A_1181 : vector<16xf32>
        %add3A_1183 = arith.constant 6 : i32
        %add3A_1184 = vector.broadcast %add3A_1183 : i32 to vector<16xi32>
        %add3A_1185 = arith.addi %mul3A_5, %add3A_1184 : vector<16xi32>
        %gather3A_1186 = tpu.vector_load_idx %arg11[%add3A_1185] : memref<272xf32, #tpu.memory_space<vmem>>[vector<16xi32>], vector<16xf32>,
        %add3A_1187 = arith.addf %add3A_1182, %gather3A_1186 : vector<16xf32>
        %add3A_1188 = arith.constant 7 : i32
        %add3A_1189 = vector.broadcast %add3A_1188 : i32 to vector<16xi32>
        %add3A_1190 = arith.addi %mul3A_5, %add3A_1189 : vector<16xi32>
        %gather3A_1191 = tpu.vector_load_idx %arg11[%add3A_1190] : memref<272xf32, #tpu.memory_space<vmem>>[vector<16xi32>], vector<16xf32>,
        %add3A_1192 = arith.addf %add3A_1187, %gather3A_1191 : vector<16xf32>
        %add3A_1193 = arith.constant 8 : i32
        %add3A_1194 = vector.broadcast %add3A_1193 : i32 to vector<16xi32>
        %add3A_1195 = arith.addi %mul3A_5, %add3A_1194 : vector<16xi32>
        %gather3A_1196 = tpu.vector_load_idx %arg11[%add3A_1195] : memref<272xf32, #tpu.memory_space<vmem>>[vector<16xi32>], vector<16xf32>,
        %add3A_1197 = arith.addf %add3A_1192, %gather3A_1196 : vector<16xf32>
        %add3A_1198 = arith.constant 9 : i32
        %add3A_1199 = vector.broadcast %add3A_1198 : i32 to vector<16xi32>
        %add3A_1200 = arith.addi %mul3A_5, %add3A_1199 : vector<16xi32>
        %gather3A_1201 = tpu.vector_load_idx %arg11[%add3A_1200] : memref<272xf32, #tpu.memory_space<vmem>>[vector<16xi32>], vector<16xf32>,
        %add3A_1202 = arith.addf %add3A_1197, %gather3A_1201 : vector<16xf32>
        %add3A_1203 = arith.constant 10 : i32
        %add3A_1204 = vector.broadcast %add3A_1203 : i32 to vector<16xi32>
        %add3A_1205 = arith.addi %mul3A_5, %add3A_1204 : vector<16xi32>
        %gather3A_1206 = tpu.vector_load_idx %arg11[%add3A_1205] : memref<272xf32, #tpu.memory_space<vmem>>[vector<16xi32>], vector<16xf32>,
        %add3A_1207 = arith.addf %add3A_1202, %gather3A_1206 : vector<16xf32>
        %add3A_1208 = arith.constant 11 : i32
        %add3A_1209 = vector.broadcast %add3A_1208 : i32 to vector<16xi32>
        %add3A_1210 = arith.addi %mul3A_5, %add3A_1209 : vector<16xi32>
        %gather3A_1211 = tpu.vector_load_idx %arg11[%add3A_1210] : memref<272xf32, #tpu.memory_space<vmem>>[vector<16xi32>], vector<16xf32>,
        %add3A_1212 = arith.addf %add3A_1207, %gather3A_1211 : vector<16xf32>
        %add3A_1213 = arith.constant 12 : i32
        %add3A_1214 = vector.broadcast %add3A_1213 : i32 to vector<16xi32>
        %add3A_1215 = arith.addi %mul3A_5, %add3A_1214 : vector<16xi32>
        %gather3A_1216 = tpu.vector_load_idx %arg11[%add3A_1215] : memref<272xf32, #tpu.memory_space<vmem>>[vector<16xi32>], vector<16xf32>,
        %add3A_1217 = arith.addf %add3A_1212, %gather3A_1216 : vector<16xf32>
        %add3A_1218 = arith.constant 13 : i32
        %add3A_1219 = vector.broadcast %add3A_1218 : i32 to vector<16xi32>
        %add3A_1220 = arith.addi %mul3A_5, %add3A_1219 : vector<16xi32>
        %gather3A_1221 = tpu.vector_load_idx %arg11[%add3A_1220] : memref<272xf32, #tpu.memory_space<vmem>>[vector<16xi32>], vector<16xf32>,
        %add3A_1222 = arith.addf %add3A_1217, %gather3A_1221 : vector<16xf32>
        %add3A_1223 = arith.constant 14 : i32
        %add3A_1224 = vector.broadcast %add3A_1223 : i32 to vector<16xi32>
        %add3A_1225 = arith.addi %mul3A_5, %add3A_1224 : vector<16xi32>
        %gather3A_1226 = tpu.vector_load_idx %arg11[%add3A_1225] : memref<272xf32, #tpu.memory_space<vmem>>[vector<16xi32>], vector<16xf32>,
        %add3A_1227 = arith.addf %add3A_1222, %gather3A_1226 : vector<16xf32>
        %add3A_1228 = arith.constant 15 : i32
        %add3A_1229 = vector.broadcast %add3A_1228 : i32 to vector<16xi32>
        %add3A_1230 = arith.addi %mul3A_5, %add3A_1229 : vector<16xi32>
        %gather3A_1231 = tpu.vector_load_idx %arg11[%add3A_1230] : memref<272xf32, #tpu.memory_space<vmem>>[vector<16xi32>], vector<16xf32>,
        %add3A_1232 = arith.addf %add3A_1227, %gather3A_1231 : vector<16xf32>
        %add3A_1233 = arith.addf %add3A_1232, %gather3A : vector<16xf32>
        %mul3A_1234 = arith.constant 64 : i32
        %mul3A_1235 = arith.muli %mul3A_50, %mul3A_1234 : i32
        %add3A_1236 = arith.addi %mul3A_1235, %mul3A_86 : i32
        %swap3A_1237 = arith.index_cast %add3A_1236 : i32 to index
        %swap3A_1238 = tpu.vector_load %arg10[%swap3A_1237] {strides = array<i32>} : memref<512xf32, #tpu.memory_space<vmem>>, vector<16xf32>,
        tpu.vector_store %arg10[%swap3A_1237], %add3A_1233 {strides = array<i32>} : memref<512xf32, #tpu.memory_space<vmem>>, vector<16xf32>,
      }
      %scan3A_56 = arith.constant 4 : i32
      %lt3A = arith.constant 3 : i32
      %lt3A_57 = arith.cmpi slt, %scan3A_38, %lt3A : i32
      %convert_element_type3A = arith.extui %lt3A_57 : i1 to i32
      %cond3A = arith.constant 0 : i32
      %cond3A_58 = arith.cmpi ne, %convert_element_type3A, %cond3A : i32
      scf.if %cond3A_58 {
        %mul3A_84 = arith.constant 2 : i32
        %mul3A_85 = arith.muli %mul3A_84, %scan3A_38 : i32
        %add3A_86 = arith.constant 2 : i32
        %add3A_87 = arith.addi %mul3A_85, %add3A_86 : i32
        %mul3A_88 = arith.constant 64 : i32
        %mul3A_89 = arith.muli %add3A_87, %mul3A_88 : i32
        %dma_start3A_90 = tpu.memref_slice %arg8[%mul3A_89] : memref<512xi32, #tpu.memory_space<vmem>> -> memref<64xi32, #tpu.memory_space<vmem>>
        %dma_start3A_91 = arith.constant 0 : i32
        %dma_start3A_92 = arith.constant 0 : i32
        %dma_start3A_93 = tpu.memref_slice %arg4[%dma_start3A_91, %dma_start3A_92] : memref<100000x128xf32, #tpu.memory_space<hbm>> -> memref<100000x128xf32, #tpu.memory_space<hbm>>
        tpu.enqueue_indirect_dma source(%dma_start3A_93 : memref<100000x128xf32, #tpu.memory_space<hbm>>) target(%arg12 : memref<64x128xf32, #tpu.memory_space<vmem>>) offsets(%dma_start3A_90 : memref<64xi32, #tpu.memory_space<vmem>>) semaphore(%arg17 : memref<!tpu.dma_semaphore, #tpu.memory_space<semaphore_mem>>)
        %mul3A_94 = arith.constant 64 : i32
        %mul3A_95 = arith.muli %add3A_87, %mul3A_94 : i32
        %dma_start3A_96 = tpu.memref_slice %arg9[%mul3A_95] : memref<512xi32, #tpu.memory_space<vmem>> -> memref<64xi32, #tpu.memory_space<vmem>>
        %dma_start3A_97 = arith.constant 0 : i32
        %dma_start3A_98 = arith.constant 0 : i32
        %dma_start3A_99 = tpu.memref_slice %arg5[%dma_start3A_97, %dma_start3A_98] : memref<100000x128xf32, #tpu.memory_space<hbm>> -> memref<100000x128xf32, #tpu.memory_space<hbm>>
        tpu.enqueue_indirect_dma source(%dma_start3A_99 : memref<100000x128xf32, #tpu.memory_space<hbm>>) target(%arg14 : memref<64x128xf32, #tpu.memory_space<vmem>>) offsets(%dma_start3A_96 : memref<64xi32, #tpu.memory_space<vmem>>) semaphore(%arg17 : memref<!tpu.dma_semaphore, #tpu.memory_space<semaphore_mem>>)
      } else {
      }
      %dma_wait3A_59 = arith.constant 0 : i32
      %dma_wait3A_60 = tpu.memref_slice %arg8[%dma_wait3A_59] : memref<512xi32, #tpu.memory_space<vmem>> -> memref<64xi32, #tpu.memory_space<vmem>>
      %dma_wait3A_61 = arith.constant 0 : i32
      %dma_wait3A_62 = arith.constant 0 : i32
      %dma_wait3A_63 = tpu.memref_slice %arg4[%dma_wait3A_61, %dma_wait3A_62] : memref<100000x128xf32, #tpu.memory_space<hbm>> -> memref<100000x128xf32, #tpu.memory_space<hbm>>
      tpu.wait_indirect_dma semaphore(%arg18 : memref<!tpu.dma_semaphore, #tpu.memory_space<semaphore_mem>>) src(%dma_wait3A_63 : memref<100000x128xf32, #tpu.memory_space<hbm>>) dst(%arg13 : memref<64x128xf32, #tpu.memory_space<vmem>>)
      %dma_wait3A_64 = arith.constant 0 : i32
      %dma_wait3A_65 = tpu.memref_slice %arg9[%dma_wait3A_64] : memref<512xi32, #tpu.memory_space<vmem>> -> memref<64xi32, #tpu.memory_space<vmem>>
      %dma_wait3A_66 = arith.constant 0 : i32
      %dma_wait3A_67 = arith.constant 0 : i32
      %dma_wait3A_68 = tpu.memref_slice %arg5[%dma_wait3A_66, %dma_wait3A_67] : memref<100000x128xf32, #tpu.memory_space<hbm>> -> memref<100000x128xf32, #tpu.memory_space<hbm>>
      tpu.wait_indirect_dma semaphore(%arg18 : memref<!tpu.dma_semaphore, #tpu.memory_space<semaphore_mem>>) src(%dma_wait3A_68 : memref<100000x128xf32, #tpu.memory_space<hbm>>) dst(%arg15 : memref<64x128xf32, #tpu.memory_space<vmem>>)
      %mul3A_69 = arith.constant 2 : i32
      %mul3A_70 = arith.muli %mul3A_69, %scan3A_38 : i32
      %add3A_71 = arith.constant 1 : i32
      %add3A_72 = arith.addi %mul3A_70, %add3A_71 : i32
      %scan3A_73 = arith.constant 0 : i32
      %scan3A_74 = arith.constant 0 : i32
      %scan3A_75 = arith.constant 4 : i32
      %scan3A_76 = arith.addi %scan3A_74, %scan3A_75 : i32
      %scan3A_77 = arith.constant 1 : i32
      scf.for %scan3A_84 = %scan3A_74 to %scan3A_76 step %scan3A_77  : i32 {
        %mul3A_85 = arith.constant 16 : i32
        %mul3A_86 = arith.muli %scan3A_84, %mul3A_85 : i32
        %add3A_87 = arith.constant 0 : i32
        %add3A_88 = arith.addi %mul3A_86, %add3A_87 : i32
        %get3A = arith.index_cast %add3A_88 : i32 to index
        %get3A_89 = arith.constant 0 : index
        %get3A_90 = tpu.vector_load %arg13[%get3A, %get3A_89] {strides = array<i32>} : memref<64x128xf32, #tpu.memory_space<vmem>>, vector<16xf32>,
        %get3A_91 = arith.index_cast %add3A_88 : i32 to index
        %get3A_92 = arith.constant 0 : index
        %get3A_93 = tpu.vector_load %arg15[%get3A_91, %get3A_92] {strides = array<i32>} : memref<64x128xf32, #tpu.memory_space<vmem>>, vector<16xf32>,
        %mul3A_94 = arith.mulf %get3A_90, %get3A_93 : vector<16xf32>
        %get3A_95 = arith.index_cast %add3A_88 : i32 to index
        %get3A_96 = arith.constant 16 : index
        %get3A_97 = tpu.vector_load %arg13[%get3A_95, %get3A_96] {strides = array<i32>} : memref<64x128xf32, #tpu.memory_space<vmem>>, vector<16xf32>,
        %get3A_98 = arith.index_cast %add3A_88 : i32 to index
        %get3A_99 = arith.constant 16 : index
        %get3A_100 = tpu.vector_load %arg15[%get3A_98, %get3A_99] {strides = array<i32>} : memref<64x128xf32, #tpu.memory_space<vmem>>, vector<16xf32>,
        %mul3A_101 = arith.mulf %get3A_97, %get3A_100 : vector<16xf32>
        %add3A_102 = arith.addf %mul3A_94, %mul3A_101 : vector<16xf32>
        %get3A_103 = arith.index_cast %add3A_88 : i32 to index
        %get3A_104 = arith.constant 32 : index
        %get3A_105 = tpu.vector_load %arg13[%get3A_103, %get3A_104] {strides = array<i32>} : memref<64x128xf32, #tpu.memory_space<vmem>>, vector<16xf32>,
        %get3A_106 = arith.index_cast %add3A_88 : i32 to index
        %get3A_107 = arith.constant 32 : index
        %get3A_108 = tpu.vector_load %arg15[%get3A_106, %get3A_107] {strides = array<i32>} : memref<64x128xf32, #tpu.memory_space<vmem>>, vector<16xf32>,
        %mul3A_109 = arith.mulf %get3A_105, %get3A_108 : vector<16xf32>
        %add3A_110 = arith.addf %add3A_102, %mul3A_109 : vector<16xf32>
        %get3A_111 = arith.index_cast %add3A_88 : i32 to index
        %get3A_112 = arith.constant 48 : index
        %get3A_113 = tpu.vector_load %arg13[%get3A_111, %get3A_112] {strides = array<i32>} : memref<64x128xf32, #tpu.memory_space<vmem>>, vector<16xf32>,
        %get3A_114 = arith.index_cast %add3A_88 : i32 to index
        %get3A_115 = arith.constant 48 : index
        %get3A_116 = tpu.vector_load %arg15[%get3A_114, %get3A_115] {strides = array<i32>} : memref<64x128xf32, #tpu.memory_space<vmem>>, vector<16xf32>,
        %mul3A_117 = arith.mulf %get3A_113, %get3A_116 : vector<16xf32>
        %add3A_118 = arith.addf %add3A_110, %mul3A_117 : vector<16xf32>
        %get3A_119 = arith.index_cast %add3A_88 : i32 to index
        %get3A_120 = arith.constant 64 : index
        %get3A_121 = tpu.vector_load %arg13[%get3A_119, %get3A_120] {strides = array<i32>} : memref<64x128xf32, #tpu.memory_space<vmem>>, vector<16xf32>,
        %get3A_122 = arith.index_cast %add3A_88 : i32 to index
        %get3A_123 = arith.constant 64 : index
        %get3A_124 = tpu.vector_load %arg15[%get3A_122, %get3A_123] {strides = array<i32>} : memref<64x128xf32, #tpu.memory_space<vmem>>, vector<16xf32>,
        %mul3A_125 = arith.mulf %get3A_121, %get3A_124 : vector<16xf32>
        %add3A_126 = arith.addf %add3A_118, %mul3A_125 : vector<16xf32>
        %get3A_127 = arith.index_cast %add3A_88 : i32 to index
        %get3A_128 = arith.constant 80 : index
        %get3A_129 = tpu.vector_load %arg13[%get3A_127, %get3A_128] {strides = array<i32>} : memref<64x128xf32, #tpu.memory_space<vmem>>, vector<16xf32>,
        %get3A_130 = arith.index_cast %add3A_88 : i32 to index
        %get3A_131 = arith.constant 80 : index
        %get3A_132 = tpu.vector_load %arg15[%get3A_130, %get3A_131] {strides = array<i32>} : memref<64x128xf32, #tpu.memory_space<vmem>>, vector<16xf32>,
        %mul3A_133 = arith.mulf %get3A_129, %get3A_132 : vector<16xf32>
        %add3A_134 = arith.addf %add3A_126, %mul3A_133 : vector<16xf32>
        %get3A_135 = arith.index_cast %add3A_88 : i32 to index
        %get3A_136 = arith.constant 96 : index
        %get3A_137 = tpu.vector_load %arg13[%get3A_135, %get3A_136] {strides = array<i32>} : memref<64x128xf32, #tpu.memory_space<vmem>>, vector<16xf32>,
        %get3A_138 = arith.index_cast %add3A_88 : i32 to index
        %get3A_139 = arith.constant 96 : index
        %get3A_140 = tpu.vector_load %arg15[%get3A_138, %get3A_139] {strides = array<i32>} : memref<64x128xf32, #tpu.memory_space<vmem>>, vector<16xf32>,
        %mul3A_141 = arith.mulf %get3A_137, %get3A_140 : vector<16xf32>
        %add3A_142 = arith.addf %add3A_134, %mul3A_141 : vector<16xf32>
        %get3A_143 = arith.index_cast %add3A_88 : i32 to index
        %get3A_144 = arith.constant 112 : index
        %get3A_145 = tpu.vector_load %arg13[%get3A_143, %get3A_144] {strides = array<i32>} : memref<64x128xf32, #tpu.memory_space<vmem>>, vector<16xf32>,
        %get3A_146 = arith.index_cast %add3A_88 : i32 to index
        %get3A_147 = arith.constant 112 : index
        %get3A_148 = tpu.vector_load %arg15[%get3A_146, %get3A_147] {strides = array<i32>} : memref<64x128xf32, #tpu.memory_space<vmem>>, vector<16xf32>,
        %mul3A_149 = arith.mulf %get3A_145, %get3A_148 : vector<16xf32>
        %add3A_150 = arith.addf %add3A_142, %mul3A_149 : vector<16xf32>
        %swap3A = arith.constant 0 : index
        %swap3A_151 = tpu.vector_load %arg11[%swap3A] {strides = array<i32>} : memref<272xf32, #tpu.memory_space<vmem>>, vector<16xf32>,
        tpu.vector_store %arg11[%swap3A], %add3A_150 {strides = array<i32>} : memref<272xf32, #tpu.memory_space<vmem>>, vector<16xf32>,
        %add3A_152 = arith.constant 1 : i32
        %add3A_153 = arith.addi %mul3A_86, %add3A_152 : i32
        %get3A_154 = arith.index_cast %add3A_153 : i32 to index
        %get3A_155 = arith.constant 0 : index
        %get3A_156 = tpu.vector_load %arg13[%get3A_154, %get3A_155] {strides = array<i32>} : memref<64x128xf32, #tpu.memory_space<vmem>>, vector<16xf32>,
        %get3A_157 = arith.index_cast %add3A_153 : i32 to index
        %get3A_158 = arith.constant 0 : index
        %get3A_159 = tpu.vector_load %arg15[%get3A_157, %get3A_158] {strides = array<i32>} : memref<64x128xf32, #tpu.memory_space<vmem>>, vector<16xf32>,
        %mul3A_160 = arith.mulf %get3A_156, %get3A_159 : vector<16xf32>
        %get3A_161 = arith.index_cast %add3A_153 : i32 to index
        %get3A_162 = arith.constant 16 : index
        %get3A_163 = tpu.vector_load %arg13[%get3A_161, %get3A_162] {strides = array<i32>} : memref<64x128xf32, #tpu.memory_space<vmem>>, vector<16xf32>,
        %get3A_164 = arith.index_cast %add3A_153 : i32 to index
        %get3A_165 = arith.constant 16 : index
        %get3A_166 = tpu.vector_load %arg15[%get3A_164, %get3A_165] {strides = array<i32>} : memref<64x128xf32, #tpu.memory_space<vmem>>, vector<16xf32>,
        %mul3A_167 = arith.mulf %get3A_163, %get3A_166 : vector<16xf32>
        %add3A_168 = arith.addf %mul3A_160, %mul3A_167 : vector<16xf32>
        %get3A_169 = arith.index_cast %add3A_153 : i32 to index
        %get3A_170 = arith.constant 32 : index
        %get3A_171 = tpu.vector_load %arg13[%get3A_169, %get3A_170] {strides = array<i32>} : memref<64x128xf32, #tpu.memory_space<vmem>>, vector<16xf32>,
        %get3A_172 = arith.index_cast %add3A_153 : i32 to index
        %get3A_173 = arith.constant 32 : index
        %get3A_174 = tpu.vector_load %arg15[%get3A_172, %get3A_173] {strides = array<i32>} : memref<64x128xf32, #tpu.memory_space<vmem>>, vector<16xf32>,
        %mul3A_175 = arith.mulf %get3A_171, %get3A_174 : vector<16xf32>
        %add3A_176 = arith.addf %add3A_168, %mul3A_175 : vector<16xf32>
        %get3A_177 = arith.index_cast %add3A_153 : i32 to index
        %get3A_178 = arith.constant 48 : index
        %get3A_179 = tpu.vector_load %arg13[%get3A_177, %get3A_178] {strides = array<i32>} : memref<64x128xf32, #tpu.memory_space<vmem>>, vector<16xf32>,
        %get3A_180 = arith.index_cast %add3A_153 : i32 to index
        %get3A_181 = arith.constant 48 : index
        %get3A_182 = tpu.vector_load %arg15[%get3A_180, %get3A_181] {strides = array<i32>} : memref<64x128xf32, #tpu.memory_space<vmem>>, vector<16xf32>,
        %mul3A_183 = arith.mulf %get3A_179, %get3A_182 : vector<16xf32>
        %add3A_184 = arith.addf %add3A_176, %mul3A_183 : vector<16xf32>
        %get3A_185 = arith.index_cast %add3A_153 : i32 to index
        %get3A_186 = arith.constant 64 : index
        %get3A_187 = tpu.vector_load %arg13[%get3A_185, %get3A_186] {strides = array<i32>} : memref<64x128xf32, #tpu.memory_space<vmem>>, vector<16xf32>,
        %get3A_188 = arith.index_cast %add3A_153 : i32 to index
        %get3A_189 = arith.constant 64 : index
        %get3A_190 = tpu.vector_load %arg15[%get3A_188, %get3A_189] {strides = array<i32>} : memref<64x128xf32, #tpu.memory_space<vmem>>, vector<16xf32>,
        %mul3A_191 = arith.mulf %get3A_187, %get3A_190 : vector<16xf32>
        %add3A_192 = arith.addf %add3A_184, %mul3A_191 : vector<16xf32>
        %get3A_193 = arith.index_cast %add3A_153 : i32 to index
        %get3A_194 = arith.constant 80 : index
        %get3A_195 = tpu.vector_load %arg13[%get3A_193, %get3A_194] {strides = array<i32>} : memref<64x128xf32, #tpu.memory_space<vmem>>, vector<16xf32>,
        %get3A_196 = arith.index_cast %add3A_153 : i32 to index
        %get3A_197 = arith.constant 80 : index
        %get3A_198 = tpu.vector_load %arg15[%get3A_196, %get3A_197] {strides = array<i32>} : memref<64x128xf32, #tpu.memory_space<vmem>>, vector<16xf32>,
        %mul3A_199 = arith.mulf %get3A_195, %get3A_198 : vector<16xf32>
        %add3A_200 = arith.addf %add3A_192, %mul3A_199 : vector<16xf32>
        %get3A_201 = arith.index_cast %add3A_153 : i32 to index
        %get3A_202 = arith.constant 96 : index
        %get3A_203 = tpu.vector_load %arg13[%get3A_201, %get3A_202] {strides = array<i32>} : memref<64x128xf32, #tpu.memory_space<vmem>>, vector<16xf32>,
        %get3A_204 = arith.index_cast %add3A_153 : i32 to index
        %get3A_205 = arith.constant 96 : index
        %get3A_206 = tpu.vector_load %arg15[%get3A_204, %get3A_205] {strides = array<i32>} : memref<64x128xf32, #tpu.memory_space<vmem>>, vector<16xf32>,
        %mul3A_207 = arith.mulf %get3A_203, %get3A_206 : vector<16xf32>
        %add3A_208 = arith.addf %add3A_200, %mul3A_207 : vector<16xf32>
        %get3A_209 = arith.index_cast %add3A_153 : i32 to index
        %get3A_210 = arith.constant 112 : index
        %get3A_211 = tpu.vector_load %arg13[%get3A_209, %get3A_210] {strides = array<i32>} : memref<64x128xf32, #tpu.memory_space<vmem>>, vector<16xf32>,
        %get3A_212 = arith.index_cast %add3A_153 : i32 to index
        %get3A_213 = arith.constant 112 : index
        %get3A_214 = tpu.vector_load %arg15[%get3A_212, %get3A_213] {strides = array<i32>} : memref<64x128xf32, #tpu.memory_space<vmem>>, vector<16xf32>,
        %mul3A_215 = arith.mulf %get3A_211, %get3A_214 : vector<16xf32>
        %add3A_216 = arith.addf %add3A_208, %mul3A_215 : vector<16xf32>
        %swap3A_217 = arith.constant 17 : index
        %swap3A_218 = tpu.vector_load %arg11[%swap3A_217] {strides = array<i32>} : memref<272xf32, #tpu.memory_space<vmem>>, vector<16xf32>,
        tpu.vector_store %arg11[%swap3A_217], %add3A_216 {strides = array<i32>} : memref<272xf32, #tpu.memory_space<vmem>>, vector<16xf32>,
        %add3A_219 = arith.constant 2 : i32
        %add3A_220 = arith.addi %mul3A_86, %add3A_219 : i32
        %get3A_221 = arith.index_cast %add3A_220 : i32 to index
        %get3A_222 = arith.constant 0 : index
        %get3A_223 = tpu.vector_load %arg13[%get3A_221, %get3A_222] {strides = array<i32>} : memref<64x128xf32, #tpu.memory_space<vmem>>, vector<16xf32>,
        %get3A_224 = arith.index_cast %add3A_220 : i32 to index
        %get3A_225 = arith.constant 0 : index
        %get3A_226 = tpu.vector_load %arg15[%get3A_224, %get3A_225] {strides = array<i32>} : memref<64x128xf32, #tpu.memory_space<vmem>>, vector<16xf32>,
        %mul3A_227 = arith.mulf %get3A_223, %get3A_226 : vector<16xf32>
        %get3A_228 = arith.index_cast %add3A_220 : i32 to index
        %get3A_229 = arith.constant 16 : index
        %get3A_230 = tpu.vector_load %arg13[%get3A_228, %get3A_229] {strides = array<i32>} : memref<64x128xf32, #tpu.memory_space<vmem>>, vector<16xf32>,
        %get3A_231 = arith.index_cast %add3A_220 : i32 to index
        %get3A_232 = arith.constant 16 : index
        %get3A_233 = tpu.vector_load %arg15[%get3A_231, %get3A_232] {strides = array<i32>} : memref<64x128xf32, #tpu.memory_space<vmem>>, vector<16xf32>,
        %mul3A_234 = arith.mulf %get3A_230, %get3A_233 : vector<16xf32>
        %add3A_235 = arith.addf %mul3A_227, %mul3A_234 : vector<16xf32>
        %get3A_236 = arith.index_cast %add3A_220 : i32 to index
        %get3A_237 = arith.constant 32 : index
        %get3A_238 = tpu.vector_load %arg13[%get3A_236, %get3A_237] {strides = array<i32>} : memref<64x128xf32, #tpu.memory_space<vmem>>, vector<16xf32>,
        %get3A_239 = arith.index_cast %add3A_220 : i32 to index
        %get3A_240 = arith.constant 32 : index
        %get3A_241 = tpu.vector_load %arg15[%get3A_239, %get3A_240] {strides = array<i32>} : memref<64x128xf32, #tpu.memory_space<vmem>>, vector<16xf32>,
        %mul3A_242 = arith.mulf %get3A_238, %get3A_241 : vector<16xf32>
        %add3A_243 = arith.addf %add3A_235, %mul3A_242 : vector<16xf32>
        %get3A_244 = arith.index_cast %add3A_220 : i32 to index
        %get3A_245 = arith.constant 48 : index
        %get3A_246 = tpu.vector_load %arg13[%get3A_244, %get3A_245] {strides = array<i32>} : memref<64x128xf32, #tpu.memory_space<vmem>>, vector<16xf32>,
        %get3A_247 = arith.index_cast %add3A_220 : i32 to index
        %get3A_248 = arith.constant 48 : index
        %get3A_249 = tpu.vector_load %arg15[%get3A_247, %get3A_248] {strides = array<i32>} : memref<64x128xf32, #tpu.memory_space<vmem>>, vector<16xf32>,
        %mul3A_250 = arith.mulf %get3A_246, %get3A_249 : vector<16xf32>
        %add3A_251 = arith.addf %add3A_243, %mul3A_250 : vector<16xf32>
        %get3A_252 = arith.index_cast %add3A_220 : i32 to index
        %get3A_253 = arith.constant 64 : index
        %get3A_254 = tpu.vector_load %arg13[%get3A_252, %get3A_253] {strides = array<i32>} : memref<64x128xf32, #tpu.memory_space<vmem>>, vector<16xf32>,
        %get3A_255 = arith.index_cast %add3A_220 : i32 to index
        %get3A_256 = arith.constant 64 : index
        %get3A_257 = tpu.vector_load %arg15[%get3A_255, %get3A_256] {strides = array<i32>} : memref<64x128xf32, #tpu.memory_space<vmem>>, vector<16xf32>,
        %mul3A_258 = arith.mulf %get3A_254, %get3A_257 : vector<16xf32>
        %add3A_259 = arith.addf %add3A_251, %mul3A_258 : vector<16xf32>
        %get3A_260 = arith.index_cast %add3A_220 : i32 to index
        %get3A_261 = arith.constant 80 : index
        %get3A_262 = tpu.vector_load %arg13[%get3A_260, %get3A_261] {strides = array<i32>} : memref<64x128xf32, #tpu.memory_space<vmem>>, vector<16xf32>,
        %get3A_263 = arith.index_cast %add3A_220 : i32 to index
        %get3A_264 = arith.constant 80 : index
        %get3A_265 = tpu.vector_load %arg15[%get3A_263, %get3A_264] {strides = array<i32>} : memref<64x128xf32, #tpu.memory_space<vmem>>, vector<16xf32>,
        %mul3A_266 = arith.mulf %get3A_262, %get3A_265 : vector<16xf32>
        %add3A_267 = arith.addf %add3A_259, %mul3A_266 : vector<16xf32>
        %get3A_268 = arith.index_cast %add3A_220 : i32 to index
        %get3A_269 = arith.constant 96 : index
        %get3A_270 = tpu.vector_load %arg13[%get3A_268, %get3A_269] {strides = array<i32>} : memref<64x128xf32, #tpu.memory_space<vmem>>, vector<16xf32>,
        %get3A_271 = arith.index_cast %add3A_220 : i32 to index
        %get3A_272 = arith.constant 96 : index
        %get3A_273 = tpu.vector_load %arg15[%get3A_271, %get3A_272] {strides = array<i32>} : memref<64x128xf32, #tpu.memory_space<vmem>>, vector<16xf32>,
        %mul3A_274 = arith.mulf %get3A_270, %get3A_273 : vector<16xf32>
        %add3A_275 = arith.addf %add3A_267, %mul3A_274 : vector<16xf32>
        %get3A_276 = arith.index_cast %add3A_220 : i32 to index
        %get3A_277 = arith.constant 112 : index
        %get3A_278 = tpu.vector_load %arg13[%get3A_276, %get3A_277] {strides = array<i32>} : memref<64x128xf32, #tpu.memory_space<vmem>>, vector<16xf32>,
        %get3A_279 = arith.index_cast %add3A_220 : i32 to index
        %get3A_280 = arith.constant 112 : index
        %get3A_281 = tpu.vector_load %arg15[%get3A_279, %get3A_280] {strides = array<i32>} : memref<64x128xf32, #tpu.memory_space<vmem>>, vector<16xf32>,
        %mul3A_282 = arith.mulf %get3A_278, %get3A_281 : vector<16xf32>
        %add3A_283 = arith.addf %add3A_275, %mul3A_282 : vector<16xf32>
        %swap3A_284 = arith.constant 34 : index
        %swap3A_285 = tpu.vector_load %arg11[%swap3A_284] {strides = array<i32>} : memref<272xf32, #tpu.memory_space<vmem>>, vector<16xf32>,
        tpu.vector_store %arg11[%swap3A_284], %add3A_283 {strides = array<i32>} : memref<272xf32, #tpu.memory_space<vmem>>, vector<16xf32>,
        %add3A_286 = arith.constant 3 : i32
        %add3A_287 = arith.addi %mul3A_86, %add3A_286 : i32
        %get3A_288 = arith.index_cast %add3A_287 : i32 to index
        %get3A_289 = arith.constant 0 : index
        %get3A_290 = tpu.vector_load %arg13[%get3A_288, %get3A_289] {strides = array<i32>} : memref<64x128xf32, #tpu.memory_space<vmem>>, vector<16xf32>,
        %get3A_291 = arith.index_cast %add3A_287 : i32 to index
        %get3A_292 = arith.constant 0 : index
        %get3A_293 = tpu.vector_load %arg15[%get3A_291, %get3A_292] {strides = array<i32>} : memref<64x128xf32, #tpu.memory_space<vmem>>, vector<16xf32>,
        %mul3A_294 = arith.mulf %get3A_290, %get3A_293 : vector<16xf32>
        %get3A_295 = arith.index_cast %add3A_287 : i32 to index
        %get3A_296 = arith.constant 16 : index
        %get3A_297 = tpu.vector_load %arg13[%get3A_295, %get3A_296] {strides = array<i32>} : memref<64x128xf32, #tpu.memory_space<vmem>>, vector<16xf32>,
        %get3A_298 = arith.index_cast %add3A_287 : i32 to index
        %get3A_299 = arith.constant 16 : index
        %get3A_300 = tpu.vector_load %arg15[%get3A_298, %get3A_299] {strides = array<i32>} : memref<64x128xf32, #tpu.memory_space<vmem>>, vector<16xf32>,
        %mul3A_301 = arith.mulf %get3A_297, %get3A_300 : vector<16xf32>
        %add3A_302 = arith.addf %mul3A_294, %mul3A_301 : vector<16xf32>
        %get3A_303 = arith.index_cast %add3A_287 : i32 to index
        %get3A_304 = arith.constant 32 : index
        %get3A_305 = tpu.vector_load %arg13[%get3A_303, %get3A_304] {strides = array<i32>} : memref<64x128xf32, #tpu.memory_space<vmem>>, vector<16xf32>,
        %get3A_306 = arith.index_cast %add3A_287 : i32 to index
        %get3A_307 = arith.constant 32 : index
        %get3A_308 = tpu.vector_load %arg15[%get3A_306, %get3A_307] {strides = array<i32>} : memref<64x128xf32, #tpu.memory_space<vmem>>, vector<16xf32>,
        %mul3A_309 = arith.mulf %get3A_305, %get3A_308 : vector<16xf32>
        %add3A_310 = arith.addf %add3A_302, %mul3A_309 : vector<16xf32>
        %get3A_311 = arith.index_cast %add3A_287 : i32 to index
        %get3A_312 = arith.constant 48 : index
        %get3A_313 = tpu.vector_load %arg13[%get3A_311, %get3A_312] {strides = array<i32>} : memref<64x128xf32, #tpu.memory_space<vmem>>, vector<16xf32>,
        %get3A_314 = arith.index_cast %add3A_287 : i32 to index
        %get3A_315 = arith.constant 48 : index
        %get3A_316 = tpu.vector_load %arg15[%get3A_314, %get3A_315] {strides = array<i32>} : memref<64x128xf32, #tpu.memory_space<vmem>>, vector<16xf32>,
        %mul3A_317 = arith.mulf %get3A_313, %get3A_316 : vector<16xf32>
        %add3A_318 = arith.addf %add3A_310, %mul3A_317 : vector<16xf32>
        %get3A_319 = arith.index_cast %add3A_287 : i32 to index
        %get3A_320 = arith.constant 64 : index
        %get3A_321 = tpu.vector_load %arg13[%get3A_319, %get3A_320] {strides = array<i32>} : memref<64x128xf32, #tpu.memory_space<vmem>>, vector<16xf32>,
        %get3A_322 = arith.index_cast %add3A_287 : i32 to index
        %get3A_323 = arith.constant 64 : index
        %get3A_324 = tpu.vector_load %arg15[%get3A_322, %get3A_323] {strides = array<i32>} : memref<64x128xf32, #tpu.memory_space<vmem>>, vector<16xf32>,
        %mul3A_325 = arith.mulf %get3A_321, %get3A_324 : vector<16xf32>
        %add3A_326 = arith.addf %add3A_318, %mul3A_325 : vector<16xf32>
        %get3A_327 = arith.index_cast %add3A_287 : i32 to index
        %get3A_328 = arith.constant 80 : index
        %get3A_329 = tpu.vector_load %arg13[%get3A_327, %get3A_328] {strides = array<i32>} : memref<64x128xf32, #tpu.memory_space<vmem>>, vector<16xf32>,
        %get3A_330 = arith.index_cast %add3A_287 : i32 to index
        %get3A_331 = arith.constant 80 : index
        %get3A_332 = tpu.vector_load %arg15[%get3A_330, %get3A_331] {strides = array<i32>} : memref<64x128xf32, #tpu.memory_space<vmem>>, vector<16xf32>,
        %mul3A_333 = arith.mulf %get3A_329, %get3A_332 : vector<16xf32>
        %add3A_334 = arith.addf %add3A_326, %mul3A_333 : vector<16xf32>
        %get3A_335 = arith.index_cast %add3A_287 : i32 to index
        %get3A_336 = arith.constant 96 : index
        %get3A_337 = tpu.vector_load %arg13[%get3A_335, %get3A_336] {strides = array<i32>} : memref<64x128xf32, #tpu.memory_space<vmem>>, vector<16xf32>,
        %get3A_338 = arith.index_cast %add3A_287 : i32 to index
        %get3A_339 = arith.constant 96 : index
        %get3A_340 = tpu.vector_load %arg15[%get3A_338, %get3A_339] {strides = array<i32>} : memref<64x128xf32, #tpu.memory_space<vmem>>, vector<16xf32>,
        %mul3A_341 = arith.mulf %get3A_337, %get3A_340 : vector<16xf32>
        %add3A_342 = arith.addf %add3A_334, %mul3A_341 : vector<16xf32>
        %get3A_343 = arith.index_cast %add3A_287 : i32 to index
        %get3A_344 = arith.constant 112 : index
        %get3A_345 = tpu.vector_load %arg13[%get3A_343, %get3A_344] {strides = array<i32>} : memref<64x128xf32, #tpu.memory_space<vmem>>, vector<16xf32>,
        %get3A_346 = arith.index_cast %add3A_287 : i32 to index
        %get3A_347 = arith.constant 112 : index
        %get3A_348 = tpu.vector_load %arg15[%get3A_346, %get3A_347] {strides = array<i32>} : memref<64x128xf32, #tpu.memory_space<vmem>>, vector<16xf32>,
        %mul3A_349 = arith.mulf %get3A_345, %get3A_348 : vector<16xf32>
        %add3A_350 = arith.addf %add3A_342, %mul3A_349 : vector<16xf32>
        %swap3A_351 = arith.constant 51 : index
        %swap3A_352 = tpu.vector_load %arg11[%swap3A_351] {strides = array<i32>} : memref<272xf32, #tpu.memory_space<vmem>>, vector<16xf32>,
        tpu.vector_store %arg11[%swap3A_351], %add3A_350 {strides = array<i32>} : memref<272xf32, #tpu.memory_space<vmem>>, vector<16xf32>,
        %add3A_353 = arith.constant 4 : i32
        %add3A_354 = arith.addi %mul3A_86, %add3A_353 : i32
        %get3A_355 = arith.index_cast %add3A_354 : i32 to index
        %get3A_356 = arith.constant 0 : index
        %get3A_357 = tpu.vector_load %arg13[%get3A_355, %get3A_356] {strides = array<i32>} : memref<64x128xf32, #tpu.memory_space<vmem>>, vector<16xf32>,
        %get3A_358 = arith.index_cast %add3A_354 : i32 to index
        %get3A_359 = arith.constant 0 : index
        %get3A_360 = tpu.vector_load %arg15[%get3A_358, %get3A_359] {strides = array<i32>} : memref<64x128xf32, #tpu.memory_space<vmem>>, vector<16xf32>,
        %mul3A_361 = arith.mulf %get3A_357, %get3A_360 : vector<16xf32>
        %get3A_362 = arith.index_cast %add3A_354 : i32 to index
        %get3A_363 = arith.constant 16 : index
        %get3A_364 = tpu.vector_load %arg13[%get3A_362, %get3A_363] {strides = array<i32>} : memref<64x128xf32, #tpu.memory_space<vmem>>, vector<16xf32>,
        %get3A_365 = arith.index_cast %add3A_354 : i32 to index
        %get3A_366 = arith.constant 16 : index
        %get3A_367 = tpu.vector_load %arg15[%get3A_365, %get3A_366] {strides = array<i32>} : memref<64x128xf32, #tpu.memory_space<vmem>>, vector<16xf32>,
        %mul3A_368 = arith.mulf %get3A_364, %get3A_367 : vector<16xf32>
        %add3A_369 = arith.addf %mul3A_361, %mul3A_368 : vector<16xf32>
        %get3A_370 = arith.index_cast %add3A_354 : i32 to index
        %get3A_371 = arith.constant 32 : index
        %get3A_372 = tpu.vector_load %arg13[%get3A_370, %get3A_371] {strides = array<i32>} : memref<64x128xf32, #tpu.memory_space<vmem>>, vector<16xf32>,
        %get3A_373 = arith.index_cast %add3A_354 : i32 to index
        %get3A_374 = arith.constant 32 : index
        %get3A_375 = tpu.vector_load %arg15[%get3A_373, %get3A_374] {strides = array<i32>} : memref<64x128xf32, #tpu.memory_space<vmem>>, vector<16xf32>,
        %mul3A_376 = arith.mulf %get3A_372, %get3A_375 : vector<16xf32>
        %add3A_377 = arith.addf %add3A_369, %mul3A_376 : vector<16xf32>
        %get3A_378 = arith.index_cast %add3A_354 : i32 to index
        %get3A_379 = arith.constant 48 : index
        %get3A_380 = tpu.vector_load %arg13[%get3A_378, %get3A_379] {strides = array<i32>} : memref<64x128xf32, #tpu.memory_space<vmem>>, vector<16xf32>,
        %get3A_381 = arith.index_cast %add3A_354 : i32 to index
        %get3A_382 = arith.constant 48 : index
        %get3A_383 = tpu.vector_load %arg15[%get3A_381, %get3A_382] {strides = array<i32>} : memref<64x128xf32, #tpu.memory_space<vmem>>, vector<16xf32>,
        %mul3A_384 = arith.mulf %get3A_380, %get3A_383 : vector<16xf32>
        %add3A_385 = arith.addf %add3A_377, %mul3A_384 : vector<16xf32>
        %get3A_386 = arith.index_cast %add3A_354 : i32 to index
        %get3A_387 = arith.constant 64 : index
        %get3A_388 = tpu.vector_load %arg13[%get3A_386, %get3A_387] {strides = array<i32>} : memref<64x128xf32, #tpu.memory_space<vmem>>, vector<16xf32>,
        %get3A_389 = arith.index_cast %add3A_354 : i32 to index
        %get3A_390 = arith.constant 64 : index
        %get3A_391 = tpu.vector_load %arg15[%get3A_389, %get3A_390] {strides = array<i32>} : memref<64x128xf32, #tpu.memory_space<vmem>>, vector<16xf32>,
        %mul3A_392 = arith.mulf %get3A_388, %get3A_391 : vector<16xf32>
        %add3A_393 = arith.addf %add3A_385, %mul3A_392 : vector<16xf32>
        %get3A_394 = arith.index_cast %add3A_354 : i32 to index
        %get3A_395 = arith.constant 80 : index
        %get3A_396 = tpu.vector_load %arg13[%get3A_394, %get3A_395] {strides = array<i32>} : memref<64x128xf32, #tpu.memory_space<vmem>>, vector<16xf32>,
        %get3A_397 = arith.index_cast %add3A_354 : i32 to index
        %get3A_398 = arith.constant 80 : index
        %get3A_399 = tpu.vector_load %arg15[%get3A_397, %get3A_398] {strides = array<i32>} : memref<64x128xf32, #tpu.memory_space<vmem>>, vector<16xf32>,
        %mul3A_400 = arith.mulf %get3A_396, %get3A_399 : vector<16xf32>
        %add3A_401 = arith.addf %add3A_393, %mul3A_400 : vector<16xf32>
        %get3A_402 = arith.index_cast %add3A_354 : i32 to index
        %get3A_403 = arith.constant 96 : index
        %get3A_404 = tpu.vector_load %arg13[%get3A_402, %get3A_403] {strides = array<i32>} : memref<64x128xf32, #tpu.memory_space<vmem>>, vector<16xf32>,
        %get3A_405 = arith.index_cast %add3A_354 : i32 to index
        %get3A_406 = arith.constant 96 : index
        %get3A_407 = tpu.vector_load %arg15[%get3A_405, %get3A_406] {strides = array<i32>} : memref<64x128xf32, #tpu.memory_space<vmem>>, vector<16xf32>,
        %mul3A_408 = arith.mulf %get3A_404, %get3A_407 : vector<16xf32>
        %add3A_409 = arith.addf %add3A_401, %mul3A_408 : vector<16xf32>
        %get3A_410 = arith.index_cast %add3A_354 : i32 to index
        %get3A_411 = arith.constant 112 : index
        %get3A_412 = tpu.vector_load %arg13[%get3A_410, %get3A_411] {strides = array<i32>} : memref<64x128xf32, #tpu.memory_space<vmem>>, vector<16xf32>,
        %get3A_413 = arith.index_cast %add3A_354 : i32 to index
        %get3A_414 = arith.constant 112 : index
        %get3A_415 = tpu.vector_load %arg15[%get3A_413, %get3A_414] {strides = array<i32>} : memref<64x128xf32, #tpu.memory_space<vmem>>, vector<16xf32>,
        %mul3A_416 = arith.mulf %get3A_412, %get3A_415 : vector<16xf32>
        %add3A_417 = arith.addf %add3A_409, %mul3A_416 : vector<16xf32>
        %swap3A_418 = arith.constant 68 : index
        %swap3A_419 = tpu.vector_load %arg11[%swap3A_418] {strides = array<i32>} : memref<272xf32, #tpu.memory_space<vmem>>, vector<16xf32>,
        tpu.vector_store %arg11[%swap3A_418], %add3A_417 {strides = array<i32>} : memref<272xf32, #tpu.memory_space<vmem>>, vector<16xf32>,
        %add3A_420 = arith.constant 5 : i32
        %add3A_421 = arith.addi %mul3A_86, %add3A_420 : i32
        %get3A_422 = arith.index_cast %add3A_421 : i32 to index
        %get3A_423 = arith.constant 0 : index
        %get3A_424 = tpu.vector_load %arg13[%get3A_422, %get3A_423] {strides = array<i32>} : memref<64x128xf32, #tpu.memory_space<vmem>>, vector<16xf32>,
        %get3A_425 = arith.index_cast %add3A_421 : i32 to index
        %get3A_426 = arith.constant 0 : index
        %get3A_427 = tpu.vector_load %arg15[%get3A_425, %get3A_426] {strides = array<i32>} : memref<64x128xf32, #tpu.memory_space<vmem>>, vector<16xf32>,
        %mul3A_428 = arith.mulf %get3A_424, %get3A_427 : vector<16xf32>
        %get3A_429 = arith.index_cast %add3A_421 : i32 to index
        %get3A_430 = arith.constant 16 : index
        %get3A_431 = tpu.vector_load %arg13[%get3A_429, %get3A_430] {strides = array<i32>} : memref<64x128xf32, #tpu.memory_space<vmem>>, vector<16xf32>,
        %get3A_432 = arith.index_cast %add3A_421 : i32 to index
        %get3A_433 = arith.constant 16 : index
        %get3A_434 = tpu.vector_load %arg15[%get3A_432, %get3A_433] {strides = array<i32>} : memref<64x128xf32, #tpu.memory_space<vmem>>, vector<16xf32>,
        %mul3A_435 = arith.mulf %get3A_431, %get3A_434 : vector<16xf32>
        %add3A_436 = arith.addf %mul3A_428, %mul3A_435 : vector<16xf32>
        %get3A_437 = arith.index_cast %add3A_421 : i32 to index
        %get3A_438 = arith.constant 32 : index
        %get3A_439 = tpu.vector_load %arg13[%get3A_437, %get3A_438] {strides = array<i32>} : memref<64x128xf32, #tpu.memory_space<vmem>>, vector<16xf32>,
        %get3A_440 = arith.index_cast %add3A_421 : i32 to index
        %get3A_441 = arith.constant 32 : index
        %get3A_442 = tpu.vector_load %arg15[%get3A_440, %get3A_441] {strides = array<i32>} : memref<64x128xf32, #tpu.memory_space<vmem>>, vector<16xf32>,
        %mul3A_443 = arith.mulf %get3A_439, %get3A_442 : vector<16xf32>
        %add3A_444 = arith.addf %add3A_436, %mul3A_443 : vector<16xf32>
        %get3A_445 = arith.index_cast %add3A_421 : i32 to index
        %get3A_446 = arith.constant 48 : index
        %get3A_447 = tpu.vector_load %arg13[%get3A_445, %get3A_446] {strides = array<i32>} : memref<64x128xf32, #tpu.memory_space<vmem>>, vector<16xf32>,
        %get3A_448 = arith.index_cast %add3A_421 : i32 to index
        %get3A_449 = arith.constant 48 : index
        %get3A_450 = tpu.vector_load %arg15[%get3A_448, %get3A_449] {strides = array<i32>} : memref<64x128xf32, #tpu.memory_space<vmem>>, vector<16xf32>,
        %mul3A_451 = arith.mulf %get3A_447, %get3A_450 : vector<16xf32>
        %add3A_452 = arith.addf %add3A_444, %mul3A_451 : vector<16xf32>
        %get3A_453 = arith.index_cast %add3A_421 : i32 to index
        %get3A_454 = arith.constant 64 : index
        %get3A_455 = tpu.vector_load %arg13[%get3A_453, %get3A_454] {strides = array<i32>} : memref<64x128xf32, #tpu.memory_space<vmem>>, vector<16xf32>,
        %get3A_456 = arith.index_cast %add3A_421 : i32 to index
        %get3A_457 = arith.constant 64 : index
        %get3A_458 = tpu.vector_load %arg15[%get3A_456, %get3A_457] {strides = array<i32>} : memref<64x128xf32, #tpu.memory_space<vmem>>, vector<16xf32>,
        %mul3A_459 = arith.mulf %get3A_455, %get3A_458 : vector<16xf32>
        %add3A_460 = arith.addf %add3A_452, %mul3A_459 : vector<16xf32>
        %get3A_461 = arith.index_cast %add3A_421 : i32 to index
        %get3A_462 = arith.constant 80 : index
        %get3A_463 = tpu.vector_load %arg13[%get3A_461, %get3A_462] {strides = array<i32>} : memref<64x128xf32, #tpu.memory_space<vmem>>, vector<16xf32>,
        %get3A_464 = arith.index_cast %add3A_421 : i32 to index
        %get3A_465 = arith.constant 80 : index
        %get3A_466 = tpu.vector_load %arg15[%get3A_464, %get3A_465] {strides = array<i32>} : memref<64x128xf32, #tpu.memory_space<vmem>>, vector<16xf32>,
        %mul3A_467 = arith.mulf %get3A_463, %get3A_466 : vector<16xf32>
        %add3A_468 = arith.addf %add3A_460, %mul3A_467 : vector<16xf32>
        %get3A_469 = arith.index_cast %add3A_421 : i32 to index
        %get3A_470 = arith.constant 96 : index
        %get3A_471 = tpu.vector_load %arg13[%get3A_469, %get3A_470] {strides = array<i32>} : memref<64x128xf32, #tpu.memory_space<vmem>>, vector<16xf32>,
        %get3A_472 = arith.index_cast %add3A_421 : i32 to index
        %get3A_473 = arith.constant 96 : index
        %get3A_474 = tpu.vector_load %arg15[%get3A_472, %get3A_473] {strides = array<i32>} : memref<64x128xf32, #tpu.memory_space<vmem>>, vector<16xf32>,
        %mul3A_475 = arith.mulf %get3A_471, %get3A_474 : vector<16xf32>
        %add3A_476 = arith.addf %add3A_468, %mul3A_475 : vector<16xf32>
        %get3A_477 = arith.index_cast %add3A_421 : i32 to index
        %get3A_478 = arith.constant 112 : index
        %get3A_479 = tpu.vector_load %arg13[%get3A_477, %get3A_478] {strides = array<i32>} : memref<64x128xf32, #tpu.memory_space<vmem>>, vector<16xf32>,
        %get3A_480 = arith.index_cast %add3A_421 : i32 to index
        %get3A_481 = arith.constant 112 : index
        %get3A_482 = tpu.vector_load %arg15[%get3A_480, %get3A_481] {strides = array<i32>} : memref<64x128xf32, #tpu.memory_space<vmem>>, vector<16xf32>,
        %mul3A_483 = arith.mulf %get3A_479, %get3A_482 : vector<16xf32>
        %add3A_484 = arith.addf %add3A_476, %mul3A_483 : vector<16xf32>
        %swap3A_485 = arith.constant 85 : index
        %swap3A_486 = tpu.vector_load %arg11[%swap3A_485] {strides = array<i32>} : memref<272xf32, #tpu.memory_space<vmem>>, vector<16xf32>,
        tpu.vector_store %arg11[%swap3A_485], %add3A_484 {strides = array<i32>} : memref<272xf32, #tpu.memory_space<vmem>>, vector<16xf32>,
        %add3A_487 = arith.constant 6 : i32
        %add3A_488 = arith.addi %mul3A_86, %add3A_487 : i32
        %get3A_489 = arith.index_cast %add3A_488 : i32 to index
        %get3A_490 = arith.constant 0 : index
        %get3A_491 = tpu.vector_load %arg13[%get3A_489, %get3A_490] {strides = array<i32>} : memref<64x128xf32, #tpu.memory_space<vmem>>, vector<16xf32>,
        %get3A_492 = arith.index_cast %add3A_488 : i32 to index
        %get3A_493 = arith.constant 0 : index
        %get3A_494 = tpu.vector_load %arg15[%get3A_492, %get3A_493] {strides = array<i32>} : memref<64x128xf32, #tpu.memory_space<vmem>>, vector<16xf32>,
        %mul3A_495 = arith.mulf %get3A_491, %get3A_494 : vector<16xf32>
        %get3A_496 = arith.index_cast %add3A_488 : i32 to index
        %get3A_497 = arith.constant 16 : index
        %get3A_498 = tpu.vector_load %arg13[%get3A_496, %get3A_497] {strides = array<i32>} : memref<64x128xf32, #tpu.memory_space<vmem>>, vector<16xf32>,
        %get3A_499 = arith.index_cast %add3A_488 : i32 to index
        %get3A_500 = arith.constant 16 : index
        %get3A_501 = tpu.vector_load %arg15[%get3A_499, %get3A_500] {strides = array<i32>} : memref<64x128xf32, #tpu.memory_space<vmem>>, vector<16xf32>,
        %mul3A_502 = arith.mulf %get3A_498, %get3A_501 : vector<16xf32>
        %add3A_503 = arith.addf %mul3A_495, %mul3A_502 : vector<16xf32>
        %get3A_504 = arith.index_cast %add3A_488 : i32 to index
        %get3A_505 = arith.constant 32 : index
        %get3A_506 = tpu.vector_load %arg13[%get3A_504, %get3A_505] {strides = array<i32>} : memref<64x128xf32, #tpu.memory_space<vmem>>, vector<16xf32>,
        %get3A_507 = arith.index_cast %add3A_488 : i32 to index
        %get3A_508 = arith.constant 32 : index
        %get3A_509 = tpu.vector_load %arg15[%get3A_507, %get3A_508] {strides = array<i32>} : memref<64x128xf32, #tpu.memory_space<vmem>>, vector<16xf32>,
        %mul3A_510 = arith.mulf %get3A_506, %get3A_509 : vector<16xf32>
        %add3A_511 = arith.addf %add3A_503, %mul3A_510 : vector<16xf32>
        %get3A_512 = arith.index_cast %add3A_488 : i32 to index
        %get3A_513 = arith.constant 48 : index
        %get3A_514 = tpu.vector_load %arg13[%get3A_512, %get3A_513] {strides = array<i32>} : memref<64x128xf32, #tpu.memory_space<vmem>>, vector<16xf32>,
        %get3A_515 = arith.index_cast %add3A_488 : i32 to index
        %get3A_516 = arith.constant 48 : index
        %get3A_517 = tpu.vector_load %arg15[%get3A_515, %get3A_516] {strides = array<i32>} : memref<64x128xf32, #tpu.memory_space<vmem>>, vector<16xf32>,
        %mul3A_518 = arith.mulf %get3A_514, %get3A_517 : vector<16xf32>
        %add3A_519 = arith.addf %add3A_511, %mul3A_518 : vector<16xf32>
        %get3A_520 = arith.index_cast %add3A_488 : i32 to index
        %get3A_521 = arith.constant 64 : index
        %get3A_522 = tpu.vector_load %arg13[%get3A_520, %get3A_521] {strides = array<i32>} : memref<64x128xf32, #tpu.memory_space<vmem>>, vector<16xf32>,
        %get3A_523 = arith.index_cast %add3A_488 : i32 to index
        %get3A_524 = arith.constant 64 : index
        %get3A_525 = tpu.vector_load %arg15[%get3A_523, %get3A_524] {strides = array<i32>} : memref<64x128xf32, #tpu.memory_space<vmem>>, vector<16xf32>,
        %mul3A_526 = arith.mulf %get3A_522, %get3A_525 : vector<16xf32>
        %add3A_527 = arith.addf %add3A_519, %mul3A_526 : vector<16xf32>
        %get3A_528 = arith.index_cast %add3A_488 : i32 to index
        %get3A_529 = arith.constant 80 : index
        %get3A_530 = tpu.vector_load %arg13[%get3A_528, %get3A_529] {strides = array<i32>} : memref<64x128xf32, #tpu.memory_space<vmem>>, vector<16xf32>,
        %get3A_531 = arith.index_cast %add3A_488 : i32 to index
        %get3A_532 = arith.constant 80 : index
        %get3A_533 = tpu.vector_load %arg15[%get3A_531, %get3A_532] {strides = array<i32>} : memref<64x128xf32, #tpu.memory_space<vmem>>, vector<16xf32>,
        %mul3A_534 = arith.mulf %get3A_530, %get3A_533 : vector<16xf32>
        %add3A_535 = arith.addf %add3A_527, %mul3A_534 : vector<16xf32>
        %get3A_536 = arith.index_cast %add3A_488 : i32 to index
        %get3A_537 = arith.constant 96 : index
        %get3A_538 = tpu.vector_load %arg13[%get3A_536, %get3A_537] {strides = array<i32>} : memref<64x128xf32, #tpu.memory_space<vmem>>, vector<16xf32>,
        %get3A_539 = arith.index_cast %add3A_488 : i32 to index
        %get3A_540 = arith.constant 96 : index
        %get3A_541 = tpu.vector_load %arg15[%get3A_539, %get3A_540] {strides = array<i32>} : memref<64x128xf32, #tpu.memory_space<vmem>>, vector<16xf32>,
        %mul3A_542 = arith.mulf %get3A_538, %get3A_541 : vector<16xf32>
        %add3A_543 = arith.addf %add3A_535, %mul3A_542 : vector<16xf32>
        %get3A_544 = arith.index_cast %add3A_488 : i32 to index
        %get3A_545 = arith.constant 112 : index
        %get3A_546 = tpu.vector_load %arg13[%get3A_544, %get3A_545] {strides = array<i32>} : memref<64x128xf32, #tpu.memory_space<vmem>>, vector<16xf32>,
        %get3A_547 = arith.index_cast %add3A_488 : i32 to index
        %get3A_548 = arith.constant 112 : index
        %get3A_549 = tpu.vector_load %arg15[%get3A_547, %get3A_548] {strides = array<i32>} : memref<64x128xf32, #tpu.memory_space<vmem>>, vector<16xf32>,
        %mul3A_550 = arith.mulf %get3A_546, %get3A_549 : vector<16xf32>
        %add3A_551 = arith.addf %add3A_543, %mul3A_550 : vector<16xf32>
        %swap3A_552 = arith.constant 102 : index
        %swap3A_553 = tpu.vector_load %arg11[%swap3A_552] {strides = array<i32>} : memref<272xf32, #tpu.memory_space<vmem>>, vector<16xf32>,
        tpu.vector_store %arg11[%swap3A_552], %add3A_551 {strides = array<i32>} : memref<272xf32, #tpu.memory_space<vmem>>, vector<16xf32>,
        %add3A_554 = arith.constant 7 : i32
        %add3A_555 = arith.addi %mul3A_86, %add3A_554 : i32
        %get3A_556 = arith.index_cast %add3A_555 : i32 to index
        %get3A_557 = arith.constant 0 : index
        %get3A_558 = tpu.vector_load %arg13[%get3A_556, %get3A_557] {strides = array<i32>} : memref<64x128xf32, #tpu.memory_space<vmem>>, vector<16xf32>,
        %get3A_559 = arith.index_cast %add3A_555 : i32 to index
        %get3A_560 = arith.constant 0 : index
        %get3A_561 = tpu.vector_load %arg15[%get3A_559, %get3A_560] {strides = array<i32>} : memref<64x128xf32, #tpu.memory_space<vmem>>, vector<16xf32>,
        %mul3A_562 = arith.mulf %get3A_558, %get3A_561 : vector<16xf32>
        %get3A_563 = arith.index_cast %add3A_555 : i32 to index
        %get3A_564 = arith.constant 16 : index
        %get3A_565 = tpu.vector_load %arg13[%get3A_563, %get3A_564] {strides = array<i32>} : memref<64x128xf32, #tpu.memory_space<vmem>>, vector<16xf32>,
        %get3A_566 = arith.index_cast %add3A_555 : i32 to index
        %get3A_567 = arith.constant 16 : index
        %get3A_568 = tpu.vector_load %arg15[%get3A_566, %get3A_567] {strides = array<i32>} : memref<64x128xf32, #tpu.memory_space<vmem>>, vector<16xf32>,
        %mul3A_569 = arith.mulf %get3A_565, %get3A_568 : vector<16xf32>
        %add3A_570 = arith.addf %mul3A_562, %mul3A_569 : vector<16xf32>
        %get3A_571 = arith.index_cast %add3A_555 : i32 to index
        %get3A_572 = arith.constant 32 : index
        %get3A_573 = tpu.vector_load %arg13[%get3A_571, %get3A_572] {strides = array<i32>} : memref<64x128xf32, #tpu.memory_space<vmem>>, vector<16xf32>,
        %get3A_574 = arith.index_cast %add3A_555 : i32 to index
        %get3A_575 = arith.constant 32 : index
        %get3A_576 = tpu.vector_load %arg15[%get3A_574, %get3A_575] {strides = array<i32>} : memref<64x128xf32, #tpu.memory_space<vmem>>, vector<16xf32>,
        %mul3A_577 = arith.mulf %get3A_573, %get3A_576 : vector<16xf32>
        %add3A_578 = arith.addf %add3A_570, %mul3A_577 : vector<16xf32>
        %get3A_579 = arith.index_cast %add3A_555 : i32 to index
        %get3A_580 = arith.constant 48 : index
        %get3A_581 = tpu.vector_load %arg13[%get3A_579, %get3A_580] {strides = array<i32>} : memref<64x128xf32, #tpu.memory_space<vmem>>, vector<16xf32>,
        %get3A_582 = arith.index_cast %add3A_555 : i32 to index
        %get3A_583 = arith.constant 48 : index
        %get3A_584 = tpu.vector_load %arg15[%get3A_582, %get3A_583] {strides = array<i32>} : memref<64x128xf32, #tpu.memory_space<vmem>>, vector<16xf32>,
        %mul3A_585 = arith.mulf %get3A_581, %get3A_584 : vector<16xf32>
        %add3A_586 = arith.addf %add3A_578, %mul3A_585 : vector<16xf32>
        %get3A_587 = arith.index_cast %add3A_555 : i32 to index
        %get3A_588 = arith.constant 64 : index
        %get3A_589 = tpu.vector_load %arg13[%get3A_587, %get3A_588] {strides = array<i32>} : memref<64x128xf32, #tpu.memory_space<vmem>>, vector<16xf32>,
        %get3A_590 = arith.index_cast %add3A_555 : i32 to index
        %get3A_591 = arith.constant 64 : index
        %get3A_592 = tpu.vector_load %arg15[%get3A_590, %get3A_591] {strides = array<i32>} : memref<64x128xf32, #tpu.memory_space<vmem>>, vector<16xf32>,
        %mul3A_593 = arith.mulf %get3A_589, %get3A_592 : vector<16xf32>
        %add3A_594 = arith.addf %add3A_586, %mul3A_593 : vector<16xf32>
        %get3A_595 = arith.index_cast %add3A_555 : i32 to index
        %get3A_596 = arith.constant 80 : index
        %get3A_597 = tpu.vector_load %arg13[%get3A_595, %get3A_596] {strides = array<i32>} : memref<64x128xf32, #tpu.memory_space<vmem>>, vector<16xf32>,
        %get3A_598 = arith.index_cast %add3A_555 : i32 to index
        %get3A_599 = arith.constant 80 : index
        %get3A_600 = tpu.vector_load %arg15[%get3A_598, %get3A_599] {strides = array<i32>} : memref<64x128xf32, #tpu.memory_space<vmem>>, vector<16xf32>,
        %mul3A_601 = arith.mulf %get3A_597, %get3A_600 : vector<16xf32>
        %add3A_602 = arith.addf %add3A_594, %mul3A_601 : vector<16xf32>
        %get3A_603 = arith.index_cast %add3A_555 : i32 to index
        %get3A_604 = arith.constant 96 : index
        %get3A_605 = tpu.vector_load %arg13[%get3A_603, %get3A_604] {strides = array<i32>} : memref<64x128xf32, #tpu.memory_space<vmem>>, vector<16xf32>,
        %get3A_606 = arith.index_cast %add3A_555 : i32 to index
        %get3A_607 = arith.constant 96 : index
        %get3A_608 = tpu.vector_load %arg15[%get3A_606, %get3A_607] {strides = array<i32>} : memref<64x128xf32, #tpu.memory_space<vmem>>, vector<16xf32>,
        %mul3A_609 = arith.mulf %get3A_605, %get3A_608 : vector<16xf32>
        %add3A_610 = arith.addf %add3A_602, %mul3A_609 : vector<16xf32>
        %get3A_611 = arith.index_cast %add3A_555 : i32 to index
        %get3A_612 = arith.constant 112 : index
        %get3A_613 = tpu.vector_load %arg13[%get3A_611, %get3A_612] {strides = array<i32>} : memref<64x128xf32, #tpu.memory_space<vmem>>, vector<16xf32>,
        %get3A_614 = arith.index_cast %add3A_555 : i32 to index
        %get3A_615 = arith.constant 112 : index
        %get3A_616 = tpu.vector_load %arg15[%get3A_614, %get3A_615] {strides = array<i32>} : memref<64x128xf32, #tpu.memory_space<vmem>>, vector<16xf32>,
        %mul3A_617 = arith.mulf %get3A_613, %get3A_616 : vector<16xf32>
        %add3A_618 = arith.addf %add3A_610, %mul3A_617 : vector<16xf32>
        %swap3A_619 = arith.constant 119 : index
        %swap3A_620 = tpu.vector_load %arg11[%swap3A_619] {strides = array<i32>} : memref<272xf32, #tpu.memory_space<vmem>>, vector<16xf32>,
        tpu.vector_store %arg11[%swap3A_619], %add3A_618 {strides = array<i32>} : memref<272xf32, #tpu.memory_space<vmem>>, vector<16xf32>,
        %add3A_621 = arith.constant 8 : i32
        %add3A_622 = arith.addi %mul3A_86, %add3A_621 : i32
        %get3A_623 = arith.index_cast %add3A_622 : i32 to index
        %get3A_624 = arith.constant 0 : index
        %get3A_625 = tpu.vector_load %arg13[%get3A_623, %get3A_624] {strides = array<i32>} : memref<64x128xf32, #tpu.memory_space<vmem>>, vector<16xf32>,
        %get3A_626 = arith.index_cast %add3A_622 : i32 to index
        %get3A_627 = arith.constant 0 : index
        %get3A_628 = tpu.vector_load %arg15[%get3A_626, %get3A_627] {strides = array<i32>} : memref<64x128xf32, #tpu.memory_space<vmem>>, vector<16xf32>,
        %mul3A_629 = arith.mulf %get3A_625, %get3A_628 : vector<16xf32>
        %get3A_630 = arith.index_cast %add3A_622 : i32 to index
        %get3A_631 = arith.constant 16 : index
        %get3A_632 = tpu.vector_load %arg13[%get3A_630, %get3A_631] {strides = array<i32>} : memref<64x128xf32, #tpu.memory_space<vmem>>, vector<16xf32>,
        %get3A_633 = arith.index_cast %add3A_622 : i32 to index
        %get3A_634 = arith.constant 16 : index
        %get3A_635 = tpu.vector_load %arg15[%get3A_633, %get3A_634] {strides = array<i32>} : memref<64x128xf32, #tpu.memory_space<vmem>>, vector<16xf32>,
        %mul3A_636 = arith.mulf %get3A_632, %get3A_635 : vector<16xf32>
        %add3A_637 = arith.addf %mul3A_629, %mul3A_636 : vector<16xf32>
        %get3A_638 = arith.index_cast %add3A_622 : i32 to index
        %get3A_639 = arith.constant 32 : index
        %get3A_640 = tpu.vector_load %arg13[%get3A_638, %get3A_639] {strides = array<i32>} : memref<64x128xf32, #tpu.memory_space<vmem>>, vector<16xf32>,
        %get3A_641 = arith.index_cast %add3A_622 : i32 to index
        %get3A_642 = arith.constant 32 : index
        %get3A_643 = tpu.vector_load %arg15[%get3A_641, %get3A_642] {strides = array<i32>} : memref<64x128xf32, #tpu.memory_space<vmem>>, vector<16xf32>,
        %mul3A_644 = arith.mulf %get3A_640, %get3A_643 : vector<16xf32>
        %add3A_645 = arith.addf %add3A_637, %mul3A_644 : vector<16xf32>
        %get3A_646 = arith.index_cast %add3A_622 : i32 to index
        %get3A_647 = arith.constant 48 : index
        %get3A_648 = tpu.vector_load %arg13[%get3A_646, %get3A_647] {strides = array<i32>} : memref<64x128xf32, #tpu.memory_space<vmem>>, vector<16xf32>,
        %get3A_649 = arith.index_cast %add3A_622 : i32 to index
        %get3A_650 = arith.constant 48 : index
        %get3A_651 = tpu.vector_load %arg15[%get3A_649, %get3A_650] {strides = array<i32>} : memref<64x128xf32, #tpu.memory_space<vmem>>, vector<16xf32>,
        %mul3A_652 = arith.mulf %get3A_648, %get3A_651 : vector<16xf32>
        %add3A_653 = arith.addf %add3A_645, %mul3A_652 : vector<16xf32>
        %get3A_654 = arith.index_cast %add3A_622 : i32 to index
        %get3A_655 = arith.constant 64 : index
        %get3A_656 = tpu.vector_load %arg13[%get3A_654, %get3A_655] {strides = array<i32>} : memref<64x128xf32, #tpu.memory_space<vmem>>, vector<16xf32>,
        %get3A_657 = arith.index_cast %add3A_622 : i32 to index
        %get3A_658 = arith.constant 64 : index
        %get3A_659 = tpu.vector_load %arg15[%get3A_657, %get3A_658] {strides = array<i32>} : memref<64x128xf32, #tpu.memory_space<vmem>>, vector<16xf32>,
        %mul3A_660 = arith.mulf %get3A_656, %get3A_659 : vector<16xf32>
        %add3A_661 = arith.addf %add3A_653, %mul3A_660 : vector<16xf32>
        %get3A_662 = arith.index_cast %add3A_622 : i32 to index
        %get3A_663 = arith.constant 80 : index
        %get3A_664 = tpu.vector_load %arg13[%get3A_662, %get3A_663] {strides = array<i32>} : memref<64x128xf32, #tpu.memory_space<vmem>>, vector<16xf32>,
        %get3A_665 = arith.index_cast %add3A_622 : i32 to index
        %get3A_666 = arith.constant 80 : index
        %get3A_667 = tpu.vector_load %arg15[%get3A_665, %get3A_666] {strides = array<i32>} : memref<64x128xf32, #tpu.memory_space<vmem>>, vector<16xf32>,
        %mul3A_668 = arith.mulf %get3A_664, %get3A_667 : vector<16xf32>
        %add3A_669 = arith.addf %add3A_661, %mul3A_668 : vector<16xf32>
        %get3A_670 = arith.index_cast %add3A_622 : i32 to index
        %get3A_671 = arith.constant 96 : index
        %get3A_672 = tpu.vector_load %arg13[%get3A_670, %get3A_671] {strides = array<i32>} : memref<64x128xf32, #tpu.memory_space<vmem>>, vector<16xf32>,
        %get3A_673 = arith.index_cast %add3A_622 : i32 to index
        %get3A_674 = arith.constant 96 : index
        %get3A_675 = tpu.vector_load %arg15[%get3A_673, %get3A_674] {strides = array<i32>} : memref<64x128xf32, #tpu.memory_space<vmem>>, vector<16xf32>,
        %mul3A_676 = arith.mulf %get3A_672, %get3A_675 : vector<16xf32>
        %add3A_677 = arith.addf %add3A_669, %mul3A_676 : vector<16xf32>
        %get3A_678 = arith.index_cast %add3A_622 : i32 to index
        %get3A_679 = arith.constant 112 : index
        %get3A_680 = tpu.vector_load %arg13[%get3A_678, %get3A_679] {strides = array<i32>} : memref<64x128xf32, #tpu.memory_space<vmem>>, vector<16xf32>,
        %get3A_681 = arith.index_cast %add3A_622 : i32 to index
        %get3A_682 = arith.constant 112 : index
        %get3A_683 = tpu.vector_load %arg15[%get3A_681, %get3A_682] {strides = array<i32>} : memref<64x128xf32, #tpu.memory_space<vmem>>, vector<16xf32>,
        %mul3A_684 = arith.mulf %get3A_680, %get3A_683 : vector<16xf32>
        %add3A_685 = arith.addf %add3A_677, %mul3A_684 : vector<16xf32>
        %swap3A_686 = arith.constant 136 : index
        %swap3A_687 = tpu.vector_load %arg11[%swap3A_686] {strides = array<i32>} : memref<272xf32, #tpu.memory_space<vmem>>, vector<16xf32>,
        tpu.vector_store %arg11[%swap3A_686], %add3A_685 {strides = array<i32>} : memref<272xf32, #tpu.memory_space<vmem>>, vector<16xf32>,
        %add3A_688 = arith.constant 9 : i32
        %add3A_689 = arith.addi %mul3A_86, %add3A_688 : i32
        %get3A_690 = arith.index_cast %add3A_689 : i32 to index
        %get3A_691 = arith.constant 0 : index
        %get3A_692 = tpu.vector_load %arg13[%get3A_690, %get3A_691] {strides = array<i32>} : memref<64x128xf32, #tpu.memory_space<vmem>>, vector<16xf32>,
        %get3A_693 = arith.index_cast %add3A_689 : i32 to index
        %get3A_694 = arith.constant 0 : index
        %get3A_695 = tpu.vector_load %arg15[%get3A_693, %get3A_694] {strides = array<i32>} : memref<64x128xf32, #tpu.memory_space<vmem>>, vector<16xf32>,
        %mul3A_696 = arith.mulf %get3A_692, %get3A_695 : vector<16xf32>
        %get3A_697 = arith.index_cast %add3A_689 : i32 to index
        %get3A_698 = arith.constant 16 : index
        %get3A_699 = tpu.vector_load %arg13[%get3A_697, %get3A_698] {strides = array<i32>} : memref<64x128xf32, #tpu.memory_space<vmem>>, vector<16xf32>,
        %get3A_700 = arith.index_cast %add3A_689 : i32 to index
        %get3A_701 = arith.constant 16 : index
        %get3A_702 = tpu.vector_load %arg15[%get3A_700, %get3A_701] {strides = array<i32>} : memref<64x128xf32, #tpu.memory_space<vmem>>, vector<16xf32>,
        %mul3A_703 = arith.mulf %get3A_699, %get3A_702 : vector<16xf32>
        %add3A_704 = arith.addf %mul3A_696, %mul3A_703 : vector<16xf32>
        %get3A_705 = arith.index_cast %add3A_689 : i32 to index
        %get3A_706 = arith.constant 32 : index
        %get3A_707 = tpu.vector_load %arg13[%get3A_705, %get3A_706] {strides = array<i32>} : memref<64x128xf32, #tpu.memory_space<vmem>>, vector<16xf32>,
        %get3A_708 = arith.index_cast %add3A_689 : i32 to index
        %get3A_709 = arith.constant 32 : index
        %get3A_710 = tpu.vector_load %arg15[%get3A_708, %get3A_709] {strides = array<i32>} : memref<64x128xf32, #tpu.memory_space<vmem>>, vector<16xf32>,
        %mul3A_711 = arith.mulf %get3A_707, %get3A_710 : vector<16xf32>
        %add3A_712 = arith.addf %add3A_704, %mul3A_711 : vector<16xf32>
        %get3A_713 = arith.index_cast %add3A_689 : i32 to index
        %get3A_714 = arith.constant 48 : index
        %get3A_715 = tpu.vector_load %arg13[%get3A_713, %get3A_714] {strides = array<i32>} : memref<64x128xf32, #tpu.memory_space<vmem>>, vector<16xf32>,
        %get3A_716 = arith.index_cast %add3A_689 : i32 to index
        %get3A_717 = arith.constant 48 : index
        %get3A_718 = tpu.vector_load %arg15[%get3A_716, %get3A_717] {strides = array<i32>} : memref<64x128xf32, #tpu.memory_space<vmem>>, vector<16xf32>,
        %mul3A_719 = arith.mulf %get3A_715, %get3A_718 : vector<16xf32>
        %add3A_720 = arith.addf %add3A_712, %mul3A_719 : vector<16xf32>
        %get3A_721 = arith.index_cast %add3A_689 : i32 to index
        %get3A_722 = arith.constant 64 : index
        %get3A_723 = tpu.vector_load %arg13[%get3A_721, %get3A_722] {strides = array<i32>} : memref<64x128xf32, #tpu.memory_space<vmem>>, vector<16xf32>,
        %get3A_724 = arith.index_cast %add3A_689 : i32 to index
        %get3A_725 = arith.constant 64 : index
        %get3A_726 = tpu.vector_load %arg15[%get3A_724, %get3A_725] {strides = array<i32>} : memref<64x128xf32, #tpu.memory_space<vmem>>, vector<16xf32>,
        %mul3A_727 = arith.mulf %get3A_723, %get3A_726 : vector<16xf32>
        %add3A_728 = arith.addf %add3A_720, %mul3A_727 : vector<16xf32>
        %get3A_729 = arith.index_cast %add3A_689 : i32 to index
        %get3A_730 = arith.constant 80 : index
        %get3A_731 = tpu.vector_load %arg13[%get3A_729, %get3A_730] {strides = array<i32>} : memref<64x128xf32, #tpu.memory_space<vmem>>, vector<16xf32>,
        %get3A_732 = arith.index_cast %add3A_689 : i32 to index
        %get3A_733 = arith.constant 80 : index
        %get3A_734 = tpu.vector_load %arg15[%get3A_732, %get3A_733] {strides = array<i32>} : memref<64x128xf32, #tpu.memory_space<vmem>>, vector<16xf32>,
        %mul3A_735 = arith.mulf %get3A_731, %get3A_734 : vector<16xf32>
        %add3A_736 = arith.addf %add3A_728, %mul3A_735 : vector<16xf32>
        %get3A_737 = arith.index_cast %add3A_689 : i32 to index
        %get3A_738 = arith.constant 96 : index
        %get3A_739 = tpu.vector_load %arg13[%get3A_737, %get3A_738] {strides = array<i32>} : memref<64x128xf32, #tpu.memory_space<vmem>>, vector<16xf32>,
        %get3A_740 = arith.index_cast %add3A_689 : i32 to index
        %get3A_741 = arith.constant 96 : index
        %get3A_742 = tpu.vector_load %arg15[%get3A_740, %get3A_741] {strides = array<i32>} : memref<64x128xf32, #tpu.memory_space<vmem>>, vector<16xf32>,
        %mul3A_743 = arith.mulf %get3A_739, %get3A_742 : vector<16xf32>
        %add3A_744 = arith.addf %add3A_736, %mul3A_743 : vector<16xf32>
        %get3A_745 = arith.index_cast %add3A_689 : i32 to index
        %get3A_746 = arith.constant 112 : index
        %get3A_747 = tpu.vector_load %arg13[%get3A_745, %get3A_746] {strides = array<i32>} : memref<64x128xf32, #tpu.memory_space<vmem>>, vector<16xf32>,
        %get3A_748 = arith.index_cast %add3A_689 : i32 to index
        %get3A_749 = arith.constant 112 : index
        %get3A_750 = tpu.vector_load %arg15[%get3A_748, %get3A_749] {strides = array<i32>} : memref<64x128xf32, #tpu.memory_space<vmem>>, vector<16xf32>,
        %mul3A_751 = arith.mulf %get3A_747, %get3A_750 : vector<16xf32>
        %add3A_752 = arith.addf %add3A_744, %mul3A_751 : vector<16xf32>
        %swap3A_753 = arith.constant 153 : index
        %swap3A_754 = tpu.vector_load %arg11[%swap3A_753] {strides = array<i32>} : memref<272xf32, #tpu.memory_space<vmem>>, vector<16xf32>,
        tpu.vector_store %arg11[%swap3A_753], %add3A_752 {strides = array<i32>} : memref<272xf32, #tpu.memory_space<vmem>>, vector<16xf32>,
        %add3A_755 = arith.constant 10 : i32
        %add3A_756 = arith.addi %mul3A_86, %add3A_755 : i32
        %get3A_757 = arith.index_cast %add3A_756 : i32 to index
        %get3A_758 = arith.constant 0 : index
        %get3A_759 = tpu.vector_load %arg13[%get3A_757, %get3A_758] {strides = array<i32>} : memref<64x128xf32, #tpu.memory_space<vmem>>, vector<16xf32>,
        %get3A_760 = arith.index_cast %add3A_756 : i32 to index
        %get3A_761 = arith.constant 0 : index
        %get3A_762 = tpu.vector_load %arg15[%get3A_760, %get3A_761] {strides = array<i32>} : memref<64x128xf32, #tpu.memory_space<vmem>>, vector<16xf32>,
        %mul3A_763 = arith.mulf %get3A_759, %get3A_762 : vector<16xf32>
        %get3A_764 = arith.index_cast %add3A_756 : i32 to index
        %get3A_765 = arith.constant 16 : index
        %get3A_766 = tpu.vector_load %arg13[%get3A_764, %get3A_765] {strides = array<i32>} : memref<64x128xf32, #tpu.memory_space<vmem>>, vector<16xf32>,
        %get3A_767 = arith.index_cast %add3A_756 : i32 to index
        %get3A_768 = arith.constant 16 : index
        %get3A_769 = tpu.vector_load %arg15[%get3A_767, %get3A_768] {strides = array<i32>} : memref<64x128xf32, #tpu.memory_space<vmem>>, vector<16xf32>,
        %mul3A_770 = arith.mulf %get3A_766, %get3A_769 : vector<16xf32>
        %add3A_771 = arith.addf %mul3A_763, %mul3A_770 : vector<16xf32>
        %get3A_772 = arith.index_cast %add3A_756 : i32 to index
        %get3A_773 = arith.constant 32 : index
        %get3A_774 = tpu.vector_load %arg13[%get3A_772, %get3A_773] {strides = array<i32>} : memref<64x128xf32, #tpu.memory_space<vmem>>, vector<16xf32>,
        %get3A_775 = arith.index_cast %add3A_756 : i32 to index
        %get3A_776 = arith.constant 32 : index
        %get3A_777 = tpu.vector_load %arg15[%get3A_775, %get3A_776] {strides = array<i32>} : memref<64x128xf32, #tpu.memory_space<vmem>>, vector<16xf32>,
        %mul3A_778 = arith.mulf %get3A_774, %get3A_777 : vector<16xf32>
        %add3A_779 = arith.addf %add3A_771, %mul3A_778 : vector<16xf32>
        %get3A_780 = arith.index_cast %add3A_756 : i32 to index
        %get3A_781 = arith.constant 48 : index
        %get3A_782 = tpu.vector_load %arg13[%get3A_780, %get3A_781] {strides = array<i32>} : memref<64x128xf32, #tpu.memory_space<vmem>>, vector<16xf32>,
        %get3A_783 = arith.index_cast %add3A_756 : i32 to index
        %get3A_784 = arith.constant 48 : index
        %get3A_785 = tpu.vector_load %arg15[%get3A_783, %get3A_784] {strides = array<i32>} : memref<64x128xf32, #tpu.memory_space<vmem>>, vector<16xf32>,
        %mul3A_786 = arith.mulf %get3A_782, %get3A_785 : vector<16xf32>
        %add3A_787 = arith.addf %add3A_779, %mul3A_786 : vector<16xf32>
        %get3A_788 = arith.index_cast %add3A_756 : i32 to index
        %get3A_789 = arith.constant 64 : index
        %get3A_790 = tpu.vector_load %arg13[%get3A_788, %get3A_789] {strides = array<i32>} : memref<64x128xf32, #tpu.memory_space<vmem>>, vector<16xf32>,
        %get3A_791 = arith.index_cast %add3A_756 : i32 to index
        %get3A_792 = arith.constant 64 : index
        %get3A_793 = tpu.vector_load %arg15[%get3A_791, %get3A_792] {strides = array<i32>} : memref<64x128xf32, #tpu.memory_space<vmem>>, vector<16xf32>,
        %mul3A_794 = arith.mulf %get3A_790, %get3A_793 : vector<16xf32>
        %add3A_795 = arith.addf %add3A_787, %mul3A_794 : vector<16xf32>
        %get3A_796 = arith.index_cast %add3A_756 : i32 to index
        %get3A_797 = arith.constant 80 : index
        %get3A_798 = tpu.vector_load %arg13[%get3A_796, %get3A_797] {strides = array<i32>} : memref<64x128xf32, #tpu.memory_space<vmem>>, vector<16xf32>,
        %get3A_799 = arith.index_cast %add3A_756 : i32 to index
        %get3A_800 = arith.constant 80 : index
        %get3A_801 = tpu.vector_load %arg15[%get3A_799, %get3A_800] {strides = array<i32>} : memref<64x128xf32, #tpu.memory_space<vmem>>, vector<16xf32>,
        %mul3A_802 = arith.mulf %get3A_798, %get3A_801 : vector<16xf32>
        %add3A_803 = arith.addf %add3A_795, %mul3A_802 : vector<16xf32>
        %get3A_804 = arith.index_cast %add3A_756 : i32 to index
        %get3A_805 = arith.constant 96 : index
        %get3A_806 = tpu.vector_load %arg13[%get3A_804, %get3A_805] {strides = array<i32>} : memref<64x128xf32, #tpu.memory_space<vmem>>, vector<16xf32>,
        %get3A_807 = arith.index_cast %add3A_756 : i32 to index
        %get3A_808 = arith.constant 96 : index
        %get3A_809 = tpu.vector_load %arg15[%get3A_807, %get3A_808] {strides = array<i32>} : memref<64x128xf32, #tpu.memory_space<vmem>>, vector<16xf32>,
        %mul3A_810 = arith.mulf %get3A_806, %get3A_809 : vector<16xf32>
        %add3A_811 = arith.addf %add3A_803, %mul3A_810 : vector<16xf32>
        %get3A_812 = arith.index_cast %add3A_756 : i32 to index
        %get3A_813 = arith.constant 112 : index
        %get3A_814 = tpu.vector_load %arg13[%get3A_812, %get3A_813] {strides = array<i32>} : memref<64x128xf32, #tpu.memory_space<vmem>>, vector<16xf32>,
        %get3A_815 = arith.index_cast %add3A_756 : i32 to index
        %get3A_816 = arith.constant 112 : index
        %get3A_817 = tpu.vector_load %arg15[%get3A_815, %get3A_816] {strides = array<i32>} : memref<64x128xf32, #tpu.memory_space<vmem>>, vector<16xf32>,
        %mul3A_818 = arith.mulf %get3A_814, %get3A_817 : vector<16xf32>
        %add3A_819 = arith.addf %add3A_811, %mul3A_818 : vector<16xf32>
        %swap3A_820 = arith.constant 170 : index
        %swap3A_821 = tpu.vector_load %arg11[%swap3A_820] {strides = array<i32>} : memref<272xf32, #tpu.memory_space<vmem>>, vector<16xf32>,
        tpu.vector_store %arg11[%swap3A_820], %add3A_819 {strides = array<i32>} : memref<272xf32, #tpu.memory_space<vmem>>, vector<16xf32>,
        %add3A_822 = arith.constant 11 : i32
        %add3A_823 = arith.addi %mul3A_86, %add3A_822 : i32
        %get3A_824 = arith.index_cast %add3A_823 : i32 to index
        %get3A_825 = arith.constant 0 : index
        %get3A_826 = tpu.vector_load %arg13[%get3A_824, %get3A_825] {strides = array<i32>} : memref<64x128xf32, #tpu.memory_space<vmem>>, vector<16xf32>,
        %get3A_827 = arith.index_cast %add3A_823 : i32 to index
        %get3A_828 = arith.constant 0 : index
        %get3A_829 = tpu.vector_load %arg15[%get3A_827, %get3A_828] {strides = array<i32>} : memref<64x128xf32, #tpu.memory_space<vmem>>, vector<16xf32>,
        %mul3A_830 = arith.mulf %get3A_826, %get3A_829 : vector<16xf32>
        %get3A_831 = arith.index_cast %add3A_823 : i32 to index
        %get3A_832 = arith.constant 16 : index
        %get3A_833 = tpu.vector_load %arg13[%get3A_831, %get3A_832] {strides = array<i32>} : memref<64x128xf32, #tpu.memory_space<vmem>>, vector<16xf32>,
        %get3A_834 = arith.index_cast %add3A_823 : i32 to index
        %get3A_835 = arith.constant 16 : index
        %get3A_836 = tpu.vector_load %arg15[%get3A_834, %get3A_835] {strides = array<i32>} : memref<64x128xf32, #tpu.memory_space<vmem>>, vector<16xf32>,
        %mul3A_837 = arith.mulf %get3A_833, %get3A_836 : vector<16xf32>
        %add3A_838 = arith.addf %mul3A_830, %mul3A_837 : vector<16xf32>
        %get3A_839 = arith.index_cast %add3A_823 : i32 to index
        %get3A_840 = arith.constant 32 : index
        %get3A_841 = tpu.vector_load %arg13[%get3A_839, %get3A_840] {strides = array<i32>} : memref<64x128xf32, #tpu.memory_space<vmem>>, vector<16xf32>,
        %get3A_842 = arith.index_cast %add3A_823 : i32 to index
        %get3A_843 = arith.constant 32 : index
        %get3A_844 = tpu.vector_load %arg15[%get3A_842, %get3A_843] {strides = array<i32>} : memref<64x128xf32, #tpu.memory_space<vmem>>, vector<16xf32>,
        %mul3A_845 = arith.mulf %get3A_841, %get3A_844 : vector<16xf32>
        %add3A_846 = arith.addf %add3A_838, %mul3A_845 : vector<16xf32>
        %get3A_847 = arith.index_cast %add3A_823 : i32 to index
        %get3A_848 = arith.constant 48 : index
        %get3A_849 = tpu.vector_load %arg13[%get3A_847, %get3A_848] {strides = array<i32>} : memref<64x128xf32, #tpu.memory_space<vmem>>, vector<16xf32>,
        %get3A_850 = arith.index_cast %add3A_823 : i32 to index
        %get3A_851 = arith.constant 48 : index
        %get3A_852 = tpu.vector_load %arg15[%get3A_850, %get3A_851] {strides = array<i32>} : memref<64x128xf32, #tpu.memory_space<vmem>>, vector<16xf32>,
        %mul3A_853 = arith.mulf %get3A_849, %get3A_852 : vector<16xf32>
        %add3A_854 = arith.addf %add3A_846, %mul3A_853 : vector<16xf32>
        %get3A_855 = arith.index_cast %add3A_823 : i32 to index
        %get3A_856 = arith.constant 64 : index
        %get3A_857 = tpu.vector_load %arg13[%get3A_855, %get3A_856] {strides = array<i32>} : memref<64x128xf32, #tpu.memory_space<vmem>>, vector<16xf32>,
        %get3A_858 = arith.index_cast %add3A_823 : i32 to index
        %get3A_859 = arith.constant 64 : index
        %get3A_860 = tpu.vector_load %arg15[%get3A_858, %get3A_859] {strides = array<i32>} : memref<64x128xf32, #tpu.memory_space<vmem>>, vector<16xf32>,
        %mul3A_861 = arith.mulf %get3A_857, %get3A_860 : vector<16xf32>
        %add3A_862 = arith.addf %add3A_854, %mul3A_861 : vector<16xf32>
        %get3A_863 = arith.index_cast %add3A_823 : i32 to index
        %get3A_864 = arith.constant 80 : index
        %get3A_865 = tpu.vector_load %arg13[%get3A_863, %get3A_864] {strides = array<i32>} : memref<64x128xf32, #tpu.memory_space<vmem>>, vector<16xf32>,
        %get3A_866 = arith.index_cast %add3A_823 : i32 to index
        %get3A_867 = arith.constant 80 : index
        %get3A_868 = tpu.vector_load %arg15[%get3A_866, %get3A_867] {strides = array<i32>} : memref<64x128xf32, #tpu.memory_space<vmem>>, vector<16xf32>,
        %mul3A_869 = arith.mulf %get3A_865, %get3A_868 : vector<16xf32>
        %add3A_870 = arith.addf %add3A_862, %mul3A_869 : vector<16xf32>
        %get3A_871 = arith.index_cast %add3A_823 : i32 to index
        %get3A_872 = arith.constant 96 : index
        %get3A_873 = tpu.vector_load %arg13[%get3A_871, %get3A_872] {strides = array<i32>} : memref<64x128xf32, #tpu.memory_space<vmem>>, vector<16xf32>,
        %get3A_874 = arith.index_cast %add3A_823 : i32 to index
        %get3A_875 = arith.constant 96 : index
        %get3A_876 = tpu.vector_load %arg15[%get3A_874, %get3A_875] {strides = array<i32>} : memref<64x128xf32, #tpu.memory_space<vmem>>, vector<16xf32>,
        %mul3A_877 = arith.mulf %get3A_873, %get3A_876 : vector<16xf32>
        %add3A_878 = arith.addf %add3A_870, %mul3A_877 : vector<16xf32>
        %get3A_879 = arith.index_cast %add3A_823 : i32 to index
        %get3A_880 = arith.constant 112 : index
        %get3A_881 = tpu.vector_load %arg13[%get3A_879, %get3A_880] {strides = array<i32>} : memref<64x128xf32, #tpu.memory_space<vmem>>, vector<16xf32>,
        %get3A_882 = arith.index_cast %add3A_823 : i32 to index
        %get3A_883 = arith.constant 112 : index
        %get3A_884 = tpu.vector_load %arg15[%get3A_882, %get3A_883] {strides = array<i32>} : memref<64x128xf32, #tpu.memory_space<vmem>>, vector<16xf32>,
        %mul3A_885 = arith.mulf %get3A_881, %get3A_884 : vector<16xf32>
        %add3A_886 = arith.addf %add3A_878, %mul3A_885 : vector<16xf32>
        %swap3A_887 = arith.constant 187 : index
        %swap3A_888 = tpu.vector_load %arg11[%swap3A_887] {strides = array<i32>} : memref<272xf32, #tpu.memory_space<vmem>>, vector<16xf32>,
        tpu.vector_store %arg11[%swap3A_887], %add3A_886 {strides = array<i32>} : memref<272xf32, #tpu.memory_space<vmem>>, vector<16xf32>,
        %add3A_889 = arith.constant 12 : i32
        %add3A_890 = arith.addi %mul3A_86, %add3A_889 : i32
        %get3A_891 = arith.index_cast %add3A_890 : i32 to index
        %get3A_892 = arith.constant 0 : index
        %get3A_893 = tpu.vector_load %arg13[%get3A_891, %get3A_892] {strides = array<i32>} : memref<64x128xf32, #tpu.memory_space<vmem>>, vector<16xf32>,
        %get3A_894 = arith.index_cast %add3A_890 : i32 to index
        %get3A_895 = arith.constant 0 : index
        %get3A_896 = tpu.vector_load %arg15[%get3A_894, %get3A_895] {strides = array<i32>} : memref<64x128xf32, #tpu.memory_space<vmem>>, vector<16xf32>,
        %mul3A_897 = arith.mulf %get3A_893, %get3A_896 : vector<16xf32>
        %get3A_898 = arith.index_cast %add3A_890 : i32 to index
        %get3A_899 = arith.constant 16 : index
        %get3A_900 = tpu.vector_load %arg13[%get3A_898, %get3A_899] {strides = array<i32>} : memref<64x128xf32, #tpu.memory_space<vmem>>, vector<16xf32>,
        %get3A_901 = arith.index_cast %add3A_890 : i32 to index
        %get3A_902 = arith.constant 16 : index
        %get3A_903 = tpu.vector_load %arg15[%get3A_901, %get3A_902] {strides = array<i32>} : memref<64x128xf32, #tpu.memory_space<vmem>>, vector<16xf32>,
        %mul3A_904 = arith.mulf %get3A_900, %get3A_903 : vector<16xf32>
        %add3A_905 = arith.addf %mul3A_897, %mul3A_904 : vector<16xf32>
        %get3A_906 = arith.index_cast %add3A_890 : i32 to index
        %get3A_907 = arith.constant 32 : index
        %get3A_908 = tpu.vector_load %arg13[%get3A_906, %get3A_907] {strides = array<i32>} : memref<64x128xf32, #tpu.memory_space<vmem>>, vector<16xf32>,
        %get3A_909 = arith.index_cast %add3A_890 : i32 to index
        %get3A_910 = arith.constant 32 : index
        %get3A_911 = tpu.vector_load %arg15[%get3A_909, %get3A_910] {strides = array<i32>} : memref<64x128xf32, #tpu.memory_space<vmem>>, vector<16xf32>,
        %mul3A_912 = arith.mulf %get3A_908, %get3A_911 : vector<16xf32>
        %add3A_913 = arith.addf %add3A_905, %mul3A_912 : vector<16xf32>
        %get3A_914 = arith.index_cast %add3A_890 : i32 to index
        %get3A_915 = arith.constant 48 : index
        %get3A_916 = tpu.vector_load %arg13[%get3A_914, %get3A_915] {strides = array<i32>} : memref<64x128xf32, #tpu.memory_space<vmem>>, vector<16xf32>,
        %get3A_917 = arith.index_cast %add3A_890 : i32 to index
        %get3A_918 = arith.constant 48 : index
        %get3A_919 = tpu.vector_load %arg15[%get3A_917, %get3A_918] {strides = array<i32>} : memref<64x128xf32, #tpu.memory_space<vmem>>, vector<16xf32>,
        %mul3A_920 = arith.mulf %get3A_916, %get3A_919 : vector<16xf32>
        %add3A_921 = arith.addf %add3A_913, %mul3A_920 : vector<16xf32>
        %get3A_922 = arith.index_cast %add3A_890 : i32 to index
        %get3A_923 = arith.constant 64 : index
        %get3A_924 = tpu.vector_load %arg13[%get3A_922, %get3A_923] {strides = array<i32>} : memref<64x128xf32, #tpu.memory_space<vmem>>, vector<16xf32>,
        %get3A_925 = arith.index_cast %add3A_890 : i32 to index
        %get3A_926 = arith.constant 64 : index
        %get3A_927 = tpu.vector_load %arg15[%get3A_925, %get3A_926] {strides = array<i32>} : memref<64x128xf32, #tpu.memory_space<vmem>>, vector<16xf32>,
        %mul3A_928 = arith.mulf %get3A_924, %get3A_927 : vector<16xf32>
        %add3A_929 = arith.addf %add3A_921, %mul3A_928 : vector<16xf32>
        %get3A_930 = arith.index_cast %add3A_890 : i32 to index
        %get3A_931 = arith.constant 80 : index
        %get3A_932 = tpu.vector_load %arg13[%get3A_930, %get3A_931] {strides = array<i32>} : memref<64x128xf32, #tpu.memory_space<vmem>>, vector<16xf32>,
        %get3A_933 = arith.index_cast %add3A_890 : i32 to index
        %get3A_934 = arith.constant 80 : index
        %get3A_935 = tpu.vector_load %arg15[%get3A_933, %get3A_934] {strides = array<i32>} : memref<64x128xf32, #tpu.memory_space<vmem>>, vector<16xf32>,
        %mul3A_936 = arith.mulf %get3A_932, %get3A_935 : vector<16xf32>
        %add3A_937 = arith.addf %add3A_929, %mul3A_936 : vector<16xf32>
        %get3A_938 = arith.index_cast %add3A_890 : i32 to index
        %get3A_939 = arith.constant 96 : index
        %get3A_940 = tpu.vector_load %arg13[%get3A_938, %get3A_939] {strides = array<i32>} : memref<64x128xf32, #tpu.memory_space<vmem>>, vector<16xf32>,
        %get3A_941 = arith.index_cast %add3A_890 : i32 to index
        %get3A_942 = arith.constant 96 : index
        %get3A_943 = tpu.vector_load %arg15[%get3A_941, %get3A_942] {strides = array<i32>} : memref<64x128xf32, #tpu.memory_space<vmem>>, vector<16xf32>,
        %mul3A_944 = arith.mulf %get3A_940, %get3A_943 : vector<16xf32>
        %add3A_945 = arith.addf %add3A_937, %mul3A_944 : vector<16xf32>
        %get3A_946 = arith.index_cast %add3A_890 : i32 to index
        %get3A_947 = arith.constant 112 : index
        %get3A_948 = tpu.vector_load %arg13[%get3A_946, %get3A_947] {strides = array<i32>} : memref<64x128xf32, #tpu.memory_space<vmem>>, vector<16xf32>,
        %get3A_949 = arith.index_cast %add3A_890 : i32 to index
        %get3A_950 = arith.constant 112 : index
        %get3A_951 = tpu.vector_load %arg15[%get3A_949, %get3A_950] {strides = array<i32>} : memref<64x128xf32, #tpu.memory_space<vmem>>, vector<16xf32>,
        %mul3A_952 = arith.mulf %get3A_948, %get3A_951 : vector<16xf32>
        %add3A_953 = arith.addf %add3A_945, %mul3A_952 : vector<16xf32>
        %swap3A_954 = arith.constant 204 : index
        %swap3A_955 = tpu.vector_load %arg11[%swap3A_954] {strides = array<i32>} : memref<272xf32, #tpu.memory_space<vmem>>, vector<16xf32>,
        tpu.vector_store %arg11[%swap3A_954], %add3A_953 {strides = array<i32>} : memref<272xf32, #tpu.memory_space<vmem>>, vector<16xf32>,
        %add3A_956 = arith.constant 13 : i32
        %add3A_957 = arith.addi %mul3A_86, %add3A_956 : i32
        %get3A_958 = arith.index_cast %add3A_957 : i32 to index
        %get3A_959 = arith.constant 0 : index
        %get3A_960 = tpu.vector_load %arg13[%get3A_958, %get3A_959] {strides = array<i32>} : memref<64x128xf32, #tpu.memory_space<vmem>>, vector<16xf32>,
        %get3A_961 = arith.index_cast %add3A_957 : i32 to index
        %get3A_962 = arith.constant 0 : index
        %get3A_963 = tpu.vector_load %arg15[%get3A_961, %get3A_962] {strides = array<i32>} : memref<64x128xf32, #tpu.memory_space<vmem>>, vector<16xf32>,
        %mul3A_964 = arith.mulf %get3A_960, %get3A_963 : vector<16xf32>
        %get3A_965 = arith.index_cast %add3A_957 : i32 to index
        %get3A_966 = arith.constant 16 : index
        %get3A_967 = tpu.vector_load %arg13[%get3A_965, %get3A_966] {strides = array<i32>} : memref<64x128xf32, #tpu.memory_space<vmem>>, vector<16xf32>,
        %get3A_968 = arith.index_cast %add3A_957 : i32 to index
        %get3A_969 = arith.constant 16 : index
        %get3A_970 = tpu.vector_load %arg15[%get3A_968, %get3A_969] {strides = array<i32>} : memref<64x128xf32, #tpu.memory_space<vmem>>, vector<16xf32>,
        %mul3A_971 = arith.mulf %get3A_967, %get3A_970 : vector<16xf32>
        %add3A_972 = arith.addf %mul3A_964, %mul3A_971 : vector<16xf32>
        %get3A_973 = arith.index_cast %add3A_957 : i32 to index
        %get3A_974 = arith.constant 32 : index
        %get3A_975 = tpu.vector_load %arg13[%get3A_973, %get3A_974] {strides = array<i32>} : memref<64x128xf32, #tpu.memory_space<vmem>>, vector<16xf32>,
        %get3A_976 = arith.index_cast %add3A_957 : i32 to index
        %get3A_977 = arith.constant 32 : index
        %get3A_978 = tpu.vector_load %arg15[%get3A_976, %get3A_977] {strides = array<i32>} : memref<64x128xf32, #tpu.memory_space<vmem>>, vector<16xf32>,
        %mul3A_979 = arith.mulf %get3A_975, %get3A_978 : vector<16xf32>
        %add3A_980 = arith.addf %add3A_972, %mul3A_979 : vector<16xf32>
        %get3A_981 = arith.index_cast %add3A_957 : i32 to index
        %get3A_982 = arith.constant 48 : index
        %get3A_983 = tpu.vector_load %arg13[%get3A_981, %get3A_982] {strides = array<i32>} : memref<64x128xf32, #tpu.memory_space<vmem>>, vector<16xf32>,
        %get3A_984 = arith.index_cast %add3A_957 : i32 to index
        %get3A_985 = arith.constant 48 : index
        %get3A_986 = tpu.vector_load %arg15[%get3A_984, %get3A_985] {strides = array<i32>} : memref<64x128xf32, #tpu.memory_space<vmem>>, vector<16xf32>,
        %mul3A_987 = arith.mulf %get3A_983, %get3A_986 : vector<16xf32>
        %add3A_988 = arith.addf %add3A_980, %mul3A_987 : vector<16xf32>
        %get3A_989 = arith.index_cast %add3A_957 : i32 to index
        %get3A_990 = arith.constant 64 : index
        %get3A_991 = tpu.vector_load %arg13[%get3A_989, %get3A_990] {strides = array<i32>} : memref<64x128xf32, #tpu.memory_space<vmem>>, vector<16xf32>,
        %get3A_992 = arith.index_cast %add3A_957 : i32 to index
        %get3A_993 = arith.constant 64 : index
        %get3A_994 = tpu.vector_load %arg15[%get3A_992, %get3A_993] {strides = array<i32>} : memref<64x128xf32, #tpu.memory_space<vmem>>, vector<16xf32>,
        %mul3A_995 = arith.mulf %get3A_991, %get3A_994 : vector<16xf32>
        %add3A_996 = arith.addf %add3A_988, %mul3A_995 : vector<16xf32>
        %get3A_997 = arith.index_cast %add3A_957 : i32 to index
        %get3A_998 = arith.constant 80 : index
        %get3A_999 = tpu.vector_load %arg13[%get3A_997, %get3A_998] {strides = array<i32>} : memref<64x128xf32, #tpu.memory_space<vmem>>, vector<16xf32>,
        %get3A_1000 = arith.index_cast %add3A_957 : i32 to index
        %get3A_1001 = arith.constant 80 : index
        %get3A_1002 = tpu.vector_load %arg15[%get3A_1000, %get3A_1001] {strides = array<i32>} : memref<64x128xf32, #tpu.memory_space<vmem>>, vector<16xf32>,
        %mul3A_1003 = arith.mulf %get3A_999, %get3A_1002 : vector<16xf32>
        %add3A_1004 = arith.addf %add3A_996, %mul3A_1003 : vector<16xf32>
        %get3A_1005 = arith.index_cast %add3A_957 : i32 to index
        %get3A_1006 = arith.constant 96 : index
        %get3A_1007 = tpu.vector_load %arg13[%get3A_1005, %get3A_1006] {strides = array<i32>} : memref<64x128xf32, #tpu.memory_space<vmem>>, vector<16xf32>,
        %get3A_1008 = arith.index_cast %add3A_957 : i32 to index
        %get3A_1009 = arith.constant 96 : index
        %get3A_1010 = tpu.vector_load %arg15[%get3A_1008, %get3A_1009] {strides = array<i32>} : memref<64x128xf32, #tpu.memory_space<vmem>>, vector<16xf32>,
        %mul3A_1011 = arith.mulf %get3A_1007, %get3A_1010 : vector<16xf32>
        %add3A_1012 = arith.addf %add3A_1004, %mul3A_1011 : vector<16xf32>
        %get3A_1013 = arith.index_cast %add3A_957 : i32 to index
        %get3A_1014 = arith.constant 112 : index
        %get3A_1015 = tpu.vector_load %arg13[%get3A_1013, %get3A_1014] {strides = array<i32>} : memref<64x128xf32, #tpu.memory_space<vmem>>, vector<16xf32>,
        %get3A_1016 = arith.index_cast %add3A_957 : i32 to index
        %get3A_1017 = arith.constant 112 : index
        %get3A_1018 = tpu.vector_load %arg15[%get3A_1016, %get3A_1017] {strides = array<i32>} : memref<64x128xf32, #tpu.memory_space<vmem>>, vector<16xf32>,
        %mul3A_1019 = arith.mulf %get3A_1015, %get3A_1018 : vector<16xf32>
        %add3A_1020 = arith.addf %add3A_1012, %mul3A_1019 : vector<16xf32>
        %swap3A_1021 = arith.constant 221 : index
        %swap3A_1022 = tpu.vector_load %arg11[%swap3A_1021] {strides = array<i32>} : memref<272xf32, #tpu.memory_space<vmem>>, vector<16xf32>,
        tpu.vector_store %arg11[%swap3A_1021], %add3A_1020 {strides = array<i32>} : memref<272xf32, #tpu.memory_space<vmem>>, vector<16xf32>,
        %add3A_1023 = arith.constant 14 : i32
        %add3A_1024 = arith.addi %mul3A_86, %add3A_1023 : i32
        %get3A_1025 = arith.index_cast %add3A_1024 : i32 to index
        %get3A_1026 = arith.constant 0 : index
        %get3A_1027 = tpu.vector_load %arg13[%get3A_1025, %get3A_1026] {strides = array<i32>} : memref<64x128xf32, #tpu.memory_space<vmem>>, vector<16xf32>,
        %get3A_1028 = arith.index_cast %add3A_1024 : i32 to index
        %get3A_1029 = arith.constant 0 : index
        %get3A_1030 = tpu.vector_load %arg15[%get3A_1028, %get3A_1029] {strides = array<i32>} : memref<64x128xf32, #tpu.memory_space<vmem>>, vector<16xf32>,
        %mul3A_1031 = arith.mulf %get3A_1027, %get3A_1030 : vector<16xf32>
        %get3A_1032 = arith.index_cast %add3A_1024 : i32 to index
        %get3A_1033 = arith.constant 16 : index
        %get3A_1034 = tpu.vector_load %arg13[%get3A_1032, %get3A_1033] {strides = array<i32>} : memref<64x128xf32, #tpu.memory_space<vmem>>, vector<16xf32>,
        %get3A_1035 = arith.index_cast %add3A_1024 : i32 to index
        %get3A_1036 = arith.constant 16 : index
        %get3A_1037 = tpu.vector_load %arg15[%get3A_1035, %get3A_1036] {strides = array<i32>} : memref<64x128xf32, #tpu.memory_space<vmem>>, vector<16xf32>,
        %mul3A_1038 = arith.mulf %get3A_1034, %get3A_1037 : vector<16xf32>
        %add3A_1039 = arith.addf %mul3A_1031, %mul3A_1038 : vector<16xf32>
        %get3A_1040 = arith.index_cast %add3A_1024 : i32 to index
        %get3A_1041 = arith.constant 32 : index
        %get3A_1042 = tpu.vector_load %arg13[%get3A_1040, %get3A_1041] {strides = array<i32>} : memref<64x128xf32, #tpu.memory_space<vmem>>, vector<16xf32>,
        %get3A_1043 = arith.index_cast %add3A_1024 : i32 to index
        %get3A_1044 = arith.constant 32 : index
        %get3A_1045 = tpu.vector_load %arg15[%get3A_1043, %get3A_1044] {strides = array<i32>} : memref<64x128xf32, #tpu.memory_space<vmem>>, vector<16xf32>,
        %mul3A_1046 = arith.mulf %get3A_1042, %get3A_1045 : vector<16xf32>
        %add3A_1047 = arith.addf %add3A_1039, %mul3A_1046 : vector<16xf32>
        %get3A_1048 = arith.index_cast %add3A_1024 : i32 to index
        %get3A_1049 = arith.constant 48 : index
        %get3A_1050 = tpu.vector_load %arg13[%get3A_1048, %get3A_1049] {strides = array<i32>} : memref<64x128xf32, #tpu.memory_space<vmem>>, vector<16xf32>,
        %get3A_1051 = arith.index_cast %add3A_1024 : i32 to index
        %get3A_1052 = arith.constant 48 : index
        %get3A_1053 = tpu.vector_load %arg15[%get3A_1051, %get3A_1052] {strides = array<i32>} : memref<64x128xf32, #tpu.memory_space<vmem>>, vector<16xf32>,
        %mul3A_1054 = arith.mulf %get3A_1050, %get3A_1053 : vector<16xf32>
        %add3A_1055 = arith.addf %add3A_1047, %mul3A_1054 : vector<16xf32>
        %get3A_1056 = arith.index_cast %add3A_1024 : i32 to index
        %get3A_1057 = arith.constant 64 : index
        %get3A_1058 = tpu.vector_load %arg13[%get3A_1056, %get3A_1057] {strides = array<i32>} : memref<64x128xf32, #tpu.memory_space<vmem>>, vector<16xf32>,
        %get3A_1059 = arith.index_cast %add3A_1024 : i32 to index
        %get3A_1060 = arith.constant 64 : index
        %get3A_1061 = tpu.vector_load %arg15[%get3A_1059, %get3A_1060] {strides = array<i32>} : memref<64x128xf32, #tpu.memory_space<vmem>>, vector<16xf32>,
        %mul3A_1062 = arith.mulf %get3A_1058, %get3A_1061 : vector<16xf32>
        %add3A_1063 = arith.addf %add3A_1055, %mul3A_1062 : vector<16xf32>
        %get3A_1064 = arith.index_cast %add3A_1024 : i32 to index
        %get3A_1065 = arith.constant 80 : index
        %get3A_1066 = tpu.vector_load %arg13[%get3A_1064, %get3A_1065] {strides = array<i32>} : memref<64x128xf32, #tpu.memory_space<vmem>>, vector<16xf32>,
        %get3A_1067 = arith.index_cast %add3A_1024 : i32 to index
        %get3A_1068 = arith.constant 80 : index
        %get3A_1069 = tpu.vector_load %arg15[%get3A_1067, %get3A_1068] {strides = array<i32>} : memref<64x128xf32, #tpu.memory_space<vmem>>, vector<16xf32>,
        %mul3A_1070 = arith.mulf %get3A_1066, %get3A_1069 : vector<16xf32>
        %add3A_1071 = arith.addf %add3A_1063, %mul3A_1070 : vector<16xf32>
        %get3A_1072 = arith.index_cast %add3A_1024 : i32 to index
        %get3A_1073 = arith.constant 96 : index
        %get3A_1074 = tpu.vector_load %arg13[%get3A_1072, %get3A_1073] {strides = array<i32>} : memref<64x128xf32, #tpu.memory_space<vmem>>, vector<16xf32>,
        %get3A_1075 = arith.index_cast %add3A_1024 : i32 to index
        %get3A_1076 = arith.constant 96 : index
        %get3A_1077 = tpu.vector_load %arg15[%get3A_1075, %get3A_1076] {strides = array<i32>} : memref<64x128xf32, #tpu.memory_space<vmem>>, vector<16xf32>,
        %mul3A_1078 = arith.mulf %get3A_1074, %get3A_1077 : vector<16xf32>
        %add3A_1079 = arith.addf %add3A_1071, %mul3A_1078 : vector<16xf32>
        %get3A_1080 = arith.index_cast %add3A_1024 : i32 to index
        %get3A_1081 = arith.constant 112 : index
        %get3A_1082 = tpu.vector_load %arg13[%get3A_1080, %get3A_1081] {strides = array<i32>} : memref<64x128xf32, #tpu.memory_space<vmem>>, vector<16xf32>,
        %get3A_1083 = arith.index_cast %add3A_1024 : i32 to index
        %get3A_1084 = arith.constant 112 : index
        %get3A_1085 = tpu.vector_load %arg15[%get3A_1083, %get3A_1084] {strides = array<i32>} : memref<64x128xf32, #tpu.memory_space<vmem>>, vector<16xf32>,
        %mul3A_1086 = arith.mulf %get3A_1082, %get3A_1085 : vector<16xf32>
        %add3A_1087 = arith.addf %add3A_1079, %mul3A_1086 : vector<16xf32>
        %swap3A_1088 = arith.constant 238 : index
        %swap3A_1089 = tpu.vector_load %arg11[%swap3A_1088] {strides = array<i32>} : memref<272xf32, #tpu.memory_space<vmem>>, vector<16xf32>,
        tpu.vector_store %arg11[%swap3A_1088], %add3A_1087 {strides = array<i32>} : memref<272xf32, #tpu.memory_space<vmem>>, vector<16xf32>,
        %add3A_1090 = arith.constant 15 : i32
        %add3A_1091 = arith.addi %mul3A_86, %add3A_1090 : i32
        %get3A_1092 = arith.index_cast %add3A_1091 : i32 to index
        %get3A_1093 = arith.constant 0 : index
        %get3A_1094 = tpu.vector_load %arg13[%get3A_1092, %get3A_1093] {strides = array<i32>} : memref<64x128xf32, #tpu.memory_space<vmem>>, vector<16xf32>,
        %get3A_1095 = arith.index_cast %add3A_1091 : i32 to index
        %get3A_1096 = arith.constant 0 : index
        %get3A_1097 = tpu.vector_load %arg15[%get3A_1095, %get3A_1096] {strides = array<i32>} : memref<64x128xf32, #tpu.memory_space<vmem>>, vector<16xf32>,
        %mul3A_1098 = arith.mulf %get3A_1094, %get3A_1097 : vector<16xf32>
        %get3A_1099 = arith.index_cast %add3A_1091 : i32 to index
        %get3A_1100 = arith.constant 16 : index
        %get3A_1101 = tpu.vector_load %arg13[%get3A_1099, %get3A_1100] {strides = array<i32>} : memref<64x128xf32, #tpu.memory_space<vmem>>, vector<16xf32>,
        %get3A_1102 = arith.index_cast %add3A_1091 : i32 to index
        %get3A_1103 = arith.constant 16 : index
        %get3A_1104 = tpu.vector_load %arg15[%get3A_1102, %get3A_1103] {strides = array<i32>} : memref<64x128xf32, #tpu.memory_space<vmem>>, vector<16xf32>,
        %mul3A_1105 = arith.mulf %get3A_1101, %get3A_1104 : vector<16xf32>
        %add3A_1106 = arith.addf %mul3A_1098, %mul3A_1105 : vector<16xf32>
        %get3A_1107 = arith.index_cast %add3A_1091 : i32 to index
        %get3A_1108 = arith.constant 32 : index
        %get3A_1109 = tpu.vector_load %arg13[%get3A_1107, %get3A_1108] {strides = array<i32>} : memref<64x128xf32, #tpu.memory_space<vmem>>, vector<16xf32>,
        %get3A_1110 = arith.index_cast %add3A_1091 : i32 to index
        %get3A_1111 = arith.constant 32 : index
        %get3A_1112 = tpu.vector_load %arg15[%get3A_1110, %get3A_1111] {strides = array<i32>} : memref<64x128xf32, #tpu.memory_space<vmem>>, vector<16xf32>,
        %mul3A_1113 = arith.mulf %get3A_1109, %get3A_1112 : vector<16xf32>
        %add3A_1114 = arith.addf %add3A_1106, %mul3A_1113 : vector<16xf32>
        %get3A_1115 = arith.index_cast %add3A_1091 : i32 to index
        %get3A_1116 = arith.constant 48 : index
        %get3A_1117 = tpu.vector_load %arg13[%get3A_1115, %get3A_1116] {strides = array<i32>} : memref<64x128xf32, #tpu.memory_space<vmem>>, vector<16xf32>,
        %get3A_1118 = arith.index_cast %add3A_1091 : i32 to index
        %get3A_1119 = arith.constant 48 : index
        %get3A_1120 = tpu.vector_load %arg15[%get3A_1118, %get3A_1119] {strides = array<i32>} : memref<64x128xf32, #tpu.memory_space<vmem>>, vector<16xf32>,
        %mul3A_1121 = arith.mulf %get3A_1117, %get3A_1120 : vector<16xf32>
        %add3A_1122 = arith.addf %add3A_1114, %mul3A_1121 : vector<16xf32>
        %get3A_1123 = arith.index_cast %add3A_1091 : i32 to index
        %get3A_1124 = arith.constant 64 : index
        %get3A_1125 = tpu.vector_load %arg13[%get3A_1123, %get3A_1124] {strides = array<i32>} : memref<64x128xf32, #tpu.memory_space<vmem>>, vector<16xf32>,
        %get3A_1126 = arith.index_cast %add3A_1091 : i32 to index
        %get3A_1127 = arith.constant 64 : index
        %get3A_1128 = tpu.vector_load %arg15[%get3A_1126, %get3A_1127] {strides = array<i32>} : memref<64x128xf32, #tpu.memory_space<vmem>>, vector<16xf32>,
        %mul3A_1129 = arith.mulf %get3A_1125, %get3A_1128 : vector<16xf32>
        %add3A_1130 = arith.addf %add3A_1122, %mul3A_1129 : vector<16xf32>
        %get3A_1131 = arith.index_cast %add3A_1091 : i32 to index
        %get3A_1132 = arith.constant 80 : index
        %get3A_1133 = tpu.vector_load %arg13[%get3A_1131, %get3A_1132] {strides = array<i32>} : memref<64x128xf32, #tpu.memory_space<vmem>>, vector<16xf32>,
        %get3A_1134 = arith.index_cast %add3A_1091 : i32 to index
        %get3A_1135 = arith.constant 80 : index
        %get3A_1136 = tpu.vector_load %arg15[%get3A_1134, %get3A_1135] {strides = array<i32>} : memref<64x128xf32, #tpu.memory_space<vmem>>, vector<16xf32>,
        %mul3A_1137 = arith.mulf %get3A_1133, %get3A_1136 : vector<16xf32>
        %add3A_1138 = arith.addf %add3A_1130, %mul3A_1137 : vector<16xf32>
        %get3A_1139 = arith.index_cast %add3A_1091 : i32 to index
        %get3A_1140 = arith.constant 96 : index
        %get3A_1141 = tpu.vector_load %arg13[%get3A_1139, %get3A_1140] {strides = array<i32>} : memref<64x128xf32, #tpu.memory_space<vmem>>, vector<16xf32>,
        %get3A_1142 = arith.index_cast %add3A_1091 : i32 to index
        %get3A_1143 = arith.constant 96 : index
        %get3A_1144 = tpu.vector_load %arg15[%get3A_1142, %get3A_1143] {strides = array<i32>} : memref<64x128xf32, #tpu.memory_space<vmem>>, vector<16xf32>,
        %mul3A_1145 = arith.mulf %get3A_1141, %get3A_1144 : vector<16xf32>
        %add3A_1146 = arith.addf %add3A_1138, %mul3A_1145 : vector<16xf32>
        %get3A_1147 = arith.index_cast %add3A_1091 : i32 to index
        %get3A_1148 = arith.constant 112 : index
        %get3A_1149 = tpu.vector_load %arg13[%get3A_1147, %get3A_1148] {strides = array<i32>} : memref<64x128xf32, #tpu.memory_space<vmem>>, vector<16xf32>,
        %get3A_1150 = arith.index_cast %add3A_1091 : i32 to index
        %get3A_1151 = arith.constant 112 : index
        %get3A_1152 = tpu.vector_load %arg15[%get3A_1150, %get3A_1151] {strides = array<i32>} : memref<64x128xf32, #tpu.memory_space<vmem>>, vector<16xf32>,
        %mul3A_1153 = arith.mulf %get3A_1149, %get3A_1152 : vector<16xf32>
        %add3A_1154 = arith.addf %add3A_1146, %mul3A_1153 : vector<16xf32>
        %swap3A_1155 = arith.constant 255 : index
        %swap3A_1156 = tpu.vector_load %arg11[%swap3A_1155] {strides = array<i32>} : memref<272xf32, #tpu.memory_space<vmem>>, vector<16xf32>,
        tpu.vector_store %arg11[%swap3A_1155], %add3A_1154 {strides = array<i32>} : memref<272xf32, #tpu.memory_space<vmem>>, vector<16xf32>,
        %gather3A_1157 = tpu.vector_load_idx %arg11[%mul3A_5] : memref<272xf32, #tpu.memory_space<vmem>>[vector<16xi32>], vector<16xf32>,
        %add3A_1158 = arith.constant 1 : i32
        %add3A_1159 = vector.broadcast %add3A_1158 : i32 to vector<16xi32>
        %add3A_1160 = arith.addi %mul3A_5, %add3A_1159 : vector<16xi32>
        %gather3A_1161 = tpu.vector_load_idx %arg11[%add3A_1160] : memref<272xf32, #tpu.memory_space<vmem>>[vector<16xi32>], vector<16xf32>,
        %add3A_1162 = arith.addf %gather3A_1157, %gather3A_1161 : vector<16xf32>
        %add3A_1163 = arith.constant 2 : i32
        %add3A_1164 = vector.broadcast %add3A_1163 : i32 to vector<16xi32>
        %add3A_1165 = arith.addi %mul3A_5, %add3A_1164 : vector<16xi32>
        %gather3A_1166 = tpu.vector_load_idx %arg11[%add3A_1165] : memref<272xf32, #tpu.memory_space<vmem>>[vector<16xi32>], vector<16xf32>,
        %add3A_1167 = arith.addf %add3A_1162, %gather3A_1166 : vector<16xf32>
        %add3A_1168 = arith.constant 3 : i32
        %add3A_1169 = vector.broadcast %add3A_1168 : i32 to vector<16xi32>
        %add3A_1170 = arith.addi %mul3A_5, %add3A_1169 : vector<16xi32>
        %gather3A_1171 = tpu.vector_load_idx %arg11[%add3A_1170] : memref<272xf32, #tpu.memory_space<vmem>>[vector<16xi32>], vector<16xf32>,
        %add3A_1172 = arith.addf %add3A_1167, %gather3A_1171 : vector<16xf32>
        %add3A_1173 = arith.constant 4 : i32
        %add3A_1174 = vector.broadcast %add3A_1173 : i32 to vector<16xi32>
        %add3A_1175 = arith.addi %mul3A_5, %add3A_1174 : vector<16xi32>
        %gather3A_1176 = tpu.vector_load_idx %arg11[%add3A_1175] : memref<272xf32, #tpu.memory_space<vmem>>[vector<16xi32>], vector<16xf32>,
        %add3A_1177 = arith.addf %add3A_1172, %gather3A_1176 : vector<16xf32>
        %add3A_1178 = arith.constant 5 : i32
        %add3A_1179 = vector.broadcast %add3A_1178 : i32 to vector<16xi32>
        %add3A_1180 = arith.addi %mul3A_5, %add3A_1179 : vector<16xi32>
        %gather3A_1181 = tpu.vector_load_idx %arg11[%add3A_1180] : memref<272xf32, #tpu.memory_space<vmem>>[vector<16xi32>], vector<16xf32>,
        %add3A_1182 = arith.addf %add3A_1177, %gather3A_1181 : vector<16xf32>
        %add3A_1183 = arith.constant 6 : i32
        %add3A_1184 = vector.broadcast %add3A_1183 : i32 to vector<16xi32>
        %add3A_1185 = arith.addi %mul3A_5, %add3A_1184 : vector<16xi32>
        %gather3A_1186 = tpu.vector_load_idx %arg11[%add3A_1185] : memref<272xf32, #tpu.memory_space<vmem>>[vector<16xi32>], vector<16xf32>,
        %add3A_1187 = arith.addf %add3A_1182, %gather3A_1186 : vector<16xf32>
        %add3A_1188 = arith.constant 7 : i32
        %add3A_1189 = vector.broadcast %add3A_1188 : i32 to vector<16xi32>
        %add3A_1190 = arith.addi %mul3A_5, %add3A_1189 : vector<16xi32>
        %gather3A_1191 = tpu.vector_load_idx %arg11[%add3A_1190] : memref<272xf32, #tpu.memory_space<vmem>>[vector<16xi32>], vector<16xf32>,
        %add3A_1192 = arith.addf %add3A_1187, %gather3A_1191 : vector<16xf32>
        %add3A_1193 = arith.constant 8 : i32
        %add3A_1194 = vector.broadcast %add3A_1193 : i32 to vector<16xi32>
        %add3A_1195 = arith.addi %mul3A_5, %add3A_1194 : vector<16xi32>
        %gather3A_1196 = tpu.vector_load_idx %arg11[%add3A_1195] : memref<272xf32, #tpu.memory_space<vmem>>[vector<16xi32>], vector<16xf32>,
        %add3A_1197 = arith.addf %add3A_1192, %gather3A_1196 : vector<16xf32>
        %add3A_1198 = arith.constant 9 : i32
        %add3A_1199 = vector.broadcast %add3A_1198 : i32 to vector<16xi32>
        %add3A_1200 = arith.addi %mul3A_5, %add3A_1199 : vector<16xi32>
        %gather3A_1201 = tpu.vector_load_idx %arg11[%add3A_1200] : memref<272xf32, #tpu.memory_space<vmem>>[vector<16xi32>], vector<16xf32>,
        %add3A_1202 = arith.addf %add3A_1197, %gather3A_1201 : vector<16xf32>
        %add3A_1203 = arith.constant 10 : i32
        %add3A_1204 = vector.broadcast %add3A_1203 : i32 to vector<16xi32>
        %add3A_1205 = arith.addi %mul3A_5, %add3A_1204 : vector<16xi32>
        %gather3A_1206 = tpu.vector_load_idx %arg11[%add3A_1205] : memref<272xf32, #tpu.memory_space<vmem>>[vector<16xi32>], vector<16xf32>,
        %add3A_1207 = arith.addf %add3A_1202, %gather3A_1206 : vector<16xf32>
        %add3A_1208 = arith.constant 11 : i32
        %add3A_1209 = vector.broadcast %add3A_1208 : i32 to vector<16xi32>
        %add3A_1210 = arith.addi %mul3A_5, %add3A_1209 : vector<16xi32>
        %gather3A_1211 = tpu.vector_load_idx %arg11[%add3A_1210] : memref<272xf32, #tpu.memory_space<vmem>>[vector<16xi32>], vector<16xf32>,
        %add3A_1212 = arith.addf %add3A_1207, %gather3A_1211 : vector<16xf32>
        %add3A_1213 = arith.constant 12 : i32
        %add3A_1214 = vector.broadcast %add3A_1213 : i32 to vector<16xi32>
        %add3A_1215 = arith.addi %mul3A_5, %add3A_1214 : vector<16xi32>
        %gather3A_1216 = tpu.vector_load_idx %arg11[%add3A_1215] : memref<272xf32, #tpu.memory_space<vmem>>[vector<16xi32>], vector<16xf32>,
        %add3A_1217 = arith.addf %add3A_1212, %gather3A_1216 : vector<16xf32>
        %add3A_1218 = arith.constant 13 : i32
        %add3A_1219 = vector.broadcast %add3A_1218 : i32 to vector<16xi32>
        %add3A_1220 = arith.addi %mul3A_5, %add3A_1219 : vector<16xi32>
        %gather3A_1221 = tpu.vector_load_idx %arg11[%add3A_1220] : memref<272xf32, #tpu.memory_space<vmem>>[vector<16xi32>], vector<16xf32>,
        %add3A_1222 = arith.addf %add3A_1217, %gather3A_1221 : vector<16xf32>
        %add3A_1223 = arith.constant 14 : i32
        %add3A_1224 = vector.broadcast %add3A_1223 : i32 to vector<16xi32>
        %add3A_1225 = arith.addi %mul3A_5, %add3A_1224 : vector<16xi32>
        %gather3A_1226 = tpu.vector_load_idx %arg11[%add3A_1225] : memref<272xf32, #tpu.memory_space<vmem>>[vector<16xi32>], vector<16xf32>,
        %add3A_1227 = arith.addf %add3A_1222, %gather3A_1226 : vector<16xf32>
        %add3A_1228 = arith.constant 15 : i32
        %add3A_1229 = vector.broadcast %add3A_1228 : i32 to vector<16xi32>
        %add3A_1230 = arith.addi %mul3A_5, %add3A_1229 : vector<16xi32>
        %gather3A_1231 = tpu.vector_load_idx %arg11[%add3A_1230] : memref<272xf32, #tpu.memory_space<vmem>>[vector<16xi32>], vector<16xf32>,
        %add3A_1232 = arith.addf %add3A_1227, %gather3A_1231 : vector<16xf32>
        %add3A_1233 = arith.addf %add3A_1232, %gather3A : vector<16xf32>
        %mul3A_1234 = arith.constant 64 : i32
        %mul3A_1235 = arith.muli %add3A_72, %mul3A_1234 : i32
        %add3A_1236 = arith.addi %mul3A_1235, %mul3A_86 : i32
        %swap3A_1237 = arith.index_cast %add3A_1236 : i32 to index
        %swap3A_1238 = tpu.vector_load %arg10[%swap3A_1237] {strides = array<i32>} : memref<512xf32, #tpu.memory_space<vmem>>, vector<16xf32>,
        tpu.vector_store %arg10[%swap3A_1237], %add3A_1233 {strides = array<i32>} : memref<512xf32, #tpu.memory_space<vmem>>, vector<16xf32>,
      }
      %scan3A_78 = arith.constant 4 : i32
      %lt3A_79 = arith.constant 3 : i32
      %lt3A_80 = arith.cmpi slt, %scan3A_38, %lt3A_79 : i32
      %convert_element_type3A_81 = arith.extui %lt3A_80 : i1 to i32
      %cond3A_82 = arith.constant 0 : i32
      %cond3A_83 = arith.cmpi ne, %convert_element_type3A_81, %cond3A_82 : i32
      scf.if %cond3A_83 {
        %mul3A_84 = arith.constant 2 : i32
        %mul3A_85 = arith.muli %mul3A_84, %scan3A_38 : i32
        %add3A_86 = arith.constant 3 : i32
        %add3A_87 = arith.addi %mul3A_85, %add3A_86 : i32
        %mul3A_88 = arith.constant 64 : i32
        %mul3A_89 = arith.muli %add3A_87, %mul3A_88 : i32
        %dma_start3A_90 = tpu.memref_slice %arg8[%mul3A_89] : memref<512xi32, #tpu.memory_space<vmem>> -> memref<64xi32, #tpu.memory_space<vmem>>
        %dma_start3A_91 = arith.constant 0 : i32
        %dma_start3A_92 = arith.constant 0 : i32
        %dma_start3A_93 = tpu.memref_slice %arg4[%dma_start3A_91, %dma_start3A_92] : memref<100000x128xf32, #tpu.memory_space<hbm>> -> memref<100000x128xf32, #tpu.memory_space<hbm>>
        tpu.enqueue_indirect_dma source(%dma_start3A_93 : memref<100000x128xf32, #tpu.memory_space<hbm>>) target(%arg13 : memref<64x128xf32, #tpu.memory_space<vmem>>) offsets(%dma_start3A_90 : memref<64xi32, #tpu.memory_space<vmem>>) semaphore(%arg18 : memref<!tpu.dma_semaphore, #tpu.memory_space<semaphore_mem>>)
        %mul3A_94 = arith.constant 64 : i32
        %mul3A_95 = arith.muli %add3A_87, %mul3A_94 : i32
        %dma_start3A_96 = tpu.memref_slice %arg9[%mul3A_95] : memref<512xi32, #tpu.memory_space<vmem>> -> memref<64xi32, #tpu.memory_space<vmem>>
        %dma_start3A_97 = arith.constant 0 : i32
        %dma_start3A_98 = arith.constant 0 : i32
        %dma_start3A_99 = tpu.memref_slice %arg5[%dma_start3A_97, %dma_start3A_98] : memref<100000x128xf32, #tpu.memory_space<hbm>> -> memref<100000x128xf32, #tpu.memory_space<hbm>>
        tpu.enqueue_indirect_dma source(%dma_start3A_99 : memref<100000x128xf32, #tpu.memory_space<hbm>>) target(%arg15 : memref<64x128xf32, #tpu.memory_space<vmem>>) offsets(%dma_start3A_96 : memref<64xi32, #tpu.memory_space<vmem>>) semaphore(%arg18 : memref<!tpu.dma_semaphore, #tpu.memory_space<semaphore_mem>>)
      } else {
      }
    }
    %scan3A_37 = arith.constant 4 : i32
    "tpu.region"() ({
      %run_scoped3A = tpu.sem_alloc : memref<!tpu.dma_semaphore, #tpu.memory_space<semaphore_mem>>
      %dma_start3A_38 = tpu.memref_slice %arg7[%mul3A_2] : memref<16384xf32, #tpu.memory_space<hbm>> -> memref<512xf32, #tpu.memory_space<hbm>>
      %dma_start3A_39 = tpu.memref_slice %arg7[%mul3A_2] : memref<16384xf32, #tpu.memory_space<hbm>> -> memref<512xf32, #tpu.memory_space<hbm>>
      tpu.enqueue_dma source(%arg10 : memref<512xf32, #tpu.memory_space<vmem>>) target(%dma_start3A_39 : memref<512xf32, #tpu.memory_space<hbm>>) target_semaphore(%run_scoped3A : memref<!tpu.dma_semaphore, #tpu.memory_space<semaphore_mem>>)
      %dma_wait3A_40 = tpu.memref_slice %arg7[%mul3A_2] : memref<16384xf32, #tpu.memory_space<hbm>> -> memref<512xf32, #tpu.memory_space<hbm>>
      %dma_wait3A_41 = tpu.memref_slice %arg7[%mul3A_2] : memref<16384xf32, #tpu.memory_space<hbm>> -> memref<512xf32, #tpu.memory_space<hbm>>
      tpu.wait_dma2 semaphore(%run_scoped3A : memref<!tpu.dma_semaphore, #tpu.memory_space<semaphore_mem>>) src(%arg10 : memref<512xf32, #tpu.memory_space<vmem>>) dst(%dma_wait3A_41 : memref<512xf32, #tpu.memory_space<hbm>>)
      tpu.yield
    }) : () -> ()
    return
  }
}

</mosaic_0001>

<sc_bundles>
// kernel: kernel.3.cloned.1.call-start
scs
__scs_entry_jumppad:
0x0: {  	(pc) =	sbr.rel $0x88, $3  }
0x1: {  	(tag) =	ssettag $0x0;
	lr =	simm.s32 $0x1  }
0x2: {  	[smem:$0x3F9C] =	sst lr;
	_ =	strace $0xD0000000  }
0x3: {  	_ = 	snop  }
0x4: {  	_ = 	snop  }
0x5: {  	_ = 	snop  }
0x6: {  	_ = 	snop  }
0x7: {  	_ = 	snop  }
__scs_overlays_trampoline_lowered:
0x8: {  	[smem:$0x3FAB] =	sst s0  }
0x9: {  	[smem:$0x3FAC] =	sst s1  }
0xa: {  	[smem:$0x3FAD] =	sst s2  }
0xb: {  	[smem:$0x3FAE] =	sst s3  }
0xc: {  	[smem:$0x3FAF] =	sst s4  }
0xd: {  	[smem:$0x3FB0] =	sst s5  }
0xe: {  	[smem:$0x3FB1] =	sst s6  }
0xf: {  	[smem:$0x3FB2] =	sst s7  }
0x10: {  	[smem:$0x3FB3] =	sst s8  }
0x11: {  	[smem:$0x3FB4] =	sst s9;
	s0 =	simm.s32 @!p0 $0x0  }
0x12: {  	s1 =	sld [smem:$0x3F9A];
	s0 =	simm.s32 @p0 $0x1  }
0x13: {  	[smem:$0x3FB5] =	sst s0;
	s0 =	simm.s32 @!p1 $0x0  }
0x14: {  	s2 =	sld [smem:$0x3F99];
	s0 =	simm.s32 @p1 $0x1  }
0x15: {  	[smem:$0x3FB6] =	sst s0;
	s0 =	simm.s32 @!p2 $0x0  }
0x16: {  	s3 =	sld [smem:$0x3FDB];
	s0 =	simm.s32 @p2 $0x1  }
0x17: {  	s4 =	simm.s32 $0x1BF5;
	[smem:$0x3FB8] =	sst s0  }
0x18: {  	s0 =	sld [smem:$0x3F9B];
	_ =	swait.ge [sflag:s4], $0x0  }
0x19: {  	s7 =	sld [smem:$0x3F9C]  }
0x1a: {  	s8 =	sadd.s32 $0xFFFFE003, lr  }
0x1b: {  	s9 =	sadd.s32 $0xFFFFFEF7, lr;
	s5 =	simm.s32 $0xFFFFFFFF;
	p2 =	slt.u32 s8, $0xFFFFF086  }
0x1c: {  	p1 =	slt.u32 s9, $0xF7A;
	s5 =	simm.s32 @!p2 $0x0  }
0x1d: {  	s5 =	simm.s32 @p1 $0x1;
	p0 =	seq.s32 s7, s2  }
0x1e: {  	s7 =	smul.u32 @!p0 $0xF7A, s2;
	p2 =	seq.s32 @!p0 s5, $0x0  }
0x1f: {  	s9 =	smul.u32 $0xF7A, s1;
	s8 =	simm.s32 @!p0 $0x1BF5;
	p2 =	por !p2, p0  }
0x20: {  	[sflag:s8] =	ssyncset.s32 @!p0 $0xFFFFF086;
	s6 =	sadd.s32 @!p0 s3, s7;
	s7 =	simm.s32 @!p0 $0x108  }
0x21: {  	s3 =	sadd.s32 s3, s9;
	s6 =	sadd.s32 @!p0 $0x88, s6;
	s7 =	simm.s32 @p2 $0x1082  }
0x22: {  	[simem:s7], [sflag:s8] =	dma.local @!p0 [hbm:s6], $0xF7A  }
0x23: {  	s9 =	sor.u32 $0xD0000000, s2;
	s6 =	simm.s32 $0x108;
	_ =	swait.ge @!p0 [sflag:s8], $0x0  }
0x24: {  	s3 =	sadd.s32 $0x88, s3;
	s6 =	simm.s32 @!p1 $0x1082;
	[sflag:s4] =	ssyncset.s32 $0xFFFFF086  }
0x25: {  	[simem:s6], [sflag:s4] =	dma.local [hbm:s3], $0xF7A  }
0x26: {  	[smem:$0x3F9C] =	sst s1;
	(tag) =	ssettag s2;
	_ =	strace s9  }
0x27: {  	s1 =	sld [smem:$0x3FAC]  }
0x28: {  	s2 =	sld [smem:$0x3FAD]  }
0x29: {  	s4 =	sld [smem:$0x3FAF]  }
0x2a: {  	p0 =	seq.s32 s5, $0x0;
	s5 =	sld [smem:$0x3FB0]  }
0x2b: {  	s6 =	sld [smem:$0x3FB1]  }
0x2c: {  	s7 =	sld [smem:$0x3FB2]  }
0x2d: {  	s3 =	simm.s32 $0x108;
	s8 =	sld [smem:$0x3FB3]  }
0x2e: {  	s3 =	simm.s32 @!p0 $0x1082;
	s9 =	sld [smem:$0x3FB4]  }
0x2f: {  	lr =	sadd.s32 s0, s3;
	s0 =	sld [smem:$0x3FAB]  }
0x30: {  	s3 =	sld [smem:$0x3FAE]  }
0x31: {  	[smem:$0x3FB7] =	sst s10  }
0x32: {  	s10 =	sld [smem:$0x3FB5];
	_ =	sdelay $0x3  }
0x33: {  	p0 =	seq.s32 s10, $0x1;
	s10 =	sld [smem:$0x3FB7];
	_ =	sdelay $0x3  }
0x34: {  	[smem:$0x3FB7] =	sst s10  }
0x35: {  	s10 =	sld [smem:$0x3FB6];
	_ =	sdelay $0x3  }
0x36: {  	p1 =	seq.s32 s10, $0x1;
	s10 =	sld [smem:$0x3FB7];
	_ =	sdelay $0x3  }
0x37: {  	[smem:$0x3FB7] =	sst s10  }
0x38: {  	s10 =	sld [smem:$0x3FB8]  }
0x39: {  	_ = 	snop;
	(pc) =	sbr.ind lr, $3  }
0x3a: {  	_ = 	snop  }
0x3b: {  	_ = 	snop  }
0x3c: {  	p2 =	seq.s32 s10, $0x1;
	s10 =	sld [smem:$0x3FB7]  }
0x3d: {  	_ =	shalt  }
0x3e: {  	_ =	shalt  }
0x3f: {  	_ =	shalt  }
0x40: {  	_ =	shalt  }
0x41: {  	_ =	shalt  }
0x42: {  	_ =	shalt  }
0x43: {  	_ =	shalt  }
0x44: {  	_ =	shalt  }
0x45: {  	_ =	shalt  }
0x46: {  	_ =	shalt  }
0x47: {  	_ =	shalt  }
0x48: {  	_ =	shalt  }
0x49: {  	_ =	shalt  }
0x4a: {  	_ =	shalt  }
0x4b: {  	_ =	shalt  }
0x4c: {  	_ =	shalt  }
0x4d: {  	_ =	shalt  }
0x4e: {  	_ =	shalt  }
0x4f: {  	_ =	shalt  }
0x50: {  	_ =	shalt  }
0x51: {  	_ =	shalt  }
0x52: {  	_ =	shalt  }
0x53: {  	_ =	shalt  }
0x54: {  	_ =	shalt  }
0x55: {  	_ =	shalt  }
0x56: {  	_ =	shalt  }
0x57: {  	_ =	shalt  }
0x58: {  	_ =	shalt  }
0x59: {  	_ =	shalt  }
0x5a: {  	_ =	shalt  }
0x5b: {  	_ =	shalt  }
0x5c: {  	_ =	shalt  }
0x5d: {  	_ =	shalt  }
0x5e: {  	_ =	shalt  }
0x5f: {  	_ =	shalt  }
0x60: {  	_ =	shalt  }
0x61: {  	_ =	shalt  }
0x62: {  	_ =	shalt  }
0x63: {  	_ =	shalt  }
0x64: {  	_ =	shalt  }
0x65: {  	_ =	shalt  }
0x66: {  	_ =	shalt  }
0x67: {  	_ =	shalt  }
0x68: {  	_ =	shalt  }
0x69: {  	_ =	shalt  }
0x6a: {  	_ =	shalt  }
0x6b: {  	_ =	shalt  }
0x6c: {  	_ =	shalt  }
0x6d: {  	_ =	shalt  }
0x6e: {  	_ =	shalt  }
0x6f: {  	_ =	shalt  }
0x70: {  	_ =	shalt  }
0x71: {  	_ =	shalt  }
0x72: {  	_ =	shalt  }
0x73: {  	_ =	shalt  }
0x74: {  	_ =	shalt  }
0x75: {  	_ =	shalt  }
0x76: {  	_ =	shalt  }
0x77: {  	_ =	shalt  }
0x78: {  	_ =	shalt  }
0x79: {  	_ =	shalt  }
0x7a: {  	_ =	shalt  }
0x7b: {  	_ =	shalt  }
0x7c: {  	_ =	shalt  }
0x7d: {  	_ =	shalt  }
0x7e: {  	_ =	shalt  }
0x7f: {  	_ =	shalt  }
0x80: {  	_ =	shalt  }
0x81: {  	_ =	shalt  }
0x82: {  	_ =	shalt  }
0x83: {  	_ =	shalt  }
0x84: {  	_ =	shalt  }
0x85: {  	_ =	shalt  }
0x86: {  	_ =	shalt  }
0x87: {  	_ =	shalt  }
.Lfunc_end0:
.L_simem_size_0:
called_computation_lowered:
.L_overlay_start_0:
0x88: {  	s2 =	sld [smem:$0x3FD9]  }
0x89: {  	s3 =	sld [smem:$0x3FFE];
	_ =	sdelay $0x1  }
0x8a: {  	s1 =	srdreg.scid  }
0x8b: {  	s0 =	sand.u32 $0x1, s1  }
0x8c: {  	s18 =	sshll.u32 s0, $0xA;
	s2 =	sadd.s32 s3, s2  }
0x8d: {  	s2 =	sadd.s32 s2, s18  }
0x8e: {  	[smem:$0x3FC3] =	sst s2  }
0x8f: {  	_ = 	snop  }
0x90: {  	s2 =	sld [smem:$0x3FC9]  }
0x91: {  	s19 =	sld [smem:$0x3FC8]  }
0x92: {  	s4 =	sld [smem:$0x3FC7]  }
0x93: {  	s5 =	sld [smem:$0x3FC6]  }
0x94: {  	s6 =	sld [smem:$0x3FC5]  }
0x95: {  	s7 =	sld [smem:$0x3FD0];
	(tm) =	ssettm $0x1  }
0x96: {  	s8 =	sld [smem:$0x3FFB];
	_ =	sdelay $0x3  }
0x97: {  	_ =	strace s8  }
0x98: {  	s8 =	sld [smem:$0x3FFC];
	_ =	sdelay $0x3  }
0x99: {  	_ =	strace s8  }
0x9a: {  	s8 =	sld [smem:$0x3FFD];
	_ =	sdelay $0x3  }
0x9b: {  	_ =	strace s8  }
0x9c: {  	_ =	strace $0x8FFFFFFF  }
0x9d: {  	s20 =	sld [smem:$0x3FDB];
	_ =	sdelay $0x1  }
0x9e: {  	s9 =	simm.s32 $_scs_section_size  }
0x9f: {  	s10 =	simm.s32 $_size__tile_overlayer_lowered;
	s11 =	simm.s32 $_tile_overlayer_lowered  }
0xa0: {  	s23 =	simm.s32 $0x1BFF;
	s22 =	sshll.u32 s11, $0x1;
	s8 =	sadd.s32 s9, s20  }
0xa1: {  	s12 =	simm.s32 $0x0;
	s21 =	sshll.u32 s10, $0x1;
	s10 =	sadd.s32 s22, s8  }
0xa2: {  	[timem:s12], [sflag:s23] =	dma.local [hbm:s10], s21  }
0xa3: {  	_ =	swait.ge [sflag:s23], s21  }
0xa4: {  	s9 =	ssub.s32 $0x0, s21;
	[sflag:s23] =	ssyncset.done $0x0  }
0xa5: {  	[sflag:s23] =	ssyncadd.s32 s9;
	_ =	sdelay $0x1  }
0xa6: {  	s24 =	simm.s32 $0x1B8B  }
0xa7: {  	_ =	swait.ge [sflag:s24], $0x1  }
0xa8: {  	[sflag:s24] =	ssyncset.done $0x0  }
0xa9: {  	s25 =	simm.s32 $0x1B8E;
	[sflag:s24] =	ssyncadd.s32 $0xFFFFFFFF  }
0xaa: {  	s26 =	simm.s32 $execute0_lowered;
	[smem:$0x3FD2] =	sst s25  }
0xab: {  	s9 =	sshll.u32 s26, $0x1;
	_ =	strace $0x80000046;
	[dreg:$0x1] =	wrdreg $0xFFFFFFFF  }
0xac: {  	s28 =	simm.s32 $_size_execute0_lowered;
	s8 =	sadd.s32 s8, s9;
	[dreg:$0x0] =	wrdreg $0x0  }
0xad: {  	s9 =	sshll.u32 s28, $0x1;
	[dreg:$0x2] =	wrdreg s8  }
0xae: {  	[dreg:$0x3] =	wrdreg s9  }
0xaf: {  	[dreg:$0x4] =	wrdreg $0xC0  }
0xb0: {  	_ =	task [dreg:s12], $0x5FFFF  }
0xb1: {  	[dreg:$0x1] =	wrdreg $0xFFFFFFFF  }
0xb2: {  	[dreg:$0x0] =	wrdreg $0x60  }
0xb3: {  	[dreg:$0x2] =	wrdreg s2  }
0xb4: {  	[dreg:$0x3] =	wrdreg s19  }
0xb5: {  	[dreg:$0x4] =	wrdreg s4  }
0xb6: {  	[dreg:$0x5] =	wrdreg s5  }
0xb7: {  	[dreg:$0x6] =	wrdreg s6  }
0xb8: {  	[dreg:$0x7] =	wrdreg s7  }
0xb9: {  	[dreg:$0x8] =	wrdreg $0x9  }
0xba: {  	_ =	task.clear_ibuf [dreg:s12], $0x9FFFF;
	_ =	strace $0x90000046  }
0xbb: {  	s29 =	simm.s32 $0x9;
	_ =	strace $0x80000048  }
0xbc: {  	_ =	swait.ge [sflag:s29], $0x1  }
0xbd: {  	[sflag:s29] =	ssyncadd.s32 $0xFFFFFFFF  }
0xbe: {  	_ =	strace $0x90000048  }
0xbf: {  	_ =	sfence  }
0xc0: {  	s30 =	sld [smem:$0x0];
	_ =	sdelay $0x2  }
0xc1: {  	s31 =	sshll.u32 s1, $0xD;
	s1 =	sshrl.u32 s1, $0x2  }
0xc2: {  	s3 =	sand.u32 $0x4000, s31;
	s1 =	sadd.s32 s1, s30  }
0xc3: {  	s0 =	sor.u32 s3, s0;
	s1 =	sshll.u32 s1, $0x11  }
0xc4: {  	s0 =	sor.u32 s1, s0  }
0xc5: {  	s0 =	sadd.s32 $0x8F2B, s0  }
0xc6: {  	[sflag:s0] =	ssyncadd.remote.s32 $0x1  }
0xc7: {  	_ =	sfence.sel $0xFFFF  }
0xc8: {  	[dreg:$0x0] =	wrdreg $0xFFFFFFFF;
	(pc) =	sbr.abs _section_cstart, $3  }
0xc9: {  	[dreg:$0x1] =	wrdreg $0xFFFFFFFF  }
0xca: {  	_ =	task.clear_ibuf [dreg:s12], $0x2FFFF;
	_ =	strace $0x9FFFFFFF  }
0xcb: {  	(tm) =	ssettm $0x7FFFFFFF  }
tec
execute0_lowered:
.L_overlay_start_1:
0x0: {  	(tag) =	ssettag $0x1  }
0x1: {  	s6 =	rddreg [dreg:$0x0]  }
0x2: {  	s7 =	rddreg [dreg:$0x1]  }
0x3: {  	s1 =	rddreg [dreg:$0x2]  }
0x4: {  	s2 =	rddreg [dreg:$0x3]  }
0x5: {  	s3 =	rddreg [dreg:$0x4]  }
0x6: {  	s8 =	rddreg [dreg:$0x5];
	s9 =	srdreg.scid;
	s5 =	simm.s32 $0x0  }
0x7: {  	s4 =	stileid.u32;
	s13 =	simm.s32 $0x40;
	s14 =	simm.s32 $0x780  }
0x8: {  	s15 =	simm.s32 $0x4780;
	s16 =	simm.s32 $0x2780;
	s17 =	simm.s32 $0x240  }
0x9: {  	v0 =	vlaneseq.u32;
	s18 =	simm.s32 $0x6780;
	s19 =	simm.s32 $0x1;
	s20 =	simm.s32 $0x600  }
0xa: {  	s21 =	simm.s32 $0x2;
	s22 =	simm.s32 $0x400;
	s23 =	simm.s32 $0x4;
	v0 =	vmul.u32 $0x11, v0  }
0xb: {  	s24 =	simm.s32 $0x0;
	s9 =	sand.u32 $0x1, s9;
	s11 =	sshll.u32 s4, $0x7  }
.Ltmp0:
0xc: {  	[smem:$0x7FF] =	sst s5;
	s10 =	ssub.s32 $0x2, s9;
	v1 =	vadd.s32 $0x1, v0;
	v2 =	vadd.s32 $0x2, v0;
	v3 =	vadd.s32 $0x3, v0;
	(pc) =	sbr.rel .LBB2_1-.Ltmp0, $4  }
0xd: {  	s9 =	sshll.u32 s9, $0x6;
	_ =	strace $0x80000047;
	s12 =	sshrl.u32 s10, $0x1;
	v4 =	vadd.s32 $0x4, v0;
	v5 =	vadd.s32 $0x5, v0;
	v6 =	vadd.s32 $0x6, v0  }
0xe: {  	s9 =	sor.u32 s9, s11;
	s11 =	simm.s32 $0x8780;
	v7 =	vadd.s32 $0x7, v0;
	v8 =	vadd.s32 $0x8, v0;
	v9 =	vadd.s32 $0x9, v0;
	s10 =	ssub.s32 s10, s12  }
0xf: {  	v10 =	vadd.s32 $0xA, v0;
	v11 =	vadd.s32 $0xB, v0;
	v12 =	vadd.s32 $0xC, v0;
	s6 =	sadd.s32 s6, s9;
	s7 =	sadd.s32 s7, s9;
	s8 =	sadd.s32 s8, s9  }
0x10: {  	v13 =	vadd.s32 $0xD, v0;
	v14 =	vadd.s32 $0xE, v0;
	v15 =	vadd.s32 $0xF, v0;
	s12 =	simm.s32 $0x3;
	s9 =	smax.u32 s10, $0x1;
	s10 =	simm.s32 $0x200  }
.LBB2_8:
0x11: {  	s24 =	sadd.s32 $0x1, s24  }
0x12: {  	p0 =	sne.s32 s24, s9  }
.Ltmp1:
0x13: {  	_ = 	snop;
	(pc) =	sbr.rel @!p0 .LBB2_9-.Ltmp1, $4  }
0x14: {  	[hbm4b:s8+s5] =	stream.linear.scatter [tilespmem:s22], [sflag:$0x4], $0x200, $0x38;
	[tilespmem:$0x8800] =	vst v63  }
0x15: {  	_ =	swait.ge [sflag:s23], $0x200  }
0x16: {  	[sflag:s23] =	ssyncset.done $0x0  }
0x17: {  	[sflag:s23] =	ssyncadd.s32 $0xFFFFFE00  }
.LBB2_1:
0x18: {  	[tilespmem:s5], [sflag:$0x3] =	stream.linear.gather [hbm4b:s6+s5], $0x200, $0x38;
	[tilespmem:$0x8800] =	vst v63  }
0x19: {  	_ = 	snop  }
0x1a: {  	[tilespmem:s10], [sflag:$0x3] =	stream.linear.gather [hbm4b:s7+s5], $0x200, $0x38;
	[tilespmem:$0x8800] =	vst v63  }
0x1b: {  	_ = 	snop  }
0x1c: {  	[tilespmem:s11], [sflag:$0x3] =	stream.linear.gather [hbm4b:s3+s5], $0x80, $0x38;
	[tilespmem:$0x8800] =	vst v63  }
0x1d: {  	_ =	swait.ge [sflag:s12], $0x200  }
0x1e: {  	[sflag:s12] =	ssyncset.done $0x0  }
0x1f: {  	[sflag:s12] =	ssyncadd.s32 $0xFFFFFE00  }
0x20: {  	_ =	swait.ge [sflag:s12], $0x200  }
0x21: {  	[sflag:s12] =	ssyncset.done $0x0  }
0x22: {  	[sflag:s12] =	ssyncadd.s32 $0xFFFFFE00  }
0x23: {  	[tilespmem:s14], [sflag:$0x1] =	stream.indirect.gather [hbm4b:s1+s13], $0x80, s5, s13, $0xb8;
	[tilespmem:$0x8800] =	vst v63  }
0x24: {  	_ = 	snop  }
0x25: {  	[tilespmem:s15], [sflag:$0x1] =	stream.indirect.gather [hbm4b:s2+s13], $0x80, s10, s13, $0xb8;
	[tilespmem:$0x8800] =	vst v63  }
0x26: {  	_ = 	snop  }
0x27: {  	[tilespmem:s16], [sflag:$0x2] =	stream.indirect.gather [hbm4b:s1+s13], $0x80, s13, s13, $0xb8;
	[tilespmem:$0x8800] =	vst v63  }
0x28: {  	_ = 	snop  }
0x29: {  	[tilespmem:s18], [sflag:$0x2] =	stream.indirect.gather [hbm4b:s2+s13], $0x80, s17, s13, $0xb8;
	[tilespmem:$0x8800] =	vst v63  }
0x2a: {  	_ =	swait.ge [sflag:s12], $0x80  }
0x2b: {  	[sflag:s12] =	ssyncset.done $0x0  }
0x2c: {  	[sflag:s12] =	ssyncadd.s32 $0xFFFFFF80  }
0x2d: {  	s25 =	simm.s32 $0x0;
	v16 =	vld.msk [tilespmem:s11+$0x0], $0xffff  }
.LBB2_2:
0x2e: {  	_ =	swait.ge [sflag:s19], $0x2000  }
0x2f: {  	[sflag:s19] =	ssyncset.done $0x0  }
0x30: {  	s26 =	sshll.u32 s25, $0x7;
	[sflag:s19] =	ssyncadd.s32 $0xFFFFE000  }
0x31: {  	s28 =	sand.u32 $0x3FFFFF80, s26;
	_ =	swait.ge [sflag:s19], $0x2000  }
0x32: {  	s30 =	sadd.s32 $0x400, s28;
	[sflag:s19] =	ssyncset.done $0x0  }
0x33: {  	s29 =	simm.s32 $0x0;
	v17 =	vmov s30;
	[sflag:s19] =	ssyncadd.s32 $0xFFFFE000  }
.LBB2_3:
0x34: {  	s30 =	sshll.u32 s29, $0xB  }
0x35: {  	v18 =	vld [tilespmem:s30+$0x780]  }
0x36: {  	v19 =	vld [tilespmem:s30+$0x4780]  }
0x37: {  	v20 =	vld [tilespmem:s30+$0x790]  }
0x38: {  	v21 =	vld [tilespmem:s30+$0x4790]  }
0x39: {  	v22 =	vld [tilespmem:s30+$0x7A0]  }
0x3a: {  	v23 =	vld [tilespmem:s30+$0x47A0]  }
0x3b: {  	v24 =	vld [tilespmem:s30+$0x7B0]  }
0x3c: {  	v25 =	vld [tilespmem:s30+$0x47B0]  }
0x3d: {  	v54 =	vld [tilespmem:s30+$0x7C0];
	v18 =	vmul.f32 v19, v18;
	v19 =	vmul.f32 v21, v20  }
0x3e: {  	v55 =	vld [tilespmem:s30+$0x47C0]  }
0x3f: {  	v56 =	vld [tilespmem:s30+$0x7D0];
	v18 =	vadd.f32 v19, v18;
	v19 =	vmul.f32 v23, v22  }
0x40: {  	v57 =	vld [tilespmem:s30+$0x47D0]  }
0x41: {  	v58 =	vld [tilespmem:s30+$0x7E0];
	v18 =	vadd.f32 v19, v18;
	v19 =	vmul.f32 v25, v24  }
0x42: {  	v59 =	vld [tilespmem:s30+$0x47E0]  }
0x43: {  	v60 =	vld [tilespmem:s30+$0x7F0];
	v18 =	vadd.f32 v19, v18;
	v19 =	vmul.f32 v55, v54  }
0x44: {  	v61 =	vld [tilespmem:s30+$0x47F0]  }
0x45: {  	v18 =	vadd.f32 v19, v18;
	v19 =	vmul.f32 v57, v56;
	_ =	sdelay $0x1  }
0x46: {  	v18 =	vadd.f32 v19, v18;
	v19 =	vmul.f32 v59, v58;
	_ =	sdelay $0x1  }
0x47: {  	v18 =	vadd.f32 v19, v18;
	v19 =	vmul.f32 v61, v60;
	_ =	sdelay $0x1  }
0x48: {  	v18 =	vadd.f32 v19, v18;
	_ =	sdelay $0x1  }
0x49: {  	[tilespmem:$0x600] =	vst v18  }
0x4a: {  	v18 =	vld [tilespmem:s30+$0x800]  }
0x4b: {  	v19 =	vld [tilespmem:s30+$0x4800]  }
0x4c: {  	v62 =	vld [tilespmem:s30+$0x810]  }
0x4d: {  	v63 =	vld [tilespmem:s30+$0x4810]  }
0x4e: {  	v28 =	vld [tilespmem:s30+$0x820]  }
0x4f: {  	v29 =	vld [tilespmem:s30+$0x4820]  }
0x50: {  	v30 =	vld [tilespmem:s30+$0x830]  }
0x51: {  	v31 =	vld [tilespmem:s30+$0x4830]  }
0x52: {  	v32 =	vld [tilespmem:s30+$0x840];
	v18 =	vmul.f32 v19, v18;
	v19 =	vmul.f32 v63, v62  }
0x53: {  	v33 =	vld [tilespmem:s30+$0x4840]  }
0x54: {  	v34 =	vld [tilespmem:s30+$0x850];
	v18 =	vadd.f32 v19, v18;
	v19 =	vmul.f32 v29, v28  }
0x55: {  	v35 =	vld [tilespmem:s30+$0x4850]  }
0x56: {  	v36 =	vld [tilespmem:s30+$0x860];
	v18 =	vadd.f32 v19, v18;
	v19 =	vmul.f32 v31, v30  }
0x57: {  	v37 =	vld [tilespmem:s30+$0x4860]  }
0x58: {  	v38 =	vld [tilespmem:s30+$0x870];
	v18 =	vadd.f32 v19, v18;
	v19 =	vmul.f32 v33, v32  }
0x59: {  	v39 =	vld [tilespmem:s30+$0x4870]  }
0x5a: {  	v18 =	vadd.f32 v19, v18;
	v19 =	vmul.f32 v35, v34;
	_ =	sdelay $0x1  }
0x5b: {  	v18 =	vadd.f32 v19, v18;
	v19 =	vmul.f32 v37, v36;
	_ =	sdelay $0x1  }
0x5c: {  	v18 =	vadd.f32 v19, v18;
	v19 =	vmul.f32 v39, v38;
	_ =	sdelay $0x1  }
0x5d: {  	v18 =	vadd.f32 v19, v18;
	_ =	sdelay $0x1  }
0x5e: {  	[tilespmem:$0x611] =	vst v18  }
0x5f: {  	v18 =	vld [tilespmem:s30+$0x880]  }
0x60: {  	v19 =	vld [tilespmem:s30+$0x4880]  }
0x61: {  	v40 =	vld [tilespmem:s30+$0x890]  }
0x62: {  	v41 =	vld [tilespmem:s30+$0x4890]  }
0x63: {  	v42 =	vld [tilespmem:s30+$0x8A0]  }
0x64: {  	v43 =	vld [tilespmem:s30+$0x48A0]  }
0x65: {  	v44 =	vld [tilespmem:s30+$0x8B0]  }
0x66: {  	v45 =	vld [tilespmem:s30+$0x48B0]  }
0x67: {  	v46 =	vld [tilespmem:s30+$0x8C0];
	v18 =	vmul.f32 v19, v18;
	v19 =	vmul.f32 v41, v40  }
0x68: {  	v47 =	vld [tilespmem:s30+$0x48C0]  }
0x69: {  	v48 =	vld [tilespmem:s30+$0x8D0];
	v18 =	vadd.f32 v19, v18;
	v19 =	vmul.f32 v43, v42  }
0x6a: {  	v49 =	vld [tilespmem:s30+$0x48D0]  }
0x6b: {  	v50 =	vld [tilespmem:s30+$0x8E0];
	v18 =	vadd.f32 v19, v18;
	v19 =	vmul.f32 v45, v44  }
0x6c: {  	v51 =	vld [tilespmem:s30+$0x48E0]  }
0x6d: {  	v52 =	vld [tilespmem:s30+$0x8F0];
	v18 =	vadd.f32 v19, v18;
	v19 =	vmul.f32 v47, v46  }
0x6e: {  	v53 =	vld [tilespmem:s30+$0x48F0]  }
0x6f: {  	v18 =	vadd.f32 v19, v18;
	v19 =	vmul.f32 v49, v48;
	_ =	sdelay $0x1  }
0x70: {  	v18 =	vadd.f32 v19, v18;
	v19 =	vmul.f32 v51, v50;
	_ =	sdelay $0x1  }
0x71: {  	v18 =	vadd.f32 v19, v18;
	v19 =	vmul.f32 v53, v52;
	_ =	sdelay $0x1  }
0x72: {  	v18 =	vadd.f32 v19, v18;
	_ =	sdelay $0x1  }
0x73: {  	[tilespmem:$0x622] =	vst v18  }
0x74: {  	v18 =	vld [tilespmem:s30+$0x900]  }
0x75: {  	v19 =	vld [tilespmem:s30+$0x4900]  }
0x76: {  	v54 =	vld [tilespmem:s30+$0x910]  }
0x77: {  	v55 =	vld [tilespmem:s30+$0x4910]  }
0x78: {  	v56 =	vld [tilespmem:s30+$0x920]  }
0x79: {  	v57 =	vld [tilespmem:s30+$0x4920]  }
0x7a: {  	v58 =	vld [tilespmem:s30+$0x930]  }
0x7b: {  	v59 =	vld [tilespmem:s30+$0x4930]  }
0x7c: {  	v60 =	vld [tilespmem:s30+$0x940];
	v18 =	vmul.f32 v19, v18;
	v19 =	vmul.f32 v55, v54  }
0x7d: {  	v61 =	vld [tilespmem:s30+$0x4940]  }
0x7e: {  	v62 =	vld [tilespmem:s30+$0x950];
	v18 =	vadd.f32 v19, v18;
	v19 =	vmul.f32 v57, v56  }
0x7f: {  	v63 =	vld [tilespmem:s30+$0x4950]  }
0x80: {  	v28 =	vld [tilespmem:s30+$0x960];
	v18 =	vadd.f32 v19, v18;
	v19 =	vmul.f32 v59, v58  }
0x81: {  	v29 =	vld [tilespmem:s30+$0x4960]  }
0x82: {  	v30 =	vld [tilespmem:s30+$0x970];
	v18 =	vadd.f32 v19, v18;
	v19 =	vmul.f32 v61, v60  }
0x83: {  	v31 =	vld [tilespmem:s30+$0x4970]  }
0x84: {  	v18 =	vadd.f32 v19, v18;
	v19 =	vmul.f32 v63, v62;
	_ =	sdelay $0x1  }
0x85: {  	v18 =	vadd.f32 v19, v18;
	v19 =	vmul.f32 v29, v28;
	_ =	sdelay $0x1  }
0x86: {  	v18 =	vadd.f32 v19, v18;
	v19 =	vmul.f32 v31, v30;
	_ =	sdelay $0x1  }
0x87: {  	v18 =	vadd.f32 v19, v18;
	_ =	sdelay $0x1  }
0x88: {  	[tilespmem:$0x633] =	vst v18  }
0x89: {  	v18 =	vld [tilespmem:s30+$0x980]  }
0x8a: {  	v19 =	vld [tilespmem:s30+$0x4980]  }
0x8b: {  	v32 =	vld [tilespmem:s30+$0x990]  }
0x8c: {  	v33 =	vld [tilespmem:s30+$0x4990]  }
0x8d: {  	v34 =	vld [tilespmem:s30+$0x9A0]  }
0x8e: {  	v35 =	vld [tilespmem:s30+$0x49A0]  }
0x8f: {  	v36 =	vld [tilespmem:s30+$0x9B0]  }
0x90: {  	v37 =	vld [tilespmem:s30+$0x49B0]  }
0x91: {  	v38 =	vld [tilespmem:s30+$0x9C0];
	v18 =	vmul.f32 v19, v18;
	v19 =	vmul.f32 v33, v32  }
0x92: {  	v39 =	vld [tilespmem:s30+$0x49C0]  }
0x93: {  	v40 =	vld [tilespmem:s30+$0x9D0];
	v18 =	vadd.f32 v19, v18;
	v19 =	vmul.f32 v35, v34  }
0x94: {  	v41 =	vld [tilespmem:s30+$0x49D0]  }
0x95: {  	v42 =	vld [tilespmem:s30+$0x9E0];
	v18 =	vadd.f32 v19, v18;
	v19 =	vmul.f32 v37, v36  }
0x96: {  	v43 =	vld [tilespmem:s30+$0x49E0]  }
0x97: {  	v44 =	vld [tilespmem:s30+$0x9F0];
	v18 =	vadd.f32 v19, v18;
	v19 =	vmul.f32 v39, v38  }
0x98: {  	v45 =	vld [tilespmem:s30+$0x49F0]  }
0x99: {  	v18 =	vadd.f32 v19, v18;
	v19 =	vmul.f32 v41, v40;
	_ =	sdelay $0x1  }
0x9a: {  	v18 =	vadd.f32 v19, v18;
	v19 =	vmul.f32 v43, v42;
	_ =	sdelay $0x1  }
0x9b: {  	v18 =	vadd.f32 v19, v18;
	v19 =	vmul.f32 v45, v44;
	_ =	sdelay $0x1  }
0x9c: {  	v18 =	vadd.f32 v19, v18;
	_ =	sdelay $0x1  }
0x9d: {  	[tilespmem:$0x644] =	vst v18  }
0x9e: {  	v18 =	vld [tilespmem:s30+$0xA00]  }
0x9f: {  	v19 =	vld [tilespmem:s30+$0x4A00]  }
0xa0: {  	v46 =	vld [tilespmem:s30+$0xA10]  }
0xa1: {  	v47 =	vld [tilespmem:s30+$0x4A10]  }
0xa2: {  	v48 =	vld [tilespmem:s30+$0xA20]  }
0xa3: {  	v49 =	vld [tilespmem:s30+$0x4A20]  }
0xa4: {  	v50 =	vld [tilespmem:s30+$0xA30]  }
0xa5: {  	v51 =	vld [tilespmem:s30+$0x4A30]  }
0xa6: {  	v52 =	vld [tilespmem:s30+$0xA40];
	v18 =	vmul.f32 v19, v18;
	v19 =	vmul.f32 v47, v46  }
0xa7: {  	v53 =	vld [tilespmem:s30+$0x4A40]  }
0xa8: {  	v54 =	vld [tilespmem:s30+$0xA50];
	v18 =	vadd.f32 v19, v18;
	v19 =	vmul.f32 v49, v48  }
0xa9: {  	v55 =	vld [tilespmem:s30+$0x4A50]  }
0xaa: {  	v56 =	vld [tilespmem:s30+$0xA60];
	v18 =	vadd.f32 v19, v18;
	v19 =	vmul.f32 v51, v50  }
0xab: {  	v57 =	vld [tilespmem:s30+$0x4A60]  }
0xac: {  	v58 =	vld [tilespmem:s30+$0xA70];
	v18 =	vadd.f32 v19, v18;
	v19 =	vmul.f32 v53, v52  }
0xad: {  	v59 =	vld [tilespmem:s30+$0x4A70]  }
0xae: {  	v18 =	vadd.f32 v19, v18;
	v19 =	vmul.f32 v55, v54;
	_ =	sdelay $0x1  }
0xaf: {  	v18 =	vadd.f32 v19, v18;
	v19 =	vmul.f32 v57, v56;
	_ =	sdelay $0x1  }
0xb0: {  	v18 =	vadd.f32 v19, v18;
	v19 =	vmul.f32 v59, v58;
	_ =	sdelay $0x1  }
0xb1: {  	v18 =	vadd.f32 v19, v18;
	_ =	sdelay $0x1  }
0xb2: {  	[tilespmem:$0x655] =	vst v18  }
0xb3: {  	v18 =	vld [tilespmem:s30+$0xA80]  }
0xb4: {  	v19 =	vld [tilespmem:s30+$0x4A80]  }
0xb5: {  	v60 =	vld [tilespmem:s30+$0xA90]  }
0xb6: {  	v61 =	vld [tilespmem:s30+$0x4A90]  }
0xb7: {  	v62 =	vld [tilespmem:s30+$0xAA0]  }
0xb8: {  	v63 =	vld [tilespmem:s30+$0x4AA0]  }
0xb9: {  	v28 =	vld [tilespmem:s30+$0xAB0]  }
0xba: {  	v29 =	vld [tilespmem:s30+$0x4AB0]  }
0xbb: {  	v30 =	vld [tilespmem:s30+$0xAC0];
	v18 =	vmul.f32 v19, v18;
	v19 =	vmul.f32 v61, v60  }
0xbc: {  	v31 =	vld [tilespmem:s30+$0x4AC0]  }
0xbd: {  	v32 =	vld [tilespmem:s30+$0xAD0];
	v18 =	vadd.f32 v19, v18;
	v19 =	vmul.f32 v63, v62  }
0xbe: {  	v33 =	vld [tilespmem:s30+$0x4AD0]  }
0xbf: {  	v34 =	vld [tilespmem:s30+$0xAE0];
	v18 =	vadd.f32 v19, v18;
	v19 =	vmul.f32 v29, v28  }
0xc0: {  	v35 =	vld [tilespmem:s30+$0x4AE0]  }
0xc1: {  	v36 =	vld [tilespmem:s30+$0xAF0];
	v18 =	vadd.f32 v19, v18;
	v19 =	vmul.f32 v31, v30  }
0xc2: {  	v37 =	vld [tilespmem:s30+$0x4AF0]  }
0xc3: {  	v18 =	vadd.f32 v19, v18;
	v19 =	vmul.f32 v33, v32;
	_ =	sdelay $0x1  }
0xc4: {  	v18 =	vadd.f32 v19, v18;
	v19 =	vmul.f32 v35, v34;
	_ =	sdelay $0x1  }
0xc5: {  	v18 =	vadd.f32 v19, v18;
	v19 =	vmul.f32 v37, v36;
	_ =	sdelay $0x1  }
0xc6: {  	v18 =	vadd.f32 v19, v18;
	_ =	sdelay $0x1  }
0xc7: {  	[tilespmem:$0x666] =	vst v18  }
0xc8: {  	v18 =	vld [tilespmem:s30+$0xB00]  }
0xc9: {  	v19 =	vld [tilespmem:s30+$0x4B00]  }
0xca: {  	v38 =	vld [tilespmem:s30+$0xB10]  }
0xcb: {  	v39 =	vld [tilespmem:s30+$0x4B10]  }
0xcc: {  	v40 =	vld [tilespmem:s30+$0xB20]  }
0xcd: {  	v41 =	vld [tilespmem:s30+$0x4B20]  }
0xce: {  	v42 =	vld [tilespmem:s30+$0xB30]  }
0xcf: {  	v43 =	vld [tilespmem:s30+$0x4B30]  }
0xd0: {  	v44 =	vld [tilespmem:s30+$0xB40];
	v18 =	vmul.f32 v19, v18;
	v19 =	vmul.f32 v39, v38  }
0xd1: {  	v45 =	vld [tilespmem:s30+$0x4B40]  }
0xd2: {  	v46 =	vld [tilespmem:s30+$0xB50];
	v18 =	vadd.f32 v19, v18;
	v19 =	vmul.f32 v41, v40  }
0xd3: {  	v47 =	vld [tilespmem:s30+$0x4B50]  }
0xd4: {  	v48 =	vld [tilespmem:s30+$0xB60];
	v18 =	vadd.f32 v19, v18;
	v19 =	vmul.f32 v43, v42  }
0xd5: {  	v49 =	vld [tilespmem:s30+$0x4B60]  }
0xd6: {  	v50 =	vld [tilespmem:s30+$0xB70];
	v18 =	vadd.f32 v19, v18;
	v19 =	vmul.f32 v45, v44  }
0xd7: {  	v51 =	vld [tilespmem:s30+$0x4B70]  }
0xd8: {  	v18 =	vadd.f32 v19, v18;
	v19 =	vmul.f32 v47, v46;
	_ =	sdelay $0x1  }
0xd9: {  	v18 =	vadd.f32 v19, v18;
	v19 =	vmul.f32 v49, v48;
	_ =	sdelay $0x1  }
0xda: {  	v18 =	vadd.f32 v19, v18;
	v19 =	vmul.f32 v51, v50;
	_ =	sdelay $0x1  }
0xdb: {  	v18 =	vadd.f32 v19, v18;
	_ =	sdelay $0x1  }
0xdc: {  	[tilespmem:$0x677] =	vst v18  }
0xdd: {  	v18 =	vld [tilespmem:s30+$0xB80]  }
0xde: {  	v19 =	vld [tilespmem:s30+$0x4B80]  }
0xdf: {  	v52 =	vld [tilespmem:s30+$0xB90]  }
0xe0: {  	v53 =	vld [tilespmem:s30+$0x4B90]  }
0xe1: {  	v54 =	vld [tilespmem:s30+$0xBA0]  }
0xe2: {  	v55 =	vld [tilespmem:s30+$0x4BA0]  }
0xe3: {  	v56 =	vld [tilespmem:s30+$0xBB0]  }
0xe4: {  	v57 =	vld [tilespmem:s30+$0x4BB0]  }
0xe5: {  	v58 =	vld [tilespmem:s30+$0xBC0];
	v18 =	vmul.f32 v19, v18;
	v19 =	vmul.f32 v53, v52  }
0xe6: {  	v59 =	vld [tilespmem:s30+$0x4BC0]  }
0xe7: {  	v60 =	vld [tilespmem:s30+$0xBD0];
	v18 =	vadd.f32 v19, v18;
	v19 =	vmul.f32 v55, v54  }
0xe8: {  	v61 =	vld [tilespmem:s30+$0x4BD0]  }
0xe9: {  	v62 =	vld [tilespmem:s30+$0xBE0];
	v18 =	vadd.f32 v19, v18;
	v19 =	vmul.f32 v57, v56  }
0xea: {  	v63 =	vld [tilespmem:s30+$0x4BE0]  }
0xeb: {  	v26 =	vld [tilespmem:s30+$0xBF0];
	v18 =	vadd.f32 v19, v18;
	v19 =	vmul.f32 v59, v58  }
0xec: {  	v27 =	vld [tilespmem:s30+$0x4BF0]  }
0xed: {  	v18 =	vadd.f32 v19, v18;
	v19 =	vmul.f32 v61, v60;
	_ =	sdelay $0x1  }
0xee: {  	v18 =	vadd.f32 v19, v18;
	v19 =	vmul.f32 v63, v62;
	_ =	sdelay $0x1  }
0xef: {  	v18 =	vadd.f32 v19, v18;
	v19 =	vmul.f32 v27, v26;
	_ =	sdelay $0x1  }
0xf0: {  	v18 =	vadd.f32 v19, v18;
	_ =	sdelay $0x1  }
0xf1: {  	[tilespmem:$0x688] =	vst v18  }
0xf2: {  	v18 =	vld [tilespmem:s30+$0xC00]  }
0xf3: {  	v19 =	vld [tilespmem:s30+$0x4C00]  }
0xf4: {  	v28 =	vld [tilespmem:s30+$0xC10]  }
0xf5: {  	v29 =	vld [tilespmem:s30+$0x4C10]  }
0xf6: {  	v30 =	vld [tilespmem:s30+$0xC20]  }
0xf7: {  	v31 =	vld [tilespmem:s30+$0x4C20]  }
0xf8: {  	v32 =	vld [tilespmem:s30+$0xC30]  }
0xf9: {  	v33 =	vld [tilespmem:s30+$0x4C30]  }
0xfa: {  	v34 =	vld [tilespmem:s30+$0xC40];
	v18 =	vmul.f32 v19, v18;
	v19 =	vmul.f32 v29, v28  }
0xfb: {  	v35 =	vld [tilespmem:s30+$0x4C40]  }
0xfc: {  	v36 =	vld [tilespmem:s30+$0xC50];
	v18 =	vadd.f32 v19, v18;
	v19 =	vmul.f32 v31, v30  }
0xfd: {  	v37 =	vld [tilespmem:s30+$0x4C50]  }
0xfe: {  	v38 =	vld [tilespmem:s30+$0xC60];
	v18 =	vadd.f32 v19, v18;
	v19 =	vmul.f32 v33, v32  }
0xff: {  	v39 =	vld [tilespmem:s30+$0x4C60]  }
0x100: {  	v40 =	vld [tilespmem:s30+$0xC70];
	v18 =	vadd.f32 v19, v18;
	v19 =	vmul.f32 v35, v34  }
0x101: {  	v41 =	vld [tilespmem:s30+$0x4C70]  }
0x102: {  	v18 =	vadd.f32 v19, v18;
	v19 =	vmul.f32 v37, v36;
	_ =	sdelay $0x1  }
0x103: {  	v18 =	vadd.f32 v19, v18;
	v19 =	vmul.f32 v39, v38;
	_ =	sdelay $0x1  }
0x104: {  	v18 =	vadd.f32 v19, v18;
	v19 =	vmul.f32 v41, v40;
	_ =	sdelay $0x1  }
0x105: {  	v18 =	vadd.f32 v19, v18;
	_ =	sdelay $0x1  }
0x106: {  	[tilespmem:$0x699] =	vst v18  }
0x107: {  	v18 =	vld [tilespmem:s30+$0xC80]  }
0x108: {  	v19 =	vld [tilespmem:s30+$0x4C80]  }
0x109: {  	v42 =	vld [tilespmem:s30+$0xC90]  }
0x10a: {  	v43 =	vld [tilespmem:s30+$0x4C90]  }
0x10b: {  	v44 =	vld [tilespmem:s30+$0xCA0]  }
0x10c: {  	v45 =	vld [tilespmem:s30+$0x4CA0]  }
0x10d: {  	v46 =	vld [tilespmem:s30+$0xCB0]  }
0x10e: {  	v47 =	vld [tilespmem:s30+$0x4CB0]  }
0x10f: {  	v48 =	vld [tilespmem:s30+$0xCC0];
	v18 =	vmul.f32 v19, v18;
	v19 =	vmul.f32 v43, v42  }
0x110: {  	v49 =	vld [tilespmem:s30+$0x4CC0]  }
0x111: {  	v50 =	vld [tilespmem:s30+$0xCD0];
	v18 =	vadd.f32 v19, v18;
	v19 =	vmul.f32 v45, v44  }
0x112: {  	v51 =	vld [tilespmem:s30+$0x4CD0]  }
0x113: {  	v52 =	vld [tilespmem:s30+$0xCE0];
	v18 =	vadd.f32 v19, v18;
	v19 =	vmul.f32 v47, v46  }
0x114: {  	v53 =	vld [tilespmem:s30+$0x4CE0]  }
0x115: {  	v54 =	vld [tilespmem:s30+$0xCF0];
	v18 =	vadd.f32 v19, v18;
	v19 =	vmul.f32 v49, v48  }
0x116: {  	v55 =	vld [tilespmem:s30+$0x4CF0]  }
0x117: {  	v18 =	vadd.f32 v19, v18;
	v19 =	vmul.f32 v51, v50;
	_ =	sdelay $0x1  }
0x118: {  	v18 =	vadd.f32 v19, v18;
	v19 =	vmul.f32 v53, v52;
	_ =	sdelay $0x1  }
0x119: {  	v18 =	vadd.f32 v19, v18;
	v19 =	vmul.f32 v55, v54;
	_ =	sdelay $0x1  }
0x11a: {  	v18 =	vadd.f32 v19, v18;
	_ =	sdelay $0x1  }
0x11b: {  	[tilespmem:$0x6AA] =	vst v18  }
0x11c: {  	v18 =	vld [tilespmem:s30+$0xD00]  }
0x11d: {  	v19 =	vld [tilespmem:s30+$0x4D00]  }
0x11e: {  	v56 =	vld [tilespmem:s30+$0xD10]  }
0x11f: {  	v57 =	vld [tilespmem:s30+$0x4D10]  }
0x120: {  	v58 =	vld [tilespmem:s30+$0xD20]  }
0x121: {  	v59 =	vld [tilespmem:s30+$0x4D20]  }
0x122: {  	v60 =	vld [tilespmem:s30+$0xD30]  }
0x123: {  	v61 =	vld [tilespmem:s30+$0x4D30]  }
0x124: {  	v62 =	vld [tilespmem:s30+$0xD40];
	v18 =	vmul.f32 v19, v18;
	v19 =	vmul.f32 v57, v56  }
0x125: {  	v63 =	vld [tilespmem:s30+$0x4D40]  }
0x126: {  	v28 =	vld [tilespmem:s30+$0xD50];
	v18 =	vadd.f32 v19, v18;
	v19 =	vmul.f32 v59, v58  }
0x127: {  	v29 =	vld [tilespmem:s30+$0x4D50]  }
0x128: {  	v30 =	vld [tilespmem:s30+$0xD60];
	v18 =	vadd.f32 v19, v18;
	v19 =	vmul.f32 v61, v60  }
0x129: {  	v31 =	vld [tilespmem:s30+$0x4D60]  }
0x12a: {  	v32 =	vld [tilespmem:s30+$0xD70];
	v18 =	vadd.f32 v19, v18;
	v19 =	vmul.f32 v63, v62  }
0x12b: {  	v33 =	vld [tilespmem:s30+$0x4D70]  }
0x12c: {  	v18 =	vadd.f32 v19, v18;
	v19 =	vmul.f32 v29, v28;
	_ =	sdelay $0x1  }
0x12d: {  	v18 =	vadd.f32 v19, v18;
	v19 =	vmul.f32 v31, v30;
	_ =	sdelay $0x1  }
0x12e: {  	v18 =	vadd.f32 v19, v18;
	v19 =	vmul.f32 v33, v32;
	_ =	sdelay $0x1  }
0x12f: {  	v18 =	vadd.f32 v19, v18;
	_ =	sdelay $0x1  }
0x130: {  	[tilespmem:$0x6BB] =	vst v18  }
0x131: {  	v18 =	vld [tilespmem:s30+$0xD80]  }
0x132: {  	v19 =	vld [tilespmem:s30+$0x4D80]  }
0x133: {  	v34 =	vld [tilespmem:s30+$0xD90]  }
0x134: {  	v35 =	vld [tilespmem:s30+$0x4D90]  }
0x135: {  	v36 =	vld [tilespmem:s30+$0xDA0]  }
0x136: {  	v37 =	vld [tilespmem:s30+$0x4DA0]  }
0x137: {  	v38 =	vld [tilespmem:s30+$0xDB0]  }
0x138: {  	v39 =	vld [tilespmem:s30+$0x4DB0]  }
0x139: {  	v40 =	vld [tilespmem:s30+$0xDC0];
	v18 =	vmul.f32 v19, v18;
	v19 =	vmul.f32 v35, v34  }
0x13a: {  	v41 =	vld [tilespmem:s30+$0x4DC0]  }
0x13b: {  	v42 =	vld [tilespmem:s30+$0xDD0];
	v18 =	vadd.f32 v19, v18;
	v19 =	vmul.f32 v37, v36  }
0x13c: {  	v43 =	vld [tilespmem:s30+$0x4DD0]  }
0x13d: {  	v44 =	vld [tilespmem:s30+$0xDE0];
	v18 =	vadd.f32 v19, v18;
	v19 =	vmul.f32 v39, v38  }
0x13e: {  	v45 =	vld [tilespmem:s30+$0x4DE0]  }
0x13f: {  	v46 =	vld [tilespmem:s30+$0xDF0];
	v18 =	vadd.f32 v19, v18;
	v19 =	vmul.f32 v41, v40  }
0x140: {  	v47 =	vld [tilespmem:s30+$0x4DF0]  }
0x141: {  	v18 =	vadd.f32 v19, v18;
	v19 =	vmul.f32 v43, v42;
	_ =	sdelay $0x1  }
0x142: {  	v18 =	vadd.f32 v19, v18;
	v19 =	vmul.f32 v45, v44;
	_ =	sdelay $0x1  }
0x143: {  	v18 =	vadd.f32 v19, v18;
	v19 =	vmul.f32 v47, v46;
	_ =	sdelay $0x1  }
0x144: {  	v18 =	vadd.f32 v19, v18;
	_ =	sdelay $0x1  }
0x145: {  	[tilespmem:$0x6CC] =	vst v18  }
0x146: {  	v18 =	vld [tilespmem:s30+$0xE00]  }
0x147: {  	v19 =	vld [tilespmem:s30+$0x4E00]  }
0x148: {  	v48 =	vld [tilespmem:s30+$0xE10]  }
0x149: {  	v49 =	vld [tilespmem:s30+$0x4E10]  }
0x14a: {  	v50 =	vld [tilespmem:s30+$0xE20]  }
0x14b: {  	v51 =	vld [tilespmem:s30+$0x4E20]  }
0x14c: {  	v52 =	vld [tilespmem:s30+$0xE30]  }
0x14d: {  	v53 =	vld [tilespmem:s30+$0x4E30]  }
0x14e: {  	v54 =	vld [tilespmem:s30+$0xE40];
	v18 =	vmul.f32 v19, v18;
	v19 =	vmul.f32 v49, v48  }
0x14f: {  	v55 =	vld [tilespmem:s30+$0x4E40]  }
0x150: {  	v56 =	vld [tilespmem:s30+$0xE50];
	v18 =	vadd.f32 v19, v18;
	v19 =	vmul.f32 v51, v50  }
0x151: {  	v57 =	vld [tilespmem:s30+$0x4E50]  }
0x152: {  	v58 =	vld [tilespmem:s30+$0xE60];
	v18 =	vadd.f32 v19, v18;
	v19 =	vmul.f32 v53, v52  }
0x153: {  	v59 =	vld [tilespmem:s30+$0x4E60]  }
0x154: {  	v60 =	vld [tilespmem:s30+$0xE70];
	v18 =	vadd.f32 v19, v18;
	v19 =	vmul.f32 v55, v54  }
0x155: {  	v61 =	vld [tilespmem:s30+$0x4E70]  }
0x156: {  	v18 =	vadd.f32 v19, v18;
	v19 =	vmul.f32 v57, v56;
	_ =	sdelay $0x1  }
0x157: {  	v18 =	vadd.f32 v19, v18;
	v19 =	vmul.f32 v59, v58;
	_ =	sdelay $0x1  }
0x158: {  	v18 =	vadd.f32 v19, v18;
	v19 =	vmul.f32 v61, v60;
	_ =	sdelay $0x1  }
0x159: {  	v18 =	vadd.f32 v19, v18;
	_ =	sdelay $0x1  }
0x15a: {  	[tilespmem:$0x6DD] =	vst v18  }
0x15b: {  	v18 =	vld [tilespmem:s30+$0xE80]  }
0x15c: {  	v19 =	vld [tilespmem:s30+$0x4E80]  }
0x15d: {  	v62 =	vld [tilespmem:s30+$0xE90]  }
0x15e: {  	v63 =	vld [tilespmem:s30+$0x4E90]  }
0x15f: {  	v28 =	vld [tilespmem:s30+$0xEA0]  }
0x160: {  	v29 =	vld [tilespmem:s30+$0x4EA0]  }
0x161: {  	v30 =	vld [tilespmem:s30+$0xEB0]  }
0x162: {  	v31 =	vld [tilespmem:s30+$0x4EB0]  }
0x163: {  	v32 =	vld [tilespmem:s30+$0xEC0];
	v18 =	vmul.f32 v19, v18;
	v19 =	vmul.f32 v63, v62  }
0x164: {  	v33 =	vld [tilespmem:s30+$0x4EC0]  }
0x165: {  	v34 =	vld [tilespmem:s30+$0xED0];
	v18 =	vadd.f32 v19, v18;
	v19 =	vmul.f32 v29, v28  }
0x166: {  	v35 =	vld [tilespmem:s30+$0x4ED0]  }
0x167: {  	v36 =	vld [tilespmem:s30+$0xEE0];
	v18 =	vadd.f32 v19, v18;
	v19 =	vmul.f32 v31, v30  }
0x168: {  	v37 =	vld [tilespmem:s30+$0x4EE0]  }
0x169: {  	v38 =	vld [tilespmem:s30+$0xEF0];
	v18 =	vadd.f32 v19, v18;
	v19 =	vmul.f32 v33, v32  }
0x16a: {  	v39 =	vld [tilespmem:s30+$0x4EF0]  }
0x16b: {  	v18 =	vadd.f32 v19, v18;
	v19 =	vmul.f32 v35, v34;
	_ =	sdelay $0x1  }
0x16c: {  	v18 =	vadd.f32 v19, v18;
	v19 =	vmul.f32 v37, v36;
	_ =	sdelay $0x1  }
0x16d: {  	v18 =	vadd.f32 v19, v18;
	v19 =	vmul.f32 v39, v38;
	_ =	sdelay $0x1  }
0x16e: {  	v18 =	vadd.f32 v19, v18;
	_ =	sdelay $0x1  }
0x16f: {  	[tilespmem:$0x6EE] =	vst v18  }
0x170: {  	v18 =	vld [tilespmem:s30+$0xF00]  }
0x171: {  	v19 =	vld [tilespmem:s30+$0x4F00]  }
0x172: {  	v40 =	vld [tilespmem:s30+$0xF10]  }
0x173: {  	v41 =	vld [tilespmem:s30+$0x4F10]  }
0x174: {  	v42 =	vld [tilespmem:s30+$0xF20]  }
0x175: {  	v43 =	vld [tilespmem:s30+$0x4F20]  }
0x176: {  	v44 =	vld [tilespmem:s30+$0xF30]  }
0x177: {  	v45 =	vld [tilespmem:s30+$0x4F30]  }
0x178: {  	v46 =	vld [tilespmem:s30+$0xF40];
	v18 =	vmul.f32 v19, v18;
	v19 =	vmul.f32 v41, v40  }
0x179: {  	v47 =	vld [tilespmem:s30+$0x4F40]  }
0x17a: {  	v48 =	vld [tilespmem:s30+$0xF50];
	v18 =	vadd.f32 v19, v18;
	v19 =	vmul.f32 v43, v42  }
0x17b: {  	v49 =	vld [tilespmem:s30+$0x4F50]  }
0x17c: {  	v50 =	vld [tilespmem:s30+$0xF60];
	v18 =	vadd.f32 v19, v18;
	v19 =	vmul.f32 v45, v44  }
0x17d: {  	v51 =	vld [tilespmem:s30+$0x4F60]  }
0x17e: {  	v52 =	vld [tilespmem:s30+$0xF70];
	v18 =	vadd.f32 v19, v18;
	v19 =	vmul.f32 v47, v46  }
0x17f: {  	v53 =	vld [tilespmem:s30+$0x4F70]  }
0x180: {  	v18 =	vadd.f32 v19, v18;
	v19 =	vmul.f32 v49, v48;
	_ =	sdelay $0x1  }
0x181: {  	v18 =	vadd.f32 v19, v18;
	v19 =	vmul.f32 v51, v50;
	_ =	sdelay $0x1  }
0x182: {  	v18 =	vadd.f32 v19, v18;
	v19 =	vmul.f32 v53, v52;
	_ =	sdelay $0x1  }
0x183: {  	v18 =	vadd.f32 v19, v18;
	_ =	sdelay $0x1  }
0x184: {  	[tilespmem:$0x6FF] =	vst v18  }
0x185: {  	v18 =	vld.idx.msk [tilespmem:v0+s20+$0x0], $0xffff  }
0x186: {  	v19 =	vld.idx.msk [tilespmem:v1+s20+$0x0], $0xffff;
	_ =	sdelay $0x1  }
0x187: {  	v54 =	vld.idx.msk [tilespmem:v2+s20+$0x0], $0xffff;
	_ =	sdelay $0x1  }
0x188: {  	v55 =	vld.idx.msk [tilespmem:v3+s20+$0x0], $0xffff  }
0x189: {  	v18 =	vadd.f32 v19, v18  }
0x18a: {  	v19 =	vld.idx.msk [tilespmem:v4+s20+$0x0], $0xffff  }
0x18b: {  	v18 =	vadd.f32 v54, v18  }
0x18c: {  	v56 =	vld.idx.msk [tilespmem:v5+s20+$0x0], $0xffff  }
0x18d: {  	v18 =	vadd.f32 v55, v18  }
0x18e: {  	v57 =	vld.idx.msk [tilespmem:v6+s20+$0x0], $0xffff  }
0x18f: {  	v18 =	vadd.f32 v19, v18  }
0x190: {  	v19 =	vld.idx.msk [tilespmem:v7+s20+$0x0], $0xffff  }
0x191: {  	v18 =	vadd.f32 v56, v18  }
0x192: {  	v58 =	vld.idx.msk [tilespmem:v8+s20+$0x0], $0xffff  }
0x193: {  	v18 =	vadd.f32 v57, v18  }
0x194: {  	v59 =	vld.idx.msk [tilespmem:v9+s20+$0x0], $0xffff  }
0x195: {  	v18 =	vadd.f32 v19, v18  }
0x196: {  	v19 =	vld.idx.msk [tilespmem:v10+s20+$0x0], $0xffff  }
0x197: {  	v18 =	vadd.f32 v58, v18  }
0x198: {  	v60 =	vld.idx.msk [tilespmem:v11+s20+$0x0], $0xffff  }
0x199: {  	v18 =	vadd.f32 v59, v18  }
0x19a: {  	v61 =	vld.idx.msk [tilespmem:v12+s20+$0x0], $0xffff  }
0x19b: {  	v18 =	vadd.f32 v19, v18  }
0x19c: {  	v19 =	vld.idx.msk [tilespmem:v13+s20+$0x0], $0xffff  }
0x19d: {  	v18 =	vadd.f32 v60, v18  }
0x19e: {  	v62 =	vld.idx.msk [tilespmem:v14+s20+$0x0], $0xffff  }
0x19f: {  	v18 =	vadd.f32 v61, v18  }
0x1a0: {  	v63 =	vld.idx.msk [tilespmem:v15+s20+$0x0], $0xffff  }
0x1a1: {  	v18 =	vadd.f32 v19, v18;
	_ =	sdelay $0x1  }
0x1a2: {  	v18 =	vadd.f32 v62, v18  }
0x1a3: {  	p0 =	sne.s32 s29, $0x3  }
.Ltmp2:
0x1a4: {  	v18 =	vadd.f32 v63, v18;
	(pc) =	sbr.rel @p0 .LBB2_3-.Ltmp2, $4  }
0x1a5: {  	_ = 	snop  }
0x1a6: {  	s31 =	sshll.u32 s29, $0x4;
	v18 =	vadd.f32 v18, v16  }
0x1a7: {  	s30 =	sand.u32 $0x3FFFFFF0, s31  }
0x1a8: {  	s29 =	sadd.s32 $0x1, s29;
	[tilespmem:v17+s30+$0x0 ss:$0x1] =	vst.idx.msk $0xffff, v18  }
0x1a9: {  	p0 =	seq.s32 s25, $0x3  }
0x1aa: {  	s29 =	sshll.u32 @!p0 s25, $0x7  }
0x1ab: {  	s31 =	simm.s32 @!p0 $0x40;
	s0 =	simm.s32 @!p0 $0x780;
	s30 =	sadd.s32 @!p0 $0x80, s29  }
0x1ac: {  	[tilespmem:s0], [sflag:$0x1] =	stream.indirect.gather @!p0 [hbm4b:s1+s31], $0x80, s30, s31, $0xb8;
	[tilespmem:$0x8800] =	vst v63  }
0x1ad: {  	s0 =	sadd.s32 @!p0 $0x280, s29;
	s29 =	simm.s32 @!p0 $0x4780  }
0x1ae: {  	[tilespmem:s29], [sflag:$0x1] =	stream.indirect.gather @!p0 [hbm4b:s2+s31], $0x80, s0, s31, $0xb8;
	[tilespmem:$0x8800] =	vst v63  }
0x1af: {  	_ =	swait.ge [sflag:s21], $0x2000  }
0x1b0: {  	[sflag:s21] =	ssyncset.done $0x0  }
0x1b1: {  	[sflag:s21] =	ssyncadd.s32 $0xFFFFE000  }
0x1b2: {  	_ =	swait.ge [sflag:s21], $0x2000  }
0x1b3: {  	s31 =	sadd.s32 $0x440, s28;
	[sflag:s21] =	ssyncset.done $0x0  }
0x1b4: {  	s28 =	simm.s32 $0x0;
	v17 =	vmov s31;
	[sflag:s21] =	ssyncadd.s32 $0xFFFFE000  }
.LBB2_5:
0x1b5: {  	s29 =	sshll.u32 s28, $0xB  }
0x1b6: {  	v18 =	vld [tilespmem:s29+$0x2780]  }
0x1b7: {  	v19 =	vld [tilespmem:s29+$0x6780]  }
0x1b8: {  	v20 =	vld [tilespmem:s29+$0x2790]  }
0x1b9: {  	v21 =	vld [tilespmem:s29+$0x6790]  }
0x1ba: {  	v22 =	vld [tilespmem:s29+$0x27A0]  }
0x1bb: {  	v23 =	vld [tilespmem:s29+$0x67A0]  }
0x1bc: {  	v24 =	vld [tilespmem:s29+$0x27B0]  }
0x1bd: {  	v25 =	vld [tilespmem:s29+$0x67B0]  }
0x1be: {  	v54 =	vld [tilespmem:s29+$0x27C0];
	v18 =	vmul.f32 v19, v18;
	v19 =	vmul.f32 v21, v20  }
0x1bf: {  	v55 =	vld [tilespmem:s29+$0x67C0]  }
0x1c0: {  	v56 =	vld [tilespmem:s29+$0x27D0];
	v18 =	vadd.f32 v19, v18;
	v19 =	vmul.f32 v23, v22  }
0x1c1: {  	v57 =	vld [tilespmem:s29+$0x67D0]  }
0x1c2: {  	v58 =	vld [tilespmem:s29+$0x27E0];
	v18 =	vadd.f32 v19, v18;
	v19 =	vmul.f32 v25, v24  }
0x1c3: {  	v59 =	vld [tilespmem:s29+$0x67E0]  }
0x1c4: {  	v60 =	vld [tilespmem:s29+$0x27F0];
	v18 =	vadd.f32 v19, v18;
	v19 =	vmul.f32 v55, v54  }
0x1c5: {  	v61 =	vld [tilespmem:s29+$0x67F0]  }
0x1c6: {  	v18 =	vadd.f32 v19, v18;
	v19 =	vmul.f32 v57, v56;
	_ =	sdelay $0x1  }
0x1c7: {  	v18 =	vadd.f32 v19, v18;
	v19 =	vmul.f32 v59, v58;
	_ =	sdelay $0x1  }
0x1c8: {  	v18 =	vadd.f32 v19, v18;
	v19 =	vmul.f32 v61, v60;
	_ =	sdelay $0x1  }
0x1c9: {  	v18 =	vadd.f32 v19, v18;
	_ =	sdelay $0x1  }
0x1ca: {  	[tilespmem:$0x600] =	vst v18  }
0x1cb: {  	v18 =	vld [tilespmem:s29+$0x2800]  }
0x1cc: {  	v19 =	vld [tilespmem:s29+$0x6800]  }
0x1cd: {  	v62 =	vld [tilespmem:s29+$0x2810]  }
0x1ce: {  	v63 =	vld [tilespmem:s29+$0x6810]  }
0x1cf: {  	v28 =	vld [tilespmem:s29+$0x2820]  }
0x1d0: {  	v29 =	vld [tilespmem:s29+$0x6820]  }
0x1d1: {  	v30 =	vld [tilespmem:s29+$0x2830]  }
0x1d2: {  	v31 =	vld [tilespmem:s29+$0x6830]  }
0x1d3: {  	v32 =	vld [tilespmem:s29+$0x2840];
	v18 =	vmul.f32 v19, v18;
	v19 =	vmul.f32 v63, v62  }
0x1d4: {  	v33 =	vld [tilespmem:s29+$0x6840]  }
0x1d5: {  	v34 =	vld [tilespmem:s29+$0x2850];
	v18 =	vadd.f32 v19, v18;
	v19 =	vmul.f32 v29, v28  }
0x1d6: {  	v35 =	vld [tilespmem:s29+$0x6850]  }
0x1d7: {  	v36 =	vld [tilespmem:s29+$0x2860];
	v18 =	vadd.f32 v19, v18;
	v19 =	vmul.f32 v31, v30  }
0x1d8: {  	v37 =	vld [tilespmem:s29+$0x6860]  }
0x1d9: {  	v38 =	vld [tilespmem:s29+$0x2870];
	v18 =	vadd.f32 v19, v18;
	v19 =	vmul.f32 v33, v32  }
0x1da: {  	v39 =	vld [tilespmem:s29+$0x6870]  }
0x1db: {  	v18 =	vadd.f32 v19, v18;
	v19 =	vmul.f32 v35, v34;
	_ =	sdelay $0x1  }
0x1dc: {  	v18 =	vadd.f32 v19, v18;
	v19 =	vmul.f32 v37, v36;
	_ =	sdelay $0x1  }
0x1dd: {  	v18 =	vadd.f32 v19, v18;
	v19 =	vmul.f32 v39, v38;
	_ =	sdelay $0x1  }
0x1de: {  	v18 =	vadd.f32 v19, v18;
	_ =	sdelay $0x1  }
0x1df: {  	[tilespmem:$0x611] =	vst v18  }
0x1e0: {  	v18 =	vld [tilespmem:s29+$0x2880]  }
0x1e1: {  	v19 =	vld [tilespmem:s29+$0x6880]  }
0x1e2: {  	v40 =	vld [tilespmem:s29+$0x2890]  }
0x1e3: {  	v41 =	vld [tilespmem:s29+$0x6890]  }
0x1e4: {  	v42 =	vld [tilespmem:s29+$0x28A0]  }
0x1e5: {  	v43 =	vld [tilespmem:s29+$0x68A0]  }
0x1e6: {  	v44 =	vld [tilespmem:s29+$0x28B0]  }
0x1e7: {  	v45 =	vld [tilespmem:s29+$0x68B0]  }
0x1e8: {  	v46 =	vld [tilespmem:s29+$0x28C0];
	v18 =	vmul.f32 v19, v18;
	v19 =	vmul.f32 v41, v40  }
0x1e9: {  	v47 =	vld [tilespmem:s29+$0x68C0]  }
0x1ea: {  	v48 =	vld [tilespmem:s29+$0x28D0];
	v18 =	vadd.f32 v19, v18;
	v19 =	vmul.f32 v43, v42  }
0x1eb: {  	v49 =	vld [tilespmem:s29+$0x68D0]  }
0x1ec: {  	v50 =	vld [tilespmem:s29+$0x28E0];
	v18 =	vadd.f32 v19, v18;
	v19 =	vmul.f32 v45, v44  }
0x1ed: {  	v51 =	vld [tilespmem:s29+$0x68E0]  }
0x1ee: {  	v52 =	vld [tilespmem:s29+$0x28F0];
	v18 =	vadd.f32 v19, v18;
	v19 =	vmul.f32 v47, v46  }
0x1ef: {  	v53 =	vld [tilespmem:s29+$0x68F0]  }
0x1f0: {  	v18 =	vadd.f32 v19, v18;
	v19 =	vmul.f32 v49, v48;
	_ =	sdelay $0x1  }
0x1f1: {  	v18 =	vadd.f32 v19, v18;
	v19 =	vmul.f32 v51, v50;
	_ =	sdelay $0x1  }
0x1f2: {  	v18 =	vadd.f32 v19, v18;
	v19 =	vmul.f32 v53, v52;
	_ =	sdelay $0x1  }
0x1f3: {  	v18 =	vadd.f32 v19, v18;
	_ =	sdelay $0x1  }
0x1f4: {  	[tilespmem:$0x622] =	vst v18  }
0x1f5: {  	v18 =	vld [tilespmem:s29+$0x2900]  }
0x1f6: {  	v19 =	vld [tilespmem:s29+$0x6900]  }
0x1f7: {  	v54 =	vld [tilespmem:s29+$0x2910]  }
0x1f8: {  	v55 =	vld [tilespmem:s29+$0x6910]  }
0x1f9: {  	v56 =	vld [tilespmem:s29+$0x2920]  }
0x1fa: {  	v57 =	vld [tilespmem:s29+$0x6920]  }
0x1fb: {  	v58 =	vld [tilespmem:s29+$0x2930]  }
0x1fc: {  	v59 =	vld [tilespmem:s29+$0x6930]  }
0x1fd: {  	v60 =	vld [tilespmem:s29+$0x2940];
	v18 =	vmul.f32 v19, v18;
	v19 =	vmul.f32 v55, v54  }
0x1fe: {  	v61 =	vld [tilespmem:s29+$0x6940]  }
0x1ff: {  	v62 =	vld [tilespmem:s29+$0x2950];
	v18 =	vadd.f32 v19, v18;
	v19 =	vmul.f32 v57, v56  }
0x200: {  	v63 =	vld [tilespmem:s29+$0x6950]  }
0x201: {  	v28 =	vld [tilespmem:s29+$0x2960];
	v18 =	vadd.f32 v19, v18;
	v19 =	vmul.f32 v59, v58  }
0x202: {  	v29 =	vld [tilespmem:s29+$0x6960]  }
0x203: {  	v30 =	vld [tilespmem:s29+$0x2970];
	v18 =	vadd.f32 v19, v18;
	v19 =	vmul.f32 v61, v60  }
0x204: {  	v31 =	vld [tilespmem:s29+$0x6970]  }
0x205: {  	v18 =	vadd.f32 v19, v18;
	v19 =	vmul.f32 v63, v62;
	_ =	sdelay $0x1  }
0x206: {  	v18 =	vadd.f32 v19, v18;
	v19 =	vmul.f32 v29, v28;
	_ =	sdelay $0x1  }
0x207: {  	v18 =	vadd.f32 v19, v18;
	v19 =	vmul.f32 v31, v30;
	_ =	sdelay $0x1  }
0x208: {  	v18 =	vadd.f32 v19, v18;
	_ =	sdelay $0x1  }
0x209: {  	[tilespmem:$0x633] =	vst v18  }
0x20a: {  	v18 =	vld [tilespmem:s29+$0x2980]  }
0x20b: {  	v19 =	vld [tilespmem:s29+$0x6980]  }
0x20c: {  	v32 =	vld [tilespmem:s29+$0x2990]  }
0x20d: {  	v33 =	vld [tilespmem:s29+$0x6990]  }
0x20e: {  	v34 =	vld [tilespmem:s29+$0x29A0]  }
0x20f: {  	v35 =	vld [tilespmem:s29+$0x69A0]  }
0x210: {  	v36 =	vld [tilespmem:s29+$0x29B0]  }
0x211: {  	v37 =	vld [tilespmem:s29+$0x69B0]  }
0x212: {  	v38 =	vld [tilespmem:s29+$0x29C0];
	v18 =	vmul.f32 v19, v18;
	v19 =	vmul.f32 v33, v32  }
0x213: {  	v39 =	vld [tilespmem:s29+$0x69C0]  }
0x214: {  	v40 =	vld [tilespmem:s29+$0x29D0];
	v18 =	vadd.f32 v19, v18;
	v19 =	vmul.f32 v35, v34  }
0x215: {  	v41 =	vld [tilespmem:s29+$0x69D0]  }
0x216: {  	v42 =	vld [tilespmem:s29+$0x29E0];
	v18 =	vadd.f32 v19, v18;
	v19 =	vmul.f32 v37, v36  }
0x217: {  	v43 =	vld [tilespmem:s29+$0x69E0]  }
0x218: {  	v44 =	vld [tilespmem:s29+$0x29F0];
	v18 =	vadd.f32 v19, v18;
	v19 =	vmul.f32 v39, v38  }
0x219: {  	v45 =	vld [tilespmem:s29+$0x69F0]  }
0x21a: {  	v18 =	vadd.f32 v19, v18;
	v19 =	vmul.f32 v41, v40;
	_ =	sdelay $0x1  }
0x21b: {  	v18 =	vadd.f32 v19, v18;
	v19 =	vmul.f32 v43, v42;
	_ =	sdelay $0x1  }
0x21c: {  	v18 =	vadd.f32 v19, v18;
	v19 =	vmul.f32 v45, v44;
	_ =	sdelay $0x1  }
0x21d: {  	v18 =	vadd.f32 v19, v18;
	_ =	sdelay $0x1  }
0x21e: {  	[tilespmem:$0x644] =	vst v18  }
0x21f: {  	v18 =	vld [tilespmem:s29+$0x2A00]  }
0x220: {  	v19 =	vld [tilespmem:s29+$0x6A00]  }
0x221: {  	v46 =	vld [tilespmem:s29+$0x2A10]  }
0x222: {  	v47 =	vld [tilespmem:s29+$0x6A10]  }
0x223: {  	v48 =	vld [tilespmem:s29+$0x2A20]  }
0x224: {  	v49 =	vld [tilespmem:s29+$0x6A20]  }
0x225: {  	v50 =	vld [tilespmem:s29+$0x2A30]  }
0x226: {  	v51 =	vld [tilespmem:s29+$0x6A30]  }
0x227: {  	v52 =	vld [tilespmem:s29+$0x2A40];
	v18 =	vmul.f32 v19, v18;
	v19 =	vmul.f32 v47, v46  }
0x228: {  	v53 =	vld [tilespmem:s29+$0x6A40]  }
0x229: {  	v54 =	vld [tilespmem:s29+$0x2A50];
	v18 =	vadd.f32 v19, v18;
	v19 =	vmul.f32 v49, v48  }
0x22a: {  	v55 =	vld [tilespmem:s29+$0x6A50]  }
0x22b: {  	v56 =	vld [tilespmem:s29+$0x2A60];
	v18 =	vadd.f32 v19, v18;
	v19 =	vmul.f32 v51, v50  }
0x22c: {  	v57 =	vld [tilespmem:s29+$0x6A60]  }
0x22d: {  	v58 =	vld [tilespmem:s29+$0x2A70];
	v18 =	vadd.f32 v19, v18;
	v19 =	vmul.f32 v53, v52  }
0x22e: {  	v59 =	vld [tilespmem:s29+$0x6A70]  }
0x22f: {  	v18 =	vadd.f32 v19, v18;
	v19 =	vmul.f32 v55, v54;
	_ =	sdelay $0x1  }
0x230: {  	v18 =	vadd.f32 v19, v18;
	v19 =	vmul.f32 v57, v56;
	_ =	sdelay $0x1  }
0x231: {  	v18 =	vadd.f32 v19, v18;
	v19 =	vmul.f32 v59, v58;
	_ =	sdelay $0x1  }
0x232: {  	v18 =	vadd.f32 v19, v18;
	_ =	sdelay $0x1  }
0x233: {  	[tilespmem:$0x655] =	vst v18  }
0x234: {  	v18 =	vld [tilespmem:s29+$0x2A80]  }
0x235: {  	v19 =	vld [tilespmem:s29+$0x6A80]  }
0x236: {  	v60 =	vld [tilespmem:s29+$0x2A90]  }
0x237: {  	v61 =	vld [tilespmem:s29+$0x6A90]  }
0x238: {  	v62 =	vld [tilespmem:s29+$0x2AA0]  }
0x239: {  	v63 =	vld [tilespmem:s29+$0x6AA0]  }
0x23a: {  	v28 =	vld [tilespmem:s29+$0x2AB0]  }
0x23b: {  	v29 =	vld [tilespmem:s29+$0x6AB0]  }
0x23c: {  	v30 =	vld [tilespmem:s29+$0x2AC0];
	v18 =	vmul.f32 v19, v18;
	v19 =	vmul.f32 v61, v60  }
0x23d: {  	v31 =	vld [tilespmem:s29+$0x6AC0]  }
0x23e: {  	v32 =	vld [tilespmem:s29+$0x2AD0];
	v18 =	vadd.f32 v19, v18;
	v19 =	vmul.f32 v63, v62  }
0x23f: {  	v33 =	vld [tilespmem:s29+$0x6AD0]  }
0x240: {  	v34 =	vld [tilespmem:s29+$0x2AE0];
	v18 =	vadd.f32 v19, v18;
	v19 =	vmul.f32 v29, v28  }
0x241: {  	v35 =	vld [tilespmem:s29+$0x6AE0]  }
0x242: {  	v36 =	vld [tilespmem:s29+$0x2AF0];
	v18 =	vadd.f32 v19, v18;
	v19 =	vmul.f32 v31, v30  }
0x243: {  	v37 =	vld [tilespmem:s29+$0x6AF0]  }
0x244: {  	v18 =	vadd.f32 v19, v18;
	v19 =	vmul.f32 v33, v32;
	_ =	sdelay $0x1  }
0x245: {  	v18 =	vadd.f32 v19, v18;
	v19 =	vmul.f32 v35, v34;
	_ =	sdelay $0x1  }
0x246: {  	v18 =	vadd.f32 v19, v18;
	v19 =	vmul.f32 v37, v36;
	_ =	sdelay $0x1  }
0x247: {  	v18 =	vadd.f32 v19, v18;
	_ =	sdelay $0x1  }
0x248: {  	[tilespmem:$0x666] =	vst v18  }
0x249: {  	v18 =	vld [tilespmem:s29+$0x2B00]  }
0x24a: {  	v19 =	vld [tilespmem:s29+$0x6B00]  }
0x24b: {  	v38 =	vld [tilespmem:s29+$0x2B10]  }
0x24c: {  	v39 =	vld [tilespmem:s29+$0x6B10]  }
0x24d: {  	v40 =	vld [tilespmem:s29+$0x2B20]  }
0x24e: {  	v41 =	vld [tilespmem:s29+$0x6B20]  }
0x24f: {  	v42 =	vld [tilespmem:s29+$0x2B30]  }
0x250: {  	v43 =	vld [tilespmem:s29+$0x6B30]  }
0x251: {  	v44 =	vld [tilespmem:s29+$0x2B40];
	v18 =	vmul.f32 v19, v18;
	v19 =	vmul.f32 v39, v38  }
0x252: {  	v45 =	vld [tilespmem:s29+$0x6B40]  }
0x253: {  	v46 =	vld [tilespmem:s29+$0x2B50];
	v18 =	vadd.f32 v19, v18;
	v19 =	vmul.f32 v41, v40  }
0x254: {  	v47 =	vld [tilespmem:s29+$0x6B50]  }
0x255: {  	v48 =	vld [tilespmem:s29+$0x2B60];
	v18 =	vadd.f32 v19, v18;
	v19 =	vmul.f32 v43, v42  }
0x256: {  	v49 =	vld [tilespmem:s29+$0x6B60]  }
0x257: {  	v50 =	vld [tilespmem:s29+$0x2B70];
	v18 =	vadd.f32 v19, v18;
	v19 =	vmul.f32 v45, v44  }
0x258: {  	v51 =	vld [tilespmem:s29+$0x6B70]  }
0x259: {  	v18 =	vadd.f32 v19, v18;
	v19 =	vmul.f32 v47, v46;
	_ =	sdelay $0x1  }
0x25a: {  	v18 =	vadd.f32 v19, v18;
	v19 =	vmul.f32 v49, v48;
	_ =	sdelay $0x1  }
0x25b: {  	v18 =	vadd.f32 v19, v18;
	v19 =	vmul.f32 v51, v50;
	_ =	sdelay $0x1  }
0x25c: {  	v18 =	vadd.f32 v19, v18;
	_ =	sdelay $0x1  }
0x25d: {  	[tilespmem:$0x677] =	vst v18  }
0x25e: {  	v18 =	vld [tilespmem:s29+$0x2B80]  }
0x25f: {  	v19 =	vld [tilespmem:s29+$0x6B80]  }
0x260: {  	v52 =	vld [tilespmem:s29+$0x2B90]  }
0x261: {  	v53 =	vld [tilespmem:s29+$0x6B90]  }
0x262: {  	v54 =	vld [tilespmem:s29+$0x2BA0]  }
0x263: {  	v55 =	vld [tilespmem:s29+$0x6BA0]  }
0x264: {  	v56 =	vld [tilespmem:s29+$0x2BB0]  }
0x265: {  	v57 =	vld [tilespmem:s29+$0x6BB0]  }
0x266: {  	v58 =	vld [tilespmem:s29+$0x2BC0];
	v18 =	vmul.f32 v19, v18;
	v19 =	vmul.f32 v53, v52  }
0x267: {  	v59 =	vld [tilespmem:s29+$0x6BC0]  }
0x268: {  	v60 =	vld [tilespmem:s29+$0x2BD0];
	v18 =	vadd.f32 v19, v18;
	v19 =	vmul.f32 v55, v54  }
0x269: {  	v61 =	vld [tilespmem:s29+$0x6BD0]  }
0x26a: {  	v62 =	vld [tilespmem:s29+$0x2BE0];
	v18 =	vadd.f32 v19, v18;
	v19 =	vmul.f32 v57, v56  }
0x26b: {  	v63 =	vld [tilespmem:s29+$0x6BE0]  }
0x26c: {  	v26 =	vld [tilespmem:s29+$0x2BF0];
	v18 =	vadd.f32 v19, v18;
	v19 =	vmul.f32 v59, v58  }
0x26d: {  	v27 =	vld [tilespmem:s29+$0x6BF0]  }
0x26e: {  	v18 =	vadd.f32 v19, v18;
	v19 =	vmul.f32 v61, v60;
	_ =	sdelay $0x1  }
0x26f: {  	v18 =	vadd.f32 v19, v18;
	v19 =	vmul.f32 v63, v62;
	_ =	sdelay $0x1  }
0x270: {  	v18 =	vadd.f32 v19, v18;
	v19 =	vmul.f32 v27, v26;
	_ =	sdelay $0x1  }
0x271: {  	v18 =	vadd.f32 v19, v18;
	_ =	sdelay $0x1  }
0x272: {  	[tilespmem:$0x688] =	vst v18  }
0x273: {  	v18 =	vld [tilespmem:s29+$0x2C00]  }
0x274: {  	v19 =	vld [tilespmem:s29+$0x6C00]  }
0x275: {  	v28 =	vld [tilespmem:s29+$0x2C10]  }
0x276: {  	v29 =	vld [tilespmem:s29+$0x6C10]  }
0x277: {  	v30 =	vld [tilespmem:s29+$0x2C20]  }
0x278: {  	v31 =	vld [tilespmem:s29+$0x6C20]  }
0x279: {  	v32 =	vld [tilespmem:s29+$0x2C30]  }
0x27a: {  	v33 =	vld [tilespmem:s29+$0x6C30]  }
0x27b: {  	v34 =	vld [tilespmem:s29+$0x2C40];
	v18 =	vmul.f32 v19, v18;
	v19 =	vmul.f32 v29, v28  }
0x27c: {  	v35 =	vld [tilespmem:s29+$0x6C40]  }
0x27d: {  	v36 =	vld [tilespmem:s29+$0x2C50];
	v18 =	vadd.f32 v19, v18;
	v19 =	vmul.f32 v31, v30  }
0x27e: {  	v37 =	vld [tilespmem:s29+$0x6C50]  }
0x27f: {  	v38 =	vld [tilespmem:s29+$0x2C60];
	v18 =	vadd.f32 v19, v18;
	v19 =	vmul.f32 v33, v32  }
0x280: {  	v39 =	vld [tilespmem:s29+$0x6C60]  }
0x281: {  	v40 =	vld [tilespmem:s29+$0x2C70];
	v18 =	vadd.f32 v19, v18;
	v19 =	vmul.f32 v35, v34  }
0x282: {  	v41 =	vld [tilespmem:s29+$0x6C70]  }
0x283: {  	v18 =	vadd.f32 v19, v18;
	v19 =	vmul.f32 v37, v36;
	_ =	sdelay $0x1  }
0x284: {  	v18 =	vadd.f32 v19, v18;
	v19 =	vmul.f32 v39, v38;
	_ =	sdelay $0x1  }
0x285: {  	v18 =	vadd.f32 v19, v18;
	v19 =	vmul.f32 v41, v40;
	_ =	sdelay $0x1  }
0x286: {  	v18 =	vadd.f32 v19, v18;
	_ =	sdelay $0x1  }
0x287: {  	[tilespmem:$0x699] =	vst v18  }
0x288: {  	v18 =	vld [tilespmem:s29+$0x2C80]  }
0x289: {  	v19 =	vld [tilespmem:s29+$0x6C80]  }
0x28a: {  	v42 =	vld [tilespmem:s29+$0x2C90]  }
0x28b: {  	v43 =	vld [tilespmem:s29+$0x6C90]  }
0x28c: {  	v44 =	vld [tilespmem:s29+$0x2CA0]  }
0x28d: {  	v45 =	vld [tilespmem:s29+$0x6CA0]  }
0x28e: {  	v46 =	vld [tilespmem:s29+$0x2CB0]  }
0x28f: {  	v47 =	vld [tilespmem:s29+$0x6CB0]  }
0x290: {  	v48 =	vld [tilespmem:s29+$0x2CC0];
	v18 =	vmul.f32 v19, v18;
	v19 =	vmul.f32 v43, v42  }
0x291: {  	v49 =	vld [tilespmem:s29+$0x6CC0]  }
0x292: {  	v50 =	vld [tilespmem:s29+$0x2CD0];
	v18 =	vadd.f32 v19, v18;
	v19 =	vmul.f32 v45, v44  }
0x293: {  	v51 =	vld [tilespmem:s29+$0x6CD0]  }
0x294: {  	v52 =	vld [tilespmem:s29+$0x2CE0];
	v18 =	vadd.f32 v19, v18;
	v19 =	vmul.f32 v47, v46  }
0x295: {  	v53 =	vld [tilespmem:s29+$0x6CE0]  }
0x296: {  	v54 =	vld [tilespmem:s29+$0x2CF0];
	v18 =	vadd.f32 v19, v18;
	v19 =	vmul.f32 v49, v48  }
0x297: {  	v55 =	vld [tilespmem:s29+$0x6CF0]  }
0x298: {  	v18 =	vadd.f32 v19, v18;
	v19 =	vmul.f32 v51, v50;
	_ =	sdelay $0x1  }
0x299: {  	v18 =	vadd.f32 v19, v18;
	v19 =	vmul.f32 v53, v52;
	_ =	sdelay $0x1  }
0x29a: {  	v18 =	vadd.f32 v19, v18;
	v19 =	vmul.f32 v55, v54;
	_ =	sdelay $0x1  }
0x29b: {  	v18 =	vadd.f32 v19, v18;
	_ =	sdelay $0x1  }
0x29c: {  	[tilespmem:$0x6AA] =	vst v18  }
0x29d: {  	v18 =	vld [tilespmem:s29+$0x2D00]  }
0x29e: {  	v19 =	vld [tilespmem:s29+$0x6D00]  }
0x29f: {  	v56 =	vld [tilespmem:s29+$0x2D10]  }
0x2a0: {  	v57 =	vld [tilespmem:s29+$0x6D10]  }
0x2a1: {  	v58 =	vld [tilespmem:s29+$0x2D20]  }
0x2a2: {  	v59 =	vld [tilespmem:s29+$0x6D20]  }
0x2a3: {  	v60 =	vld [tilespmem:s29+$0x2D30]  }
0x2a4: {  	v61 =	vld [tilespmem:s29+$0x6D30]  }
0x2a5: {  	v62 =	vld [tilespmem:s29+$0x2D40];
	v18 =	vmul.f32 v19, v18;
	v19 =	vmul.f32 v57, v56  }
0x2a6: {  	v63 =	vld [tilespmem:s29+$0x6D40]  }
0x2a7: {  	v28 =	vld [tilespmem:s29+$0x2D50];
	v18 =	vadd.f32 v19, v18;
	v19 =	vmul.f32 v59, v58  }
0x2a8: {  	v29 =	vld [tilespmem:s29+$0x6D50]  }
0x2a9: {  	v30 =	vld [tilespmem:s29+$0x2D60];
	v18 =	vadd.f32 v19, v18;
	v19 =	vmul.f32 v61, v60  }
0x2aa: {  	v31 =	vld [tilespmem:s29+$0x6D60]  }
0x2ab: {  	v32 =	vld [tilespmem:s29+$0x2D70];
	v18 =	vadd.f32 v19, v18;
	v19 =	vmul.f32 v63, v62  }
0x2ac: {  	v33 =	vld [tilespmem:s29+$0x6D70]  }
0x2ad: {  	v18 =	vadd.f32 v19, v18;
	v19 =	vmul.f32 v29, v28;
	_ =	sdelay $0x1  }
0x2ae: {  	v18 =	vadd.f32 v19, v18;
	v19 =	vmul.f32 v31, v30;
	_ =	sdelay $0x1  }
0x2af: {  	v18 =	vadd.f32 v19, v18;
	v19 =	vmul.f32 v33, v32;
	_ =	sdelay $0x1  }
0x2b0: {  	v18 =	vadd.f32 v19, v18;
	_ =	sdelay $0x1  }
0x2b1: {  	[tilespmem:$0x6BB] =	vst v18  }
0x2b2: {  	v18 =	vld [tilespmem:s29+$0x2D80]  }
0x2b3: {  	v19 =	vld [tilespmem:s29+$0x6D80]  }
0x2b4: {  	v34 =	vld [tilespmem:s29+$0x2D90]  }
0x2b5: {  	v35 =	vld [tilespmem:s29+$0x6D90]  }
0x2b6: {  	v36 =	vld [tilespmem:s29+$0x2DA0]  }
0x2b7: {  	v37 =	vld [tilespmem:s29+$0x6DA0]  }
0x2b8: {  	v38 =	vld [tilespmem:s29+$0x2DB0]  }
0x2b9: {  	v39 =	vld [tilespmem:s29+$0x6DB0]  }
0x2ba: {  	v40 =	vld [tilespmem:s29+$0x2DC0];
	v18 =	vmul.f32 v19, v18;
	v19 =	vmul.f32 v35, v34  }
0x2bb: {  	v41 =	vld [tilespmem:s29+$0x6DC0]  }
0x2bc: {  	v42 =	vld [tilespmem:s29+$0x2DD0];
	v18 =	vadd.f32 v19, v18;
	v19 =	vmul.f32 v37, v36  }
0x2bd: {  	v43 =	vld [tilespmem:s29+$0x6DD0]  }
0x2be: {  	v44 =	vld [tilespmem:s29+$0x2DE0];
	v18 =	vadd.f32 v19, v18;
	v19 =	vmul.f32 v39, v38  }
0x2bf: {  	v45 =	vld [tilespmem:s29+$0x6DE0]  }
0x2c0: {  	v46 =	vld [tilespmem:s29+$0x2DF0];
	v18 =	vadd.f32 v19, v18;
	v19 =	vmul.f32 v41, v40  }
0x2c1: {  	v47 =	vld [tilespmem:s29+$0x6DF0]  }
0x2c2: {  	v18 =	vadd.f32 v19, v18;
	v19 =	vmul.f32 v43, v42;
	_ =	sdelay $0x1  }
0x2c3: {  	v18 =	vadd.f32 v19, v18;
	v19 =	vmul.f32 v45, v44;
	_ =	sdelay $0x1  }
0x2c4: {  	v18 =	vadd.f32 v19, v18;
	v19 =	vmul.f32 v47, v46;
	_ =	sdelay $0x1  }
0x2c5: {  	v18 =	vadd.f32 v19, v18;
	_ =	sdelay $0x1  }
0x2c6: {  	[tilespmem:$0x6CC] =	vst v18  }
0x2c7: {  	v18 =	vld [tilespmem:s29+$0x2E00]  }
0x2c8: {  	v19 =	vld [tilespmem:s29+$0x6E00]  }
0x2c9: {  	v48 =	vld [tilespmem:s29+$0x2E10]  }
0x2ca: {  	v49 =	vld [tilespmem:s29+$0x6E10]  }
0x2cb: {  	v50 =	vld [tilespmem:s29+$0x2E20]  }
0x2cc: {  	v51 =	vld [tilespmem:s29+$0x6E20]  }
0x2cd: {  	v52 =	vld [tilespmem:s29+$0x2E30]  }
0x2ce: {  	v53 =	vld [tilespmem:s29+$0x6E30]  }
0x2cf: {  	v54 =	vld [tilespmem:s29+$0x2E40];
	v18 =	vmul.f32 v19, v18;
	v19 =	vmul.f32 v49, v48  }
0x2d0: {  	v55 =	vld [tilespmem:s29+$0x6E40]  }
0x2d1: {  	v56 =	vld [tilespmem:s29+$0x2E50];
	v18 =	vadd.f32 v19, v18;
	v19 =	vmul.f32 v51, v50  }
0x2d2: {  	v57 =	vld [tilespmem:s29+$0x6E50]  }
0x2d3: {  	v58 =	vld [tilespmem:s29+$0x2E60];
	v18 =	vadd.f32 v19, v18;
	v19 =	vmul.f32 v53, v52  }
0x2d4: {  	v59 =	vld [tilespmem:s29+$0x6E60]  }
0x2d5: {  	v60 =	vld [tilespmem:s29+$0x2E70];
	v18 =	vadd.f32 v19, v18;
	v19 =	vmul.f32 v55, v54  }
0x2d6: {  	v61 =	vld [tilespmem:s29+$0x6E70]  }
0x2d7: {  	v18 =	vadd.f32 v19, v18;
	v19 =	vmul.f32 v57, v56;
	_ =	sdelay $0x1  }
0x2d8: {  	v18 =	vadd.f32 v19, v18;
	v19 =	vmul.f32 v59, v58;
	_ =	sdelay $0x1  }
0x2d9: {  	v18 =	vadd.f32 v19, v18;
	v19 =	vmul.f32 v61, v60;
	_ =	sdelay $0x1  }
0x2da: {  	v18 =	vadd.f32 v19, v18;
	_ =	sdelay $0x1  }
0x2db: {  	[tilespmem:$0x6DD] =	vst v18  }
0x2dc: {  	v18 =	vld [tilespmem:s29+$0x2E80]  }
0x2dd: {  	v19 =	vld [tilespmem:s29+$0x6E80]  }
0x2de: {  	v62 =	vld [tilespmem:s29+$0x2E90]  }
0x2df: {  	v63 =	vld [tilespmem:s29+$0x6E90]  }
0x2e0: {  	v28 =	vld [tilespmem:s29+$0x2EA0]  }
0x2e1: {  	v29 =	vld [tilespmem:s29+$0x6EA0]  }
0x2e2: {  	v30 =	vld [tilespmem:s29+$0x2EB0]  }
0x2e3: {  	v31 =	vld [tilespmem:s29+$0x6EB0]  }
0x2e4: {  	v32 =	vld [tilespmem:s29+$0x2EC0];
	v18 =	vmul.f32 v19, v18;
	v19 =	vmul.f32 v63, v62  }
0x2e5: {  	v33 =	vld [tilespmem:s29+$0x6EC0]  }
0x2e6: {  	v34 =	vld [tilespmem:s29+$0x2ED0];
	v18 =	vadd.f32 v19, v18;
	v19 =	vmul.f32 v29, v28  }
0x2e7: {  	v35 =	vld [tilespmem:s29+$0x6ED0]  }
0x2e8: {  	v36 =	vld [tilespmem:s29+$0x2EE0];
	v18 =	vadd.f32 v19, v18;
	v19 =	vmul.f32 v31, v30  }
0x2e9: {  	v37 =	vld [tilespmem:s29+$0x6EE0]  }
0x2ea: {  	v38 =	vld [tilespmem:s29+$0x2EF0];
	v18 =	vadd.f32 v19, v18;
	v19 =	vmul.f32 v33, v32  }
0x2eb: {  	v39 =	vld [tilespmem:s29+$0x6EF0]  }
0x2ec: {  	v18 =	vadd.f32 v19, v18;
	v19 =	vmul.f32 v35, v34;
	_ =	sdelay $0x1  }
0x2ed: {  	v18 =	vadd.f32 v19, v18;
	v19 =	vmul.f32 v37, v36;
	_ =	sdelay $0x1  }
0x2ee: {  	v18 =	vadd.f32 v19, v18;
	v19 =	vmul.f32 v39, v38;
	_ =	sdelay $0x1  }
0x2ef: {  	v18 =	vadd.f32 v19, v18;
	_ =	sdelay $0x1  }
0x2f0: {  	[tilespmem:$0x6EE] =	vst v18  }
0x2f1: {  	v18 =	vld [tilespmem:s29+$0x2F00]  }
0x2f2: {  	v19 =	vld [tilespmem:s29+$0x6F00]  }
0x2f3: {  	v40 =	vld [tilespmem:s29+$0x2F10]  }
0x2f4: {  	v41 =	vld [tilespmem:s29+$0x6F10]  }
0x2f5: {  	v42 =	vld [tilespmem:s29+$0x2F20]  }
0x2f6: {  	v43 =	vld [tilespmem:s29+$0x6F20]  }
0x2f7: {  	v44 =	vld [tilespmem:s29+$0x2F30]  }
0x2f8: {  	v45 =	vld [tilespmem:s29+$0x6F30]  }
0x2f9: {  	v46 =	vld [tilespmem:s29+$0x2F40];
	v18 =	vmul.f32 v19, v18;
	v19 =	vmul.f32 v41, v40  }
0x2fa: {  	v47 =	vld [tilespmem:s29+$0x6F40]  }
0x2fb: {  	v48 =	vld [tilespmem:s29+$0x2F50];
	v18 =	vadd.f32 v19, v18;
	v19 =	vmul.f32 v43, v42  }
0x2fc: {  	v49 =	vld [tilespmem:s29+$0x6F50]  }
0x2fd: {  	v50 =	vld [tilespmem:s29+$0x2F60];
	v18 =	vadd.f32 v19, v18;
	v19 =	vmul.f32 v45, v44  }
0x2fe: {  	v51 =	vld [tilespmem:s29+$0x6F60]  }
0x2ff: {  	v52 =	vld [tilespmem:s29+$0x2F70];
	v18 =	vadd.f32 v19, v18;
	v19 =	vmul.f32 v47, v46  }
0x300: {  	v53 =	vld [tilespmem:s29+$0x6F70]  }
0x301: {  	v18 =	vadd.f32 v19, v18;
	v19 =	vmul.f32 v49, v48;
	_ =	sdelay $0x1  }
0x302: {  	v18 =	vadd.f32 v19, v18;
	v19 =	vmul.f32 v51, v50;
	_ =	sdelay $0x1  }
0x303: {  	v18 =	vadd.f32 v19, v18;
	v19 =	vmul.f32 v53, v52;
	_ =	sdelay $0x1  }
0x304: {  	v18 =	vadd.f32 v19, v18;
	_ =	sdelay $0x1  }
0x305: {  	[tilespmem:$0x6FF] =	vst v18  }
0x306: {  	v18 =	vld.idx.msk [tilespmem:v0+s20+$0x0], $0xffff  }
0x307: {  	v19 =	vld.idx.msk [tilespmem:v1+s20+$0x0], $0xffff;
	_ =	sdelay $0x1  }
0x308: {  	v54 =	vld.idx.msk [tilespmem:v2+s20+$0x0], $0xffff;
	_ =	sdelay $0x1  }
0x309: {  	v55 =	vld.idx.msk [tilespmem:v3+s20+$0x0], $0xffff  }
0x30a: {  	v18 =	vadd.f32 v19, v18  }
0x30b: {  	v19 =	vld.idx.msk [tilespmem:v4+s20+$0x0], $0xffff  }
0x30c: {  	v18 =	vadd.f32 v54, v18  }
0x30d: {  	v56 =	vld.idx.msk [tilespmem:v5+s20+$0x0], $0xffff  }
0x30e: {  	v18 =	vadd.f32 v55, v18  }
0x30f: {  	v57 =	vld.idx.msk [tilespmem:v6+s20+$0x0], $0xffff  }
0x310: {  	v18 =	vadd.f32 v19, v18  }
0x311: {  	v19 =	vld.idx.msk [tilespmem:v7+s20+$0x0], $0xffff  }
0x312: {  	v18 =	vadd.f32 v56, v18  }
0x313: {  	v58 =	vld.idx.msk [tilespmem:v8+s20+$0x0], $0xffff  }
0x314: {  	v18 =	vadd.f32 v57, v18  }
0x315: {  	v59 =	vld.idx.msk [tilespmem:v9+s20+$0x0], $0xffff  }
0x316: {  	v18 =	vadd.f32 v19, v18  }
0x317: {  	v19 =	vld.idx.msk [tilespmem:v10+s20+$0x0], $0xffff  }
0x318: {  	v18 =	vadd.f32 v58, v18  }
0x319: {  	v60 =	vld.idx.msk [tilespmem:v11+s20+$0x0], $0xffff  }
0x31a: {  	v18 =	vadd.f32 v59, v18  }
0x31b: {  	v61 =	vld.idx.msk [tilespmem:v12+s20+$0x0], $0xffff  }
0x31c: {  	v18 =	vadd.f32 v19, v18  }
0x31d: {  	v19 =	vld.idx.msk [tilespmem:v13+s20+$0x0], $0xffff  }
0x31e: {  	v18 =	vadd.f32 v60, v18  }
0x31f: {  	v62 =	vld.idx.msk [tilespmem:v14+s20+$0x0], $0xffff  }
0x320: {  	v18 =	vadd.f32 v61, v18  }
0x321: {  	v63 =	vld.idx.msk [tilespmem:v15+s20+$0x0], $0xffff  }
0x322: {  	v18 =	vadd.f32 v19, v18;
	_ =	sdelay $0x1  }
0x323: {  	v18 =	vadd.f32 v62, v18  }
0x324: {  	p1 =	sne.s32 s28, $0x3  }
.Ltmp3:
0x325: {  	v18 =	vadd.f32 v63, v18;
	(pc) =	sbr.rel @p1 .LBB2_5-.Ltmp3, $4  }
0x326: {  	_ = 	snop  }
0x327: {  	s0 =	sshll.u32 s28, $0x4;
	v18 =	vadd.f32 v18, v16  }
0x328: {  	s0 =	sand.u32 $0x3FFFFFF0, s0  }
0x329: {  	s28 =	sadd.s32 $0x1, s28;
	[tilespmem:v17+s0+$0x0 ss:$0x1] =	vst.idx.msk $0xffff, v18  }
.Ltmp4:
0x32a: {  	(pc) =	sbr.rel @p0 .LBB2_8-.Ltmp4, $1  }
0x32b: {  	_ =	sdelay $0x3  }
.Ltmp5:
0x32c: {  	(pc) =	sbr.rel .LBB2_2-.Ltmp5, $4  }
0x32d: {  	s0 =	sadd.s32 $0xC0, s26  }
0x32e: {  	[tilespmem:s16], [sflag:$0x2] =	stream.indirect.gather [hbm4b:s1+s13], $0x80, s0, s13, $0xb8;
	[tilespmem:$0x8800] =	vst v63  }
0x32f: {  	s31 =	sadd.s32 $0x2C0, s26;
	s25 =	sadd.s32 $0x1, s25  }
0x330: {  	[tilespmem:s18], [sflag:$0x2] =	stream.indirect.gather [hbm4b:s2+s13], $0x80, s31, s13, $0xb8;
	[tilespmem:$0x8800] =	vst v63  }
.LBB2_9:
0x331: {  	_ =	sfence.sel $0x180000  }
0x332: {  	[bflag:$0x0] =	sbarrier.arrive $0xFFFF  }
0x333: {  	_ =	strace $0x90000047  }
0x334: {  	[bflag:$0x2] =	sbarrier.arrive $0xFFFF  }
0x335: {  	p0 =	sne.s32 s4, $0x0;
	s0 =	rddreg [dreg:$0x6]  }
0x336: {  	s0 =	sadd.s32 @!p0 $0x100000, s0  }
0x337: {  	[sflag:s0] =	ssyncadd.tile.s32 @!p0 $0x1;
	_ =	shalt  }
.Lfunc_end2:
_tile_overlayer_lowered:
.L_overlay_start_2:
0x338: {  	(tag) =	ssettag $0x2  }
0x339: {  	s0 =	rddreg [dreg:$0x0];
	s2 =	stileid.u32  }
0x33a: {  	s1 =	rddreg [dreg:$0x1];
	p0 =	sne.s32 s2, $0x0  }
0x33b: {  	s3 =	rddreg [dreg:$0x2];
	[bflag:$0x3] =	sbarrier.arrive $0xFFFF;
	s2 =	simm.s32 @!p0 $0x1C04  }
0x33c: {  	[timem:s3], [sflag:s2] =	dma.local @!p0 [hbm:s0], s1  }
0x33d: {  	s0 =	simm.s32 @!p0 $0x4  }
0x33e: {  	_ =	swait.ge @!p0 [sflag:s0], s1  }
0x33f: {  	s1 =	ssub.s32 @!p0 $0x0, s1;
	[sflag:s0] =	ssyncset.done @!p0 $0x0  }
0x340: {  	[sflag:s0] =	ssyncadd.s32 @!p0 s1  }
0x341: {  	[bflag:$0x3] =	sbarrier.arrive $0xFFFF  }
0x342: {  	_ =	shalt  }

</sc_bundles>
